<compile_context>
chip_gen: v7x
topology: tpu7x:2x2x1
jax: 0.10.2.dev20260603
libtpu: 0.0.44.dev20260713+nightly
codegen_flags: <defaults>
</compile_context>

<pallas_src>
import jax
import jax.numpy as jnp
from jax import lax
from jax.experimental import pallas as pl
from jax.experimental.pallas import tpu as pltpu
from jax.experimental.pallas import tpu_sc as plsc

NUM_PAGES = 32768
TOKENS_PER_PAGE = 64
SLOTS = 64
MAX_PAGES_PER_SLOT = 512

NC = 2
NS = 16
L = 16
CHUNK = NUM_PAGES // NS
NVREG = CHUNK // L
PM_ROWS = SLOTS // NS
SLOT_VREGS = SLOTS // L
SB_VREGS = 16
NSB = NVREG // SB_VREGS
PROW = SLOTS + L
SHROWS = 128

_mesh = plsc.VectorSubcoreMesh(
    core_axis_name="c", subcore_axis_name="s", num_cores=NC, num_subcores=NS)

_out_type = (
    jax.ShapeDtypeStruct((NUM_PAGES,), jnp.int32),
    jax.ShapeDtypeStruct((SLOTS, MAX_PAGES_PER_SLOT), jnp.int32),
    jax.ShapeDtypeStruct((SLOTS,), jnp.int32),
    jax.ShapeDtypeStruct((SLOTS,), jnp.int32),
    jax.ShapeDtypeStruct((SLOTS,), jnp.int32),
    jax.ShapeDtypeStruct((SLOTS,), jnp.int32),
)

_scratch = [
    pltpu.VMEM((CHUNK,), jnp.int32),
    pltpu.VMEM((PM_ROWS, MAX_PAGES_PER_SLOT), jnp.int32),
    pltpu.VMEM((PROW,), jnp.int32),
    pltpu.VMEM((NS, PROW), jnp.int32),
    pltpu.VMEM((L,), jnp.int32),
    pltpu.VMEM((L,), jnp.int32),
    pltpu.VMEM((SLOTS,), jnp.int32),
    pltpu.VMEM((SLOTS,), jnp.int32),
    pltpu.VMEM((SLOTS,), jnp.int32),
    pltpu.VMEM((SLOTS,), jnp.int32),
    pltpu.VMEM((SLOTS,), jnp.int32),
    pltpu.VMEM((SLOTS,), jnp.int32),
    pltpu.VMEM((SLOTS,), jnp.int32),
    pltpu.VMEM((SLOTS,), jnp.int32),
    pltpu.VMEM((SLOTS,), jnp.int32),
    pltpu.VMEM((SLOTS,), jnp.int32),
    pltpu.SMEM((1,), jnp.int32),
    pltpu.SemaphoreType.DMA,
    pltpu.VMEM_SHARED((SHROWS, PROW), jnp.int32),
]


def _body(ps_hbm, pm_hbm, seq_hbm, npu_hbm, cp_hbm, cpp_hbm,
          ps_out, pm_out, nseq_out, nnpu_out, ncp_out, ncpp_out,
          chunk_v, pmbuf_v, pos_v, posall_v, rexcl_v, rincl_v, claim_v,
          seqb_v, npub_v, cpb_v, cslot_v, nslot_v,
          oseq_v, onpu_v, ocp_v, ocpp_v,
          cnt_smem, dma_sem, shared_pos):
    del cpp_hbm
    c = lax.axis_index("c")
    s = lax.axis_index("s")
    lanes = lax.iota(jnp.int32, L)
    zero16 = jnp.zeros((L,), jnp.int32)
    one16 = jnp.full((L,), 1, jnp.int32)
    base = s * CHUNK

    cps = pltpu.async_copy(ps_hbm.at[pl.ds(base, CHUNK)], chunk_v, dma_sem)
    csq = pltpu.async_copy(seq_hbm, seqb_v, dma_sem)
    cnp = pltpu.async_copy(npu_hbm, npub_v, dma_sem)
    ccp = pltpu.async_copy(cp_hbm, cpb_v, dma_sem)
    cpm = pltpu.async_copy(
        pm_hbm.at[pl.ds(s * PM_ROWS, PM_ROWS)], pmbuf_v, dma_sem)
    cps.wait()
    csq.wait()
    cnp.wait()
    ccp.wait()
    cpm.wait()

    anyneeds = jnp.zeros((L,), jnp.bool_)
    for k in range(SLOT_VREGS):
        off = k * L
        sq = seqb_v[pl.ds(off, L)]
        np_ = npub_v[pl.ds(off, L)]
        cp_ = cpb_v[pl.ds(off, L)]
        nsq = sq + jnp.where(cp_ == -1, 0, 1).astype(jnp.int32)
        nnp = (nsq + (TOKENS_PER_PAGE - 1)) // TOKENS_PER_PAGE
        anyneeds = jnp.logical_or(anyneeds, nnp > np_)
    kpc = plsc.all_reduce_population_count(anyneeds)
    has_work = kpc[0] > 0

    cnt_smem[0] = jnp.int32(0)

    def _sb(b, carry):
        cnt0 = cnt_smem[0]

        @pl.when(cnt0 < SLOTS)
        def _():
            cnt = cnt0
            for u in range(SB_VREGS):
                off = b * (SB_VREGS * L) + u * L
                v = chunk_v[pl.ds(off, L)]
                gidx = base + off + lanes
                m = jnp.logical_and(v == 0, gidx >= 1)
                pc = plsc.all_reduce_population_count(m)
                plsc.store_compressed(
                    pos_v.at[pl.ds(jnp.minimum(cnt, SLOTS), L)], gidx, mask=m)
                cnt = cnt + pc[0]
            cnt_smem[0] = cnt

        return carry

    @pl.when(has_work)
    def _():
        lax.fori_loop(0, NSB, _sb, jnp.int32(0))
        cnt = cnt_smem[0]

        pos_v[pl.ds(SLOTS, L)] = jnp.broadcast_to(cnt, (L,))
        pltpu.sync_copy(pos_v, shared_pos.at[s])

        plsc.subcore_barrier()

        pltpu.sync_copy(shared_pos.at[pl.ds(0, NS)], posall_v)
        cnts16 = plsc.load_gather(
            posall_v, [lanes, jnp.full((L,), SLOTS, jnp.int32)])
        rincl = plsc.cumsum(cnts16)
        rexcl_v[...] = rincl - cnts16
        rincl_v[...] = rincl
        total16 = plsc.load_gather(rincl_v, [jnp.full((L,), NS - 1, jnp.int32)])

        for kg in range(SLOT_VREGS):
            rg = kg * L + lanes
            tsel = zero16
            rsel = zero16
            for t in range(NS):
                rt = plsc.load_gather(rexcl_v, [jnp.full((L,), t, jnp.int32)])
                cond = rt <= rg
                tsel = jnp.where(cond, jnp.full((L,), t, jnp.int32), tsel)
                rsel = jnp.where(cond, rt, rsel)
            local = jnp.clip(rg - rsel, 0, SLOTS - 1)
            validg = rg < total16
            pg = plsc.load_gather(posall_v, [tsel, local], mask=validg)
            claim_v[pl.ds(kg * L, L)] = jnp.where(validg, pg, 0)

        plsc.subcore_barrier()

    rank0 = jnp.int32(0)
    claims = []
    for k in range(SLOT_VREGS):
        off = k * L
        sq = seqb_v[pl.ds(off, L)]
        np_ = npub_v[pl.ds(off, L)]
        cp_ = cpb_v[pl.ds(off, L)]
        nsq = sq + jnp.where(cp_ == -1, 0, 1).astype(jnp.int32)
        nnp = (nsq + (TOKENS_PER_PAGE - 1)) // TOKENS_PER_PAGE
        ncpp = jnp.where(nsq == 0, 0, (nsq - 1) % TOKENS_PER_PAGE)
        needs = nnp > np_
        n32 = jnp.where(needs, 1, 0).astype(jnp.int32)
        csg = plsc.cumsum(n32)
        grank = rank0 + csg - 1
        rank0 = rank0 + jnp.sum(n32)
        rclip = jnp.clip(grank, 0, SLOTS - 1)
        page = plsc.load_gather(claim_v, [rclip], mask=needs)
        page = jnp.where(needs, page, 0)
        ncp = jnp.where(needs, page, cp_)
        oseq_v[pl.ds(off, L)] = nsq
        onpu_v[pl.ds(off, L)] = nnp
        ocp_v[pl.ds(off, L)] = ncp
        ocpp_v[pl.ds(off, L)] = ncpp
        cslot_v[pl.ds(off, L)] = page
        nslot_v[pl.ds(off, L)] = n32
        claims.append(jnp.where(needs, page, -1))

    @pl.when(c == 0)
    def _():
        for k in range(SLOT_VREGS):
            p = claims[k]
            m = jnp.logical_and(p >= base, p < base + CHUNK)
            local = jnp.clip(p - base, 0, CHUNK - 1)
            plsc.store_scatter(chunk_v, [local], one16, mask=m)
        pltpu.sync_copy(chunk_v, ps_out.at[pl.ds(base, CHUNK)])

    @pl.when(jnp.logical_and(c == 0, s == 1))
    def _():
        pltpu.sync_copy(oseq_v, nseq_out)

    @pl.when(jnp.logical_and(c == 0, s == 2))
    def _():
        pltpu.sync_copy(onpu_v, nnpu_out)

    @pl.when(jnp.logical_and(c == 1, s == 1))
    def _():
        pltpu.sync_copy(ocp_v, ncp_out)

    @pl.when(jnp.logical_and(c == 1, s == 2))
    def _():
        pltpu.sync_copy(ocpp_v, ncpp_out)

    @pl.when(c == 1)
    def _():
        row4 = jnp.clip(s * PM_ROWS + lanes, 0, SLOTS - 1)
        m4 = lanes < PM_ROWS
        need4 = plsc.load_gather(nslot_v, [row4], mask=m4)
        page4 = plsc.load_gather(cslot_v, [row4], mask=m4)
        npu4 = plsc.load_gather(npub_v, [row4], mask=m4)
        wm = jnp.logical_and(m4, need4 == 1)
        plsc.store_scatter(
            pmbuf_v,
            [jnp.minimum(lanes, PM_ROWS - 1),
             jnp.clip(npu4, 0, MAX_PAGES_PER_SLOT - 1)],
            page4, mask=wm)
        pltpu.sync_copy(pmbuf_v, pm_out.at[pl.ds(s * PM_ROWS, PM_ROWS)])


_paged = pl.kernel(
    _body, out_type=_out_type, mesh=_mesh, scratch_types=_scratch,
    compiler_params=pltpu.CompilerParams(needs_layout_passes=False),
    name="page_manager_sc")


def kernel(page_status, page_map, sequence_lengths, num_pages_used,
           current_page, current_page_position):
    return _paged(page_status, page_map, sequence_lengths, num_pages_used,
                  current_page, current_page_position)

# --- scband reference (transcript-rebuilt; emitter-appended) ---
"""Pipeline reference for scband-page-manager-75445395521780 (READ-ONLY COPY).

The authoritative reference and input builder live on the scoring server;
editing this copy changes nothing except your own understanding.
"""

import jax, jax.numpy as jnp
import numpy as np

NUM_PAGES = 32768
TOKENS_PER_PAGE = 64
SLOTS = 64
MAX_PAGES_PER_SLOT = 512


def setup_inputs(seed: int = 0) -> dict:
    key = jax.random.key(seed)
    k0, k1, k2, k3 = jax.random.split(key, 4)
    page_status = jax.random.randint(k0, (NUM_PAGES,), 0, 2, dtype=jnp.int32)
    page_map = jax.random.randint(k1, (SLOTS, MAX_PAGES_PER_SLOT), 0, NUM_PAGES, dtype=jnp.int32)
    sequence_lengths = jax.random.randint(k2, (SLOTS,), 1, TOKENS_PER_PAGE * (MAX_PAGES_PER_SLOT - 1), dtype=jnp.int32)
    num_pages_used = ((sequence_lengths + TOKENS_PER_PAGE - 1) // TOKENS_PER_PAGE).astype(jnp.int32)
    current_page = jax.random.randint(k3, (SLOTS,), 1, NUM_PAGES, dtype=jnp.int32)
    current_page_position = jnp.where(sequence_lengths == 0, 0, (sequence_lengths - 1) % TOKENS_PER_PAGE).astype(jnp.int32)
    return {'page_status': page_status, 'page_map': page_map, 'sequence_lengths': sequence_lengths, 'num_pages_used': num_pages_used, 'current_page': current_page, 'current_page_position': current_page_position}


def find_next_free_page(page_status):
    free_pages = jnp.where(page_status[1:] == 0, size=1, fill_value=-1)[0] + 1
    return free_pages[0]


def reference(page_status, page_map, sequence_lengths, num_pages_used, current_page, current_page_position):
    # PageManager.__call__ with model_mode=MODEL_MODE_AUTOREGRESSIVE -> reserve_decode_step_pages()
    new_sequence_lengths = (sequence_lengths + jnp.where(current_page == -1, 0, 1)).astype(jnp.int32)
    new_num_pages_used = ((new_sequence_lengths + TOKENS_PER_PAGE - 1) // TOKENS_PER_PAGE).astype(jnp.int32)
    new_current_page_position = jnp.where(new_sequence_lengths == 0, 0, (new_sequence_lengths - 1) % TOKENS_PER_PAGE).astype(jnp.int32)

    def _reserve_single_slot(i, carry):
        ps, pm, cp, npu = carry
        needs_new_page = new_num_pages_used[i] > npu[i]
        next_free_page = jax.lax.cond(needs_new_page, lambda _: find_next_free_page(ps), lambda _: jnp.int32(-1), operand=None)
        ps = jax.lax.cond(needs_new_page, lambda x: x.at[next_free_page].set(1), lambda x: x, ps)
        pm = jax.lax.cond(needs_new_page, lambda x: x.at[i, npu[i]].set(next_free_page), lambda x: x, pm)
        cp = jax.lax.cond(needs_new_page, lambda x: x.at[i].set(next_free_page), lambda x: x, cp)
        return (ps, pm, cp, npu)

    page_status, page_map, current_page, _ = jax.lax.fori_loop(0, SLOTS, _reserve_single_slot, (page_status, page_map, current_page, num_pages_used))
    # Returned PageState fields
    return (page_status, page_map, new_sequence_lengths, new_num_pages_used, current_page, new_current_page_position)

if __name__ == "__main__":
    import jax
    _d = setup_inputs()
    print(jax.jit(kernel)(*tuple(_d.values())))

</pallas_src>

<mosaic_0001>
#map = affine_map<(d0, d1) -> (0)>
#map1 = affine_map<(d0, d1) -> (0, 0)>
module attributes {stable_mosaic.version = 14 : i64} {
  func.func @page_manager_sc(%arg0: i32, %arg1: i32, %arg2: memref<32768xi32, #tpu.memory_space<hbm>>, %arg3: memref<64x512xi32, #tpu.memory_space<hbm>>, %arg4: memref<64xi32, #tpu.memory_space<hbm>>, %arg5: memref<64xi32, #tpu.memory_space<hbm>>, %arg6: memref<64xi32, #tpu.memory_space<hbm>>, %arg7: memref<64xi32, #tpu.memory_space<hbm>>, %arg8: memref<32768xi32, #tpu.memory_space<hbm>>, %arg9: memref<64x512xi32, #tpu.memory_space<hbm>>, %arg10: memref<64xi32, #tpu.memory_space<hbm>>, %arg11: memref<64xi32, #tpu.memory_space<hbm>>, %arg12: memref<64xi32, #tpu.memory_space<hbm>>, %arg13: memref<64xi32, #tpu.memory_space<hbm>>, %arg14: memref<2048xi32, #tpu.memory_space<vmem>>, %arg15: memref<4x512xi32, #tpu.memory_space<vmem>>, %arg16: memref<80xi32, #tpu.memory_space<vmem>>, %arg17: memref<16x80xi32, #tpu.memory_space<vmem>>, %arg18: memref<16xi32, #tpu.memory_space<vmem>>, %arg19: memref<16xi32, #tpu.memory_space<vmem>>, %arg20: memref<64xi32, #tpu.memory_space<vmem>>, %arg21: memref<64xi32, #tpu.memory_space<vmem>>, %arg22: memref<64xi32, #tpu.memory_space<vmem>>, %arg23: memref<64xi32, #tpu.memory_space<vmem>>, %arg24: memref<64xi32, #tpu.memory_space<vmem>>, %arg25: memref<64xi32, #tpu.memory_space<vmem>>, %arg26: memref<64xi32, #tpu.memory_space<vmem>>, %arg27: memref<64xi32, #tpu.memory_space<vmem>>, %arg28: memref<64xi32, #tpu.memory_space<vmem>>, %arg29: memref<64xi32, #tpu.memory_space<vmem>>, %arg30: memref<1xi32, #tpu.memory_space<smem>>, %arg31: memref<!tpu.dma_semaphore, #tpu.memory_space<semaphore_mem>>, %arg32: memref<128x80xi32, #tpu.memory_space<vmem_shared>>) attributes {dimension_semantics = [#tpu.dimension_semantics<core_parallel>, #tpu.dimension_semantics<subcore_parallel>], iteration_bounds = array<i64: 2, 16>, scalar_prefetch = 0 : i64, scratch_operands = 19 : i64, tpu.core_type = #tpu.core_type<sc_vector_subcore>, window_params = [{transform_indices = #map}, {transform_indices = #map1}, {transform_indices = #map}, {transform_indices = #map}, {transform_indices = #map}, {transform_indices = #map}, {transform_indices = #map}, {transform_indices = #map1}, {transform_indices = #map}, {transform_indices = #map}, {transform_indices = #map}, {transform_indices = #map}]} {
    %iota3A = tpu.iota {dimensions = array<i32: 0>} : vector<16xi32>
    %broadcast_in_dim3A = arith.constant 0 : i32
    %broadcast_in_dim3A_0 = vector.broadcast %broadcast_in_dim3A : i32 to vector<16xi32>
    %broadcast_in_dim3A_1 = arith.constant 1 : i32
    %broadcast_in_dim3A_2 = vector.broadcast %broadcast_in_dim3A_1 : i32 to vector<16xi32>
    %mul3A = arith.constant 2048 : i32
    %mul3A_3 = arith.muli %arg1, %mul3A : i32
    %dma_start3A = tpu.memref_slice %arg2[%mul3A_3] : memref<32768xi32, #tpu.memory_space<hbm>> -> memref<2048xi32, #tpu.memory_space<hbm>>
    %dma_start3A_4 = tpu.memref_slice %arg2[%mul3A_3] : memref<32768xi32, #tpu.memory_space<hbm>> -> memref<2048xi32, #tpu.memory_space<hbm>>
    tpu.enqueue_dma source(%dma_start3A_4 : memref<2048xi32, #tpu.memory_space<hbm>>) target(%arg14 : memref<2048xi32, #tpu.memory_space<vmem>>) target_semaphore(%arg31 : memref<!tpu.dma_semaphore, #tpu.memory_space<semaphore_mem>>)
    tpu.enqueue_dma source(%arg4 : memref<64xi32, #tpu.memory_space<hbm>>) target(%arg21 : memref<64xi32, #tpu.memory_space<vmem>>) target_semaphore(%arg31 : memref<!tpu.dma_semaphore, #tpu.memory_space<semaphore_mem>>)
    tpu.enqueue_dma source(%arg5 : memref<64xi32, #tpu.memory_space<hbm>>) target(%arg22 : memref<64xi32, #tpu.memory_space<vmem>>) target_semaphore(%arg31 : memref<!tpu.dma_semaphore, #tpu.memory_space<semaphore_mem>>)
    tpu.enqueue_dma source(%arg6 : memref<64xi32, #tpu.memory_space<hbm>>) target(%arg23 : memref<64xi32, #tpu.memory_space<vmem>>) target_semaphore(%arg31 : memref<!tpu.dma_semaphore, #tpu.memory_space<semaphore_mem>>)
    %mul3A_5 = arith.constant 4 : i32
    %mul3A_6 = arith.muli %arg1, %mul3A_5 : i32
    %dma_start3A_7 = arith.constant 0 : i32
    %dma_start3A_8 = tpu.memref_slice %arg3[%mul3A_6, %dma_start3A_7] : memref<64x512xi32, #tpu.memory_space<hbm>> -> memref<4x512xi32, #tpu.memory_space<hbm>>
    %dma_start3A_9 = arith.constant 0 : i32
    %dma_start3A_10 = tpu.memref_slice %arg3[%mul3A_6, %dma_start3A_9] : memref<64x512xi32, #tpu.memory_space<hbm>> -> memref<4x512xi32, #tpu.memory_space<hbm>>
    tpu.enqueue_dma source(%dma_start3A_10 : memref<4x512xi32, #tpu.memory_space<hbm>>) target(%arg15 : memref<4x512xi32, #tpu.memory_space<vmem>>) target_semaphore(%arg31 : memref<!tpu.dma_semaphore, #tpu.memory_space<semaphore_mem>>)
    %dma_wait3A = tpu.memref_slice %arg2[%mul3A_3] : memref<32768xi32, #tpu.memory_space<hbm>> -> memref<2048xi32, #tpu.memory_space<hbm>>
    %dma_wait3A_11 = tpu.memref_slice %arg2[%mul3A_3] : memref<32768xi32, #tpu.memory_space<hbm>> -> memref<2048xi32, #tpu.memory_space<hbm>>
    tpu.wait_dma2 semaphore(%arg31 : memref<!tpu.dma_semaphore, #tpu.memory_space<semaphore_mem>>) src(%dma_wait3A_11 : memref<2048xi32, #tpu.memory_space<hbm>>) dst(%arg14 : memref<2048xi32, #tpu.memory_space<vmem>>)
    tpu.wait_dma2 semaphore(%arg31 : memref<!tpu.dma_semaphore, #tpu.memory_space<semaphore_mem>>) src(%arg4 : memref<64xi32, #tpu.memory_space<hbm>>) dst(%arg21 : memref<64xi32, #tpu.memory_space<vmem>>)
    tpu.wait_dma2 semaphore(%arg31 : memref<!tpu.dma_semaphore, #tpu.memory_space<semaphore_mem>>) src(%arg5 : memref<64xi32, #tpu.memory_space<hbm>>) dst(%arg22 : memref<64xi32, #tpu.memory_space<vmem>>)
    tpu.wait_dma2 semaphore(%arg31 : memref<!tpu.dma_semaphore, #tpu.memory_space<semaphore_mem>>) src(%arg6 : memref<64xi32, #tpu.memory_space<hbm>>) dst(%arg23 : memref<64xi32, #tpu.memory_space<vmem>>)
    %dma_wait3A_12 = arith.constant 0 : i32
    %dma_wait3A_13 = tpu.memref_slice %arg3[%mul3A_6, %dma_wait3A_12] : memref<64x512xi32, #tpu.memory_space<hbm>> -> memref<4x512xi32, #tpu.memory_space<hbm>>
    %dma_wait3A_14 = arith.constant 0 : i32
    %dma_wait3A_15 = tpu.memref_slice %arg3[%mul3A_6, %dma_wait3A_14] : memref<64x512xi32, #tpu.memory_space<hbm>> -> memref<4x512xi32, #tpu.memory_space<hbm>>
    tpu.wait_dma2 semaphore(%arg31 : memref<!tpu.dma_semaphore, #tpu.memory_space<semaphore_mem>>) src(%dma_wait3A_15 : memref<4x512xi32, #tpu.memory_space<hbm>>) dst(%arg15 : memref<4x512xi32, #tpu.memory_space<vmem>>)
    %broadcast_in_dim3A_16 = arith.constant false
    %broadcast_in_dim3A_17 = vector.broadcast %broadcast_in_dim3A_16 : i1 to vector<16xi1>
    %get3A = arith.constant 0 : index
    %get3A_18 = tpu.vector_load %arg21[%get3A] {strides = array<i32>} : memref<64xi32, #tpu.memory_space<vmem>>, vector<16xi32>,
    %get3A_19 = arith.constant 0 : index
    %get3A_20 = tpu.vector_load %arg22[%get3A_19] {strides = array<i32>} : memref<64xi32, #tpu.memory_space<vmem>>, vector<16xi32>,
    %get3A_21 = arith.constant 0 : index
    %get3A_22 = tpu.vector_load %arg23[%get3A_21] {strides = array<i32>} : memref<64xi32, #tpu.memory_space<vmem>>, vector<16xi32>,
    %eq3A = arith.constant -1 : i32
    %eq3A_23 = vector.broadcast %eq3A : i32 to vector<16xi32>
    %eq3A_24 = arith.cmpi eq, %get3A_22, %eq3A_23 : vector<16xi32>
    %jit3A = arith.constant 0 : i32
    %jit3A_25 = arith.constant 1 : i32
    %broadcast_in_dim3A_26 = vector.broadcast %jit3A : i32 to vector<16xi32>
    %broadcast_in_dim3A_27 = vector.broadcast %jit3A_25 : i32 to vector<16xi32>
    %select_n3A = arith.select %eq3A_24, %broadcast_in_dim3A_26, %broadcast_in_dim3A_27 : vector<16xi1>, vector<16xi32>
    %add3A = arith.addi %get3A_18, %select_n3A : vector<16xi32>
    %add3A_28 = arith.constant 63 : i32
    %add3A_29 = vector.broadcast %add3A_28 : i32 to vector<16xi32>
    %add3A_30 = arith.addi %add3A, %add3A_29 : vector<16xi32>
    %jit3A_31 = arith.constant 64 : i32
    %div3A = vector.broadcast %jit3A_31 : i32 to vector<16xi32>
    %div3A_32 = arith.divsi %add3A_30, %div3A : vector<16xi32>
    %sign3A = arith.constant 0 : i32
    %sign3A_33 = vector.broadcast %sign3A : i32 to vector<16xi32>
    %sign3A_34 = arith.cmpi sgt, %add3A_30, %sign3A_33 : vector<16xi32>
    %sign3A_35 = arith.extui %sign3A_34 : vector<16xi1> to vector<16xi32>
    %sign3A_36 = arith.constant 0 : i32
    %sign3A_37 = vector.broadcast %sign3A_36 : i32 to vector<16xi32>
    %sign3A_38 = arith.cmpi slt, %add3A_30, %sign3A_37 : vector<16xi32>
    %sign3A_39 = arith.extui %sign3A_38 : vector<16xi1> to vector<16xi32>
    %sign3A_40 = arith.subi %sign3A_35, %sign3A_39 : vector<16xi32>
    %sign3A_41 = arith.constant 0 : i32
    %sign3A_42 = arith.cmpi sgt, %jit3A_31, %sign3A_41 : i32
    %sign3A_43 = arith.extui %sign3A_42 : i1 to i32
    %sign3A_44 = arith.constant 0 : i32
    %sign3A_45 = arith.cmpi slt, %jit3A_31, %sign3A_44 : i32
    %sign3A_46 = arith.extui %sign3A_45 : i1 to i32
    %sign3A_47 = arith.subi %sign3A_43, %sign3A_46 : i32
    %ne3A = vector.broadcast %sign3A_47 : i32 to vector<16xi32>
    %ne3A_48 = arith.cmpi ne, %sign3A_40, %ne3A : vector<16xi32>
    %rem3A = vector.broadcast %jit3A_31 : i32 to vector<16xi32>
    %rem3A_49 = arith.remsi %add3A_30, %rem3A : vector<16xi32>
    %ne3A_50 = arith.constant 0 : i32
    %ne3A_51 = vector.broadcast %ne3A_50 : i32 to vector<16xi32>
    %ne3A_52 = arith.cmpi ne, %rem3A_49, %ne3A_51 : vector<16xi32>
    %and3A = arith.andi %ne3A_48, %ne3A_52 : vector<16xi1>
    %sub3A = arith.constant 1 : i32
    %sub3A_53 = vector.broadcast %sub3A : i32 to vector<16xi32>
    %sub3A_54 = arith.subi %div3A_32, %sub3A_53 : vector<16xi32>
    %select_n3A_55 = arith.select %and3A, %sub3A_54, %div3A_32 : vector<16xi1>, vector<16xi32>
    %gt3A = arith.cmpi sgt, %select_n3A_55, %get3A_20 : vector<16xi32>
    %or3A = arith.ori %broadcast_in_dim3A_17, %gt3A : vector<16xi1>
    %get3A_56 = arith.constant 16 : index
    %get3A_57 = tpu.vector_load %arg21[%get3A_56] {strides = array<i32>} : memref<64xi32, #tpu.memory_space<vmem>>, vector<16xi32>,
    %get3A_58 = arith.constant 16 : index
    %get3A_59 = tpu.vector_load %arg22[%get3A_58] {strides = array<i32>} : memref<64xi32, #tpu.memory_space<vmem>>, vector<16xi32>,
    %get3A_60 = arith.constant 16 : index
    %get3A_61 = tpu.vector_load %arg23[%get3A_60] {strides = array<i32>} : memref<64xi32, #tpu.memory_space<vmem>>, vector<16xi32>,
    %eq3A_62 = arith.constant -1 : i32
    %eq3A_63 = vector.broadcast %eq3A_62 : i32 to vector<16xi32>
    %eq3A_64 = arith.cmpi eq, %get3A_61, %eq3A_63 : vector<16xi32>
    %jit3A_65 = arith.constant 0 : i32
    %jit3A_66 = arith.constant 1 : i32
    %broadcast_in_dim3A_67 = vector.broadcast %jit3A_65 : i32 to vector<16xi32>
    %broadcast_in_dim3A_68 = vector.broadcast %jit3A_66 : i32 to vector<16xi32>
    %select_n3A_69 = arith.select %eq3A_64, %broadcast_in_dim3A_67, %broadcast_in_dim3A_68 : vector<16xi1>, vector<16xi32>
    %add3A_70 = arith.addi %get3A_57, %select_n3A_69 : vector<16xi32>
    %add3A_71 = arith.constant 63 : i32
    %add3A_72 = vector.broadcast %add3A_71 : i32 to vector<16xi32>
    %add3A_73 = arith.addi %add3A_70, %add3A_72 : vector<16xi32>
    %jit3A_74 = arith.constant 64 : i32
    %div3A_75 = vector.broadcast %jit3A_74 : i32 to vector<16xi32>
    %div3A_76 = arith.divsi %add3A_73, %div3A_75 : vector<16xi32>
    %sign3A_77 = arith.constant 0 : i32
    %sign3A_78 = vector.broadcast %sign3A_77 : i32 to vector<16xi32>
    %sign3A_79 = arith.cmpi sgt, %add3A_73, %sign3A_78 : vector<16xi32>
    %sign3A_80 = arith.extui %sign3A_79 : vector<16xi1> to vector<16xi32>
    %sign3A_81 = arith.constant 0 : i32
    %sign3A_82 = vector.broadcast %sign3A_81 : i32 to vector<16xi32>
    %sign3A_83 = arith.cmpi slt, %add3A_73, %sign3A_82 : vector<16xi32>
    %sign3A_84 = arith.extui %sign3A_83 : vector<16xi1> to vector<16xi32>
    %sign3A_85 = arith.subi %sign3A_80, %sign3A_84 : vector<16xi32>
    %sign3A_86 = arith.constant 0 : i32
    %sign3A_87 = arith.cmpi sgt, %jit3A_74, %sign3A_86 : i32
    %sign3A_88 = arith.extui %sign3A_87 : i1 to i32
    %sign3A_89 = arith.constant 0 : i32
    %sign3A_90 = arith.cmpi slt, %jit3A_74, %sign3A_89 : i32
    %sign3A_91 = arith.extui %sign3A_90 : i1 to i32
    %sign3A_92 = arith.subi %sign3A_88, %sign3A_91 : i32
    %ne3A_93 = vector.broadcast %sign3A_92 : i32 to vector<16xi32>
    %ne3A_94 = arith.cmpi ne, %sign3A_85, %ne3A_93 : vector<16xi32>
    %rem3A_95 = vector.broadcast %jit3A_74 : i32 to vector<16xi32>
    %rem3A_96 = arith.remsi %add3A_73, %rem3A_95 : vector<16xi32>
    %ne3A_97 = arith.constant 0 : i32
    %ne3A_98 = vector.broadcast %ne3A_97 : i32 to vector<16xi32>
    %ne3A_99 = arith.cmpi ne, %rem3A_96, %ne3A_98 : vector<16xi32>
    %and3A_100 = arith.andi %ne3A_94, %ne3A_99 : vector<16xi1>
    %sub3A_101 = arith.constant 1 : i32
    %sub3A_102 = vector.broadcast %sub3A_101 : i32 to vector<16xi32>
    %sub3A_103 = arith.subi %div3A_76, %sub3A_102 : vector<16xi32>
    %select_n3A_104 = arith.select %and3A_100, %sub3A_103, %div3A_76 : vector<16xi1>, vector<16xi32>
    %gt3A_105 = arith.cmpi sgt, %select_n3A_104, %get3A_59 : vector<16xi32>
    %or3A_106 = arith.ori %or3A, %gt3A_105 : vector<16xi1>
    %get3A_107 = arith.constant 32 : index
    %get3A_108 = tpu.vector_load %arg21[%get3A_107] {strides = array<i32>} : memref<64xi32, #tpu.memory_space<vmem>>, vector<16xi32>,
    %get3A_109 = arith.constant 32 : index
    %get3A_110 = tpu.vector_load %arg22[%get3A_109] {strides = array<i32>} : memref<64xi32, #tpu.memory_space<vmem>>, vector<16xi32>,
    %get3A_111 = arith.constant 32 : index
    %get3A_112 = tpu.vector_load %arg23[%get3A_111] {strides = array<i32>} : memref<64xi32, #tpu.memory_space<vmem>>, vector<16xi32>,
    %eq3A_113 = arith.constant -1 : i32
    %eq3A_114 = vector.broadcast %eq3A_113 : i32 to vector<16xi32>
    %eq3A_115 = arith.cmpi eq, %get3A_112, %eq3A_114 : vector<16xi32>
    %jit3A_116 = arith.constant 0 : i32
    %jit3A_117 = arith.constant 1 : i32
    %broadcast_in_dim3A_118 = vector.broadcast %jit3A_116 : i32 to vector<16xi32>
    %broadcast_in_dim3A_119 = vector.broadcast %jit3A_117 : i32 to vector<16xi32>
    %select_n3A_120 = arith.select %eq3A_115, %broadcast_in_dim3A_118, %broadcast_in_dim3A_119 : vector<16xi1>, vector<16xi32>
    %add3A_121 = arith.addi %get3A_108, %select_n3A_120 : vector<16xi32>
    %add3A_122 = arith.constant 63 : i32
    %add3A_123 = vector.broadcast %add3A_122 : i32 to vector<16xi32>
    %add3A_124 = arith.addi %add3A_121, %add3A_123 : vector<16xi32>
    %jit3A_125 = arith.constant 64 : i32
    %div3A_126 = vector.broadcast %jit3A_125 : i32 to vector<16xi32>
    %div3A_127 = arith.divsi %add3A_124, %div3A_126 : vector<16xi32>
    %sign3A_128 = arith.constant 0 : i32
    %sign3A_129 = vector.broadcast %sign3A_128 : i32 to vector<16xi32>
    %sign3A_130 = arith.cmpi sgt, %add3A_124, %sign3A_129 : vector<16xi32>
    %sign3A_131 = arith.extui %sign3A_130 : vector<16xi1> to vector<16xi32>
    %sign3A_132 = arith.constant 0 : i32
    %sign3A_133 = vector.broadcast %sign3A_132 : i32 to vector<16xi32>
    %sign3A_134 = arith.cmpi slt, %add3A_124, %sign3A_133 : vector<16xi32>
    %sign3A_135 = arith.extui %sign3A_134 : vector<16xi1> to vector<16xi32>
    %sign3A_136 = arith.subi %sign3A_131, %sign3A_135 : vector<16xi32>
    %sign3A_137 = arith.constant 0 : i32
    %sign3A_138 = arith.cmpi sgt, %jit3A_125, %sign3A_137 : i32
    %sign3A_139 = arith.extui %sign3A_138 : i1 to i32
    %sign3A_140 = arith.constant 0 : i32
    %sign3A_141 = arith.cmpi slt, %jit3A_125, %sign3A_140 : i32
    %sign3A_142 = arith.extui %sign3A_141 : i1 to i32
    %sign3A_143 = arith.subi %sign3A_139, %sign3A_142 : i32
    %ne3A_144 = vector.broadcast %sign3A_143 : i32 to vector<16xi32>
    %ne3A_145 = arith.cmpi ne, %sign3A_136, %ne3A_144 : vector<16xi32>
    %rem3A_146 = vector.broadcast %jit3A_125 : i32 to vector<16xi32>
    %rem3A_147 = arith.remsi %add3A_124, %rem3A_146 : vector<16xi32>
    %ne3A_148 = arith.constant 0 : i32
    %ne3A_149 = vector.broadcast %ne3A_148 : i32 to vector<16xi32>
    %ne3A_150 = arith.cmpi ne, %rem3A_147, %ne3A_149 : vector<16xi32>
    %and3A_151 = arith.andi %ne3A_145, %ne3A_150 : vector<16xi1>
    %sub3A_152 = arith.constant 1 : i32
    %sub3A_153 = vector.broadcast %sub3A_152 : i32 to vector<16xi32>
    %sub3A_154 = arith.subi %div3A_127, %sub3A_153 : vector<16xi32>
    %select_n3A_155 = arith.select %and3A_151, %sub3A_154, %div3A_127 : vector<16xi1>, vector<16xi32>
    %gt3A_156 = arith.cmpi sgt, %select_n3A_155, %get3A_110 : vector<16xi32>
    %or3A_157 = arith.ori %or3A_106, %gt3A_156 : vector<16xi1>
    %get3A_158 = arith.constant 48 : index
    %get3A_159 = tpu.vector_load %arg21[%get3A_158] {strides = array<i32>} : memref<64xi32, #tpu.memory_space<vmem>>, vector<16xi32>,
    %get3A_160 = arith.constant 48 : index
    %get3A_161 = tpu.vector_load %arg22[%get3A_160] {strides = array<i32>} : memref<64xi32, #tpu.memory_space<vmem>>, vector<16xi32>,
    %get3A_162 = arith.constant 48 : index
    %get3A_163 = tpu.vector_load %arg23[%get3A_162] {strides = array<i32>} : memref<64xi32, #tpu.memory_space<vmem>>, vector<16xi32>,
    %eq3A_164 = arith.constant -1 : i32
    %eq3A_165 = vector.broadcast %eq3A_164 : i32 to vector<16xi32>
    %eq3A_166 = arith.cmpi eq, %get3A_163, %eq3A_165 : vector<16xi32>
    %jit3A_167 = arith.constant 0 : i32
    %jit3A_168 = arith.constant 1 : i32
    %broadcast_in_dim3A_169 = vector.broadcast %jit3A_167 : i32 to vector<16xi32>
    %broadcast_in_dim3A_170 = vector.broadcast %jit3A_168 : i32 to vector<16xi32>
    %select_n3A_171 = arith.select %eq3A_166, %broadcast_in_dim3A_169, %broadcast_in_dim3A_170 : vector<16xi1>, vector<16xi32>
    %add3A_172 = arith.addi %get3A_159, %select_n3A_171 : vector<16xi32>
    %add3A_173 = arith.constant 63 : i32
    %add3A_174 = vector.broadcast %add3A_173 : i32 to vector<16xi32>
    %add3A_175 = arith.addi %add3A_172, %add3A_174 : vector<16xi32>
    %jit3A_176 = arith.constant 64 : i32
    %div3A_177 = vector.broadcast %jit3A_176 : i32 to vector<16xi32>
    %div3A_178 = arith.divsi %add3A_175, %div3A_177 : vector<16xi32>
    %sign3A_179 = arith.constant 0 : i32
    %sign3A_180 = vector.broadcast %sign3A_179 : i32 to vector<16xi32>
    %sign3A_181 = arith.cmpi sgt, %add3A_175, %sign3A_180 : vector<16xi32>
    %sign3A_182 = arith.extui %sign3A_181 : vector<16xi1> to vector<16xi32>
    %sign3A_183 = arith.constant 0 : i32
    %sign3A_184 = vector.broadcast %sign3A_183 : i32 to vector<16xi32>
    %sign3A_185 = arith.cmpi slt, %add3A_175, %sign3A_184 : vector<16xi32>
    %sign3A_186 = arith.extui %sign3A_185 : vector<16xi1> to vector<16xi32>
    %sign3A_187 = arith.subi %sign3A_182, %sign3A_186 : vector<16xi32>
    %sign3A_188 = arith.constant 0 : i32
    %sign3A_189 = arith.cmpi sgt, %jit3A_176, %sign3A_188 : i32
    %sign3A_190 = arith.extui %sign3A_189 : i1 to i32
    %sign3A_191 = arith.constant 0 : i32
    %sign3A_192 = arith.cmpi slt, %jit3A_176, %sign3A_191 : i32
    %sign3A_193 = arith.extui %sign3A_192 : i1 to i32
    %sign3A_194 = arith.subi %sign3A_190, %sign3A_193 : i32
    %ne3A_195 = vector.broadcast %sign3A_194 : i32 to vector<16xi32>
    %ne3A_196 = arith.cmpi ne, %sign3A_187, %ne3A_195 : vector<16xi32>
    %rem3A_197 = vector.broadcast %jit3A_176 : i32 to vector<16xi32>
    %rem3A_198 = arith.remsi %add3A_175, %rem3A_197 : vector<16xi32>
    %ne3A_199 = arith.constant 0 : i32
    %ne3A_200 = vector.broadcast %ne3A_199 : i32 to vector<16xi32>
    %ne3A_201 = arith.cmpi ne, %rem3A_198, %ne3A_200 : vector<16xi32>
    %and3A_202 = arith.andi %ne3A_196, %ne3A_201 : vector<16xi1>
    %sub3A_203 = arith.constant 1 : i32
    %sub3A_204 = vector.broadcast %sub3A_203 : i32 to vector<16xi32>
    %sub3A_205 = arith.subi %div3A_178, %sub3A_204 : vector<16xi32>
    %select_n3A_206 = arith.select %and3A_202, %sub3A_205, %div3A_178 : vector<16xi1>, vector<16xi32>
    %gt3A_207 = arith.cmpi sgt, %select_n3A_206, %get3A_161 : vector<16xi32>
    %or3A_208 = arith.ori %or3A_157, %gt3A_207 : vector<16xi1>
    %all_reduce_population_count3A = tpu.all_reduce %or3A_208 {dim = 0 : i64, kind = #tpu.reduction_kind<sum>} : vector<16xi1> -> vector<16xi32>
    %slice3A = vector.extract_strided_slice %all_reduce_population_count3A {offsets = [0], sizes = [1], strides = [1]} : vector<16xi32> to vector<1xi32>
    %squeeze3A = vector.extract %slice3A[0] : i32 from vector<1xi32>
    %gt3A_209 = arith.constant 0 : i32
    %gt3A_210 = arith.cmpi sgt, %squeeze3A, %gt3A_209 : i32
    %swap3A = arith.constant 0 : i32
    %swap3A_211 = arith.constant 0 : i32
    %swap3A_212 = arith.index_cast %swap3A_211 : i32 to index
    %swap3A_213 = memref.load %arg30[%swap3A_212] : memref<1xi32, #tpu.memory_space<smem>>
    memref.store %swap3A, %arg30[%swap3A_212] : memref<1xi32, #tpu.memory_space<smem>>
    %convert_element_type3A = arith.extui %gt3A_210 : i1 to i32
    %cond3A = arith.constant 0 : i32
    %cond3A_214 = arith.cmpi ne, %convert_element_type3A, %cond3A : i32
    scf.if %cond3A_214 {
      %scan3A = arith.constant 0 : i32
      %scan3A_753 = arith.constant 0 : i32
      %scan3A_754 = arith.constant 8 : i32
      %scan3A_755 = arith.addi %scan3A_753, %scan3A_754 : i32
      %scan3A_756 = arith.constant 1 : i32
      scf.for %scan3A_1358 = %scan3A_753 to %scan3A_755 step %scan3A_756  : i32 {
        %get3A_1359 = arith.constant 0 : i32
        %get3A_1360 = arith.index_cast %get3A_1359 : i32 to index
        %get3A_1361 = memref.load %arg30[%get3A_1360] : memref<1xi32, #tpu.memory_space<smem>>
        %lt3A_1362 = arith.constant 64 : i32
        %lt3A_1363 = arith.cmpi slt, %get3A_1361, %lt3A_1362 : i32
        %convert_element_type3A_1364 = arith.extui %lt3A_1363 : i1 to i32
        %cond3A_1365 = arith.constant 0 : i32
        %cond3A_1366 = arith.cmpi ne, %convert_element_type3A_1364, %cond3A_1365 : i32
        scf.if %cond3A_1366 {
          %mul3A_1367 = arith.constant 256 : i32
          %mul3A_1368 = arith.muli %scan3A_1358, %mul3A_1367 : i32
          %add3A_1369 = arith.constant 0 : i32
          %add3A_1370 = arith.addi %mul3A_1368, %add3A_1369 : i32
          %get3A_1371 = arith.index_cast %add3A_1370 : i32 to index
          %get3A_1372 = tpu.vector_load %arg14[%get3A_1371] {strides = array<i32>} : memref<2048xi32, #tpu.memory_space<vmem>>, vector<16xi32>,
          %add3A_1373 = arith.addi %mul3A_3, %add3A_1370 : i32
          %add3A_1374 = vector.broadcast %add3A_1373 : i32 to vector<16xi32>
          %add3A_1375 = arith.addi %add3A_1374, %iota3A : vector<16xi32>
          %eq3A_1376 = arith.constant 0 : i32
          %eq3A_1377 = vector.broadcast %eq3A_1376 : i32 to vector<16xi32>
          %eq3A_1378 = arith.cmpi eq, %get3A_1372, %eq3A_1377 : vector<16xi32>
          %ge3A = arith.constant 1 : i32
          %ge3A_1379 = vector.broadcast %ge3A : i32 to vector<16xi32>
          %ge3A_1380 = arith.cmpi sge, %add3A_1375, %ge3A_1379 : vector<16xi32>
          %and3A_1381 = arith.andi %eq3A_1378, %ge3A_1380 : vector<16xi1>
          %all_reduce_population_count3A_1382 = tpu.all_reduce %and3A_1381 {dim = 0 : i64, kind = #tpu.reduction_kind<sum>} : vector<16xi1> -> vector<16xi32>
          %min3A_1383 = arith.constant 64 : i32
          %min3A_1384 = arith.minsi %get3A_1361, %min3A_1383 : i32
          %swap3A_1385 = arith.index_cast %min3A_1384 : i32 to index
          %swap3A_1386 = tpu.vector_load %arg16[%swap3A_1385] masked %and3A_1381 {strides = array<i32>} : memref<80xi32, #tpu.memory_space<vmem>>, vector<16xi32>, vector<16xi1>
          tpu.vector_store %arg16[%swap3A_1385], %add3A_1375 masked %and3A_1381 {strides = array<i32>} : memref<80xi32, #tpu.memory_space<vmem>>, vector<16xi32>, vector<16xi1>
          %slice3A_1387 = vector.extract_strided_slice %all_reduce_population_count3A_1382 {offsets = [0], sizes = [1], strides = [1]} : vector<16xi32> to vector<1xi32>
          %squeeze3A_1388 = vector.extract %slice3A_1387[0] : i32 from vector<1xi32>
          %add3A_1389 = arith.addi %get3A_1361, %squeeze3A_1388 : i32
          %mul3A_1390 = arith.constant 256 : i32
          %mul3A_1391 = arith.muli %scan3A_1358, %mul3A_1390 : i32
          %add3A_1392 = arith.constant 16 : i32
          %add3A_1393 = arith.addi %mul3A_1391, %add3A_1392 : i32
          %get3A_1394 = arith.index_cast %add3A_1393 : i32 to index
          %get3A_1395 = tpu.vector_load %arg14[%get3A_1394] {strides = array<i32>} : memref<2048xi32, #tpu.memory_space<vmem>>, vector<16xi32>,
          %add3A_1396 = arith.addi %mul3A_3, %add3A_1393 : i32
          %add3A_1397 = vector.broadcast %add3A_1396 : i32 to vector<16xi32>
          %add3A_1398 = arith.addi %add3A_1397, %iota3A : vector<16xi32>
          %eq3A_1399 = arith.constant 0 : i32
          %eq3A_1400 = vector.broadcast %eq3A_1399 : i32 to vector<16xi32>
          %eq3A_1401 = arith.cmpi eq, %get3A_1395, %eq3A_1400 : vector<16xi32>
          %ge3A_1402 = arith.constant 1 : i32
          %ge3A_1403 = vector.broadcast %ge3A_1402 : i32 to vector<16xi32>
          %ge3A_1404 = arith.cmpi sge, %add3A_1398, %ge3A_1403 : vector<16xi32>
          %and3A_1405 = arith.andi %eq3A_1401, %ge3A_1404 : vector<16xi1>
          %all_reduce_population_count3A_1406 = tpu.all_reduce %and3A_1405 {dim = 0 : i64, kind = #tpu.reduction_kind<sum>} : vector<16xi1> -> vector<16xi32>
          %min3A_1407 = arith.constant 64 : i32
          %min3A_1408 = arith.minsi %add3A_1389, %min3A_1407 : i32
          %swap3A_1409 = arith.index_cast %min3A_1408 : i32 to index
          %swap3A_1410 = tpu.vector_load %arg16[%swap3A_1409] masked %and3A_1405 {strides = array<i32>} : memref<80xi32, #tpu.memory_space<vmem>>, vector<16xi32>, vector<16xi1>
          tpu.vector_store %arg16[%swap3A_1409], %add3A_1398 masked %and3A_1405 {strides = array<i32>} : memref<80xi32, #tpu.memory_space<vmem>>, vector<16xi32>, vector<16xi1>
          %slice3A_1411 = vector.extract_strided_slice %all_reduce_population_count3A_1406 {offsets = [0], sizes = [1], strides = [1]} : vector<16xi32> to vector<1xi32>
          %squeeze3A_1412 = vector.extract %slice3A_1411[0] : i32 from vector<1xi32>
          %add3A_1413 = arith.addi %add3A_1389, %squeeze3A_1412 : i32
          %mul3A_1414 = arith.constant 256 : i32
          %mul3A_1415 = arith.muli %scan3A_1358, %mul3A_1414 : i32
          %add3A_1416 = arith.constant 32 : i32
          %add3A_1417 = arith.addi %mul3A_1415, %add3A_1416 : i32
          %get3A_1418 = arith.index_cast %add3A_1417 : i32 to index
          %get3A_1419 = tpu.vector_load %arg14[%get3A_1418] {strides = array<i32>} : memref<2048xi32, #tpu.memory_space<vmem>>, vector<16xi32>,
          %add3A_1420 = arith.addi %mul3A_3, %add3A_1417 : i32
          %add3A_1421 = vector.broadcast %add3A_1420 : i32 to vector<16xi32>
          %add3A_1422 = arith.addi %add3A_1421, %iota3A : vector<16xi32>
          %eq3A_1423 = arith.constant 0 : i32
          %eq3A_1424 = vector.broadcast %eq3A_1423 : i32 to vector<16xi32>
          %eq3A_1425 = arith.cmpi eq, %get3A_1419, %eq3A_1424 : vector<16xi32>
          %ge3A_1426 = arith.constant 1 : i32
          %ge3A_1427 = vector.broadcast %ge3A_1426 : i32 to vector<16xi32>
          %ge3A_1428 = arith.cmpi sge, %add3A_1422, %ge3A_1427 : vector<16xi32>
          %and3A_1429 = arith.andi %eq3A_1425, %ge3A_1428 : vector<16xi1>
          %all_reduce_population_count3A_1430 = tpu.all_reduce %and3A_1429 {dim = 0 : i64, kind = #tpu.reduction_kind<sum>} : vector<16xi1> -> vector<16xi32>
          %min3A_1431 = arith.constant 64 : i32
          %min3A_1432 = arith.minsi %add3A_1413, %min3A_1431 : i32
          %swap3A_1433 = arith.index_cast %min3A_1432 : i32 to index
          %swap3A_1434 = tpu.vector_load %arg16[%swap3A_1433] masked %and3A_1429 {strides = array<i32>} : memref<80xi32, #tpu.memory_space<vmem>>, vector<16xi32>, vector<16xi1>
          tpu.vector_store %arg16[%swap3A_1433], %add3A_1422 masked %and3A_1429 {strides = array<i32>} : memref<80xi32, #tpu.memory_space<vmem>>, vector<16xi32>, vector<16xi1>
          %slice3A_1435 = vector.extract_strided_slice %all_reduce_population_count3A_1430 {offsets = [0], sizes = [1], strides = [1]} : vector<16xi32> to vector<1xi32>
          %squeeze3A_1436 = vector.extract %slice3A_1435[0] : i32 from vector<1xi32>
          %add3A_1437 = arith.addi %add3A_1413, %squeeze3A_1436 : i32
          %mul3A_1438 = arith.constant 256 : i32
          %mul3A_1439 = arith.muli %scan3A_1358, %mul3A_1438 : i32
          %add3A_1440 = arith.constant 48 : i32
          %add3A_1441 = arith.addi %mul3A_1439, %add3A_1440 : i32
          %get3A_1442 = arith.index_cast %add3A_1441 : i32 to index
          %get3A_1443 = tpu.vector_load %arg14[%get3A_1442] {strides = array<i32>} : memref<2048xi32, #tpu.memory_space<vmem>>, vector<16xi32>,
          %add3A_1444 = arith.addi %mul3A_3, %add3A_1441 : i32
          %add3A_1445 = vector.broadcast %add3A_1444 : i32 to vector<16xi32>
          %add3A_1446 = arith.addi %add3A_1445, %iota3A : vector<16xi32>
          %eq3A_1447 = arith.constant 0 : i32
          %eq3A_1448 = vector.broadcast %eq3A_1447 : i32 to vector<16xi32>
          %eq3A_1449 = arith.cmpi eq, %get3A_1443, %eq3A_1448 : vector<16xi32>
          %ge3A_1450 = arith.constant 1 : i32
          %ge3A_1451 = vector.broadcast %ge3A_1450 : i32 to vector<16xi32>
          %ge3A_1452 = arith.cmpi sge, %add3A_1446, %ge3A_1451 : vector<16xi32>
          %and3A_1453 = arith.andi %eq3A_1449, %ge3A_1452 : vector<16xi1>
          %all_reduce_population_count3A_1454 = tpu.all_reduce %and3A_1453 {dim = 0 : i64, kind = #tpu.reduction_kind<sum>} : vector<16xi1> -> vector<16xi32>
          %min3A_1455 = arith.constant 64 : i32
          %min3A_1456 = arith.minsi %add3A_1437, %min3A_1455 : i32
          %swap3A_1457 = arith.index_cast %min3A_1456 : i32 to index
          %swap3A_1458 = tpu.vector_load %arg16[%swap3A_1457] masked %and3A_1453 {strides = array<i32>} : memref<80xi32, #tpu.memory_space<vmem>>, vector<16xi32>, vector<16xi1>
          tpu.vector_store %arg16[%swap3A_1457], %add3A_1446 masked %and3A_1453 {strides = array<i32>} : memref<80xi32, #tpu.memory_space<vmem>>, vector<16xi32>, vector<16xi1>
          %slice3A_1459 = vector.extract_strided_slice %all_reduce_population_count3A_1454 {offsets = [0], sizes = [1], strides = [1]} : vector<16xi32> to vector<1xi32>
          %squeeze3A_1460 = vector.extract %slice3A_1459[0] : i32 from vector<1xi32>
          %add3A_1461 = arith.addi %add3A_1437, %squeeze3A_1460 : i32
          %mul3A_1462 = arith.constant 256 : i32
          %mul3A_1463 = arith.muli %scan3A_1358, %mul3A_1462 : i32
          %add3A_1464 = arith.constant 64 : i32
          %add3A_1465 = arith.addi %mul3A_1463, %add3A_1464 : i32
          %get3A_1466 = arith.index_cast %add3A_1465 : i32 to index
          %get3A_1467 = tpu.vector_load %arg14[%get3A_1466] {strides = array<i32>} : memref<2048xi32, #tpu.memory_space<vmem>>, vector<16xi32>,
          %add3A_1468 = arith.addi %mul3A_3, %add3A_1465 : i32
          %add3A_1469 = vector.broadcast %add3A_1468 : i32 to vector<16xi32>
          %add3A_1470 = arith.addi %add3A_1469, %iota3A : vector<16xi32>
          %eq3A_1471 = arith.constant 0 : i32
          %eq3A_1472 = vector.broadcast %eq3A_1471 : i32 to vector<16xi32>
          %eq3A_1473 = arith.cmpi eq, %get3A_1467, %eq3A_1472 : vector<16xi32>
          %ge3A_1474 = arith.constant 1 : i32
          %ge3A_1475 = vector.broadcast %ge3A_1474 : i32 to vector<16xi32>
          %ge3A_1476 = arith.cmpi sge, %add3A_1470, %ge3A_1475 : vector<16xi32>
          %and3A_1477 = arith.andi %eq3A_1473, %ge3A_1476 : vector<16xi1>
          %all_reduce_population_count3A_1478 = tpu.all_reduce %and3A_1477 {dim = 0 : i64, kind = #tpu.reduction_kind<sum>} : vector<16xi1> -> vector<16xi32>
          %min3A_1479 = arith.constant 64 : i32
          %min3A_1480 = arith.minsi %add3A_1461, %min3A_1479 : i32
          %swap3A_1481 = arith.index_cast %min3A_1480 : i32 to index
          %swap3A_1482 = tpu.vector_load %arg16[%swap3A_1481] masked %and3A_1477 {strides = array<i32>} : memref<80xi32, #tpu.memory_space<vmem>>, vector<16xi32>, vector<16xi1>
          tpu.vector_store %arg16[%swap3A_1481], %add3A_1470 masked %and3A_1477 {strides = array<i32>} : memref<80xi32, #tpu.memory_space<vmem>>, vector<16xi32>, vector<16xi1>
          %slice3A_1483 = vector.extract_strided_slice %all_reduce_population_count3A_1478 {offsets = [0], sizes = [1], strides = [1]} : vector<16xi32> to vector<1xi32>
          %squeeze3A_1484 = vector.extract %slice3A_1483[0] : i32 from vector<1xi32>
          %add3A_1485 = arith.addi %add3A_1461, %squeeze3A_1484 : i32
          %mul3A_1486 = arith.constant 256 : i32
          %mul3A_1487 = arith.muli %scan3A_1358, %mul3A_1486 : i32
          %add3A_1488 = arith.constant 80 : i32
          %add3A_1489 = arith.addi %mul3A_1487, %add3A_1488 : i32
          %get3A_1490 = arith.index_cast %add3A_1489 : i32 to index
          %get3A_1491 = tpu.vector_load %arg14[%get3A_1490] {strides = array<i32>} : memref<2048xi32, #tpu.memory_space<vmem>>, vector<16xi32>,
          %add3A_1492 = arith.addi %mul3A_3, %add3A_1489 : i32
          %add3A_1493 = vector.broadcast %add3A_1492 : i32 to vector<16xi32>
          %add3A_1494 = arith.addi %add3A_1493, %iota3A : vector<16xi32>
          %eq3A_1495 = arith.constant 0 : i32
          %eq3A_1496 = vector.broadcast %eq3A_1495 : i32 to vector<16xi32>
          %eq3A_1497 = arith.cmpi eq, %get3A_1491, %eq3A_1496 : vector<16xi32>
          %ge3A_1498 = arith.constant 1 : i32
          %ge3A_1499 = vector.broadcast %ge3A_1498 : i32 to vector<16xi32>
          %ge3A_1500 = arith.cmpi sge, %add3A_1494, %ge3A_1499 : vector<16xi32>
          %and3A_1501 = arith.andi %eq3A_1497, %ge3A_1500 : vector<16xi1>
          %all_reduce_population_count3A_1502 = tpu.all_reduce %and3A_1501 {dim = 0 : i64, kind = #tpu.reduction_kind<sum>} : vector<16xi1> -> vector<16xi32>
          %min3A_1503 = arith.constant 64 : i32
          %min3A_1504 = arith.minsi %add3A_1485, %min3A_1503 : i32
          %swap3A_1505 = arith.index_cast %min3A_1504 : i32 to index
          %swap3A_1506 = tpu.vector_load %arg16[%swap3A_1505] masked %and3A_1501 {strides = array<i32>} : memref<80xi32, #tpu.memory_space<vmem>>, vector<16xi32>, vector<16xi1>
          tpu.vector_store %arg16[%swap3A_1505], %add3A_1494 masked %and3A_1501 {strides = array<i32>} : memref<80xi32, #tpu.memory_space<vmem>>, vector<16xi32>, vector<16xi1>
          %slice3A_1507 = vector.extract_strided_slice %all_reduce_population_count3A_1502 {offsets = [0], sizes = [1], strides = [1]} : vector<16xi32> to vector<1xi32>
          %squeeze3A_1508 = vector.extract %slice3A_1507[0] : i32 from vector<1xi32>
          %add3A_1509 = arith.addi %add3A_1485, %squeeze3A_1508 : i32
          %mul3A_1510 = arith.constant 256 : i32
          %mul3A_1511 = arith.muli %scan3A_1358, %mul3A_1510 : i32
          %add3A_1512 = arith.constant 96 : i32
          %add3A_1513 = arith.addi %mul3A_1511, %add3A_1512 : i32
          %get3A_1514 = arith.index_cast %add3A_1513 : i32 to index
          %get3A_1515 = tpu.vector_load %arg14[%get3A_1514] {strides = array<i32>} : memref<2048xi32, #tpu.memory_space<vmem>>, vector<16xi32>,
          %add3A_1516 = arith.addi %mul3A_3, %add3A_1513 : i32
          %add3A_1517 = vector.broadcast %add3A_1516 : i32 to vector<16xi32>
          %add3A_1518 = arith.addi %add3A_1517, %iota3A : vector<16xi32>
          %eq3A_1519 = arith.constant 0 : i32
          %eq3A_1520 = vector.broadcast %eq3A_1519 : i32 to vector<16xi32>
          %eq3A_1521 = arith.cmpi eq, %get3A_1515, %eq3A_1520 : vector<16xi32>
          %ge3A_1522 = arith.constant 1 : i32
          %ge3A_1523 = vector.broadcast %ge3A_1522 : i32 to vector<16xi32>
          %ge3A_1524 = arith.cmpi sge, %add3A_1518, %ge3A_1523 : vector<16xi32>
          %and3A_1525 = arith.andi %eq3A_1521, %ge3A_1524 : vector<16xi1>
          %all_reduce_population_count3A_1526 = tpu.all_reduce %and3A_1525 {dim = 0 : i64, kind = #tpu.reduction_kind<sum>} : vector<16xi1> -> vector<16xi32>
          %min3A_1527 = arith.constant 64 : i32
          %min3A_1528 = arith.minsi %add3A_1509, %min3A_1527 : i32
          %swap3A_1529 = arith.index_cast %min3A_1528 : i32 to index
          %swap3A_1530 = tpu.vector_load %arg16[%swap3A_1529] masked %and3A_1525 {strides = array<i32>} : memref<80xi32, #tpu.memory_space<vmem>>, vector<16xi32>, vector<16xi1>
          tpu.vector_store %arg16[%swap3A_1529], %add3A_1518 masked %and3A_1525 {strides = array<i32>} : memref<80xi32, #tpu.memory_space<vmem>>, vector<16xi32>, vector<16xi1>
          %slice3A_1531 = vector.extract_strided_slice %all_reduce_population_count3A_1526 {offsets = [0], sizes = [1], strides = [1]} : vector<16xi32> to vector<1xi32>
          %squeeze3A_1532 = vector.extract %slice3A_1531[0] : i32 from vector<1xi32>
          %add3A_1533 = arith.addi %add3A_1509, %squeeze3A_1532 : i32
          %mul3A_1534 = arith.constant 256 : i32
          %mul3A_1535 = arith.muli %scan3A_1358, %mul3A_1534 : i32
          %add3A_1536 = arith.constant 112 : i32
          %add3A_1537 = arith.addi %mul3A_1535, %add3A_1536 : i32
          %get3A_1538 = arith.index_cast %add3A_1537 : i32 to index
          %get3A_1539 = tpu.vector_load %arg14[%get3A_1538] {strides = array<i32>} : memref<2048xi32, #tpu.memory_space<vmem>>, vector<16xi32>,
          %add3A_1540 = arith.addi %mul3A_3, %add3A_1537 : i32
          %add3A_1541 = vector.broadcast %add3A_1540 : i32 to vector<16xi32>
          %add3A_1542 = arith.addi %add3A_1541, %iota3A : vector<16xi32>
          %eq3A_1543 = arith.constant 0 : i32
          %eq3A_1544 = vector.broadcast %eq3A_1543 : i32 to vector<16xi32>
          %eq3A_1545 = arith.cmpi eq, %get3A_1539, %eq3A_1544 : vector<16xi32>
          %ge3A_1546 = arith.constant 1 : i32
          %ge3A_1547 = vector.broadcast %ge3A_1546 : i32 to vector<16xi32>
          %ge3A_1548 = arith.cmpi sge, %add3A_1542, %ge3A_1547 : vector<16xi32>
          %and3A_1549 = arith.andi %eq3A_1545, %ge3A_1548 : vector<16xi1>
          %all_reduce_population_count3A_1550 = tpu.all_reduce %and3A_1549 {dim = 0 : i64, kind = #tpu.reduction_kind<sum>} : vector<16xi1> -> vector<16xi32>
          %min3A_1551 = arith.constant 64 : i32
          %min3A_1552 = arith.minsi %add3A_1533, %min3A_1551 : i32
          %swap3A_1553 = arith.index_cast %min3A_1552 : i32 to index
          %swap3A_1554 = tpu.vector_load %arg16[%swap3A_1553] masked %and3A_1549 {strides = array<i32>} : memref<80xi32, #tpu.memory_space<vmem>>, vector<16xi32>, vector<16xi1>
          tpu.vector_store %arg16[%swap3A_1553], %add3A_1542 masked %and3A_1549 {strides = array<i32>} : memref<80xi32, #tpu.memory_space<vmem>>, vector<16xi32>, vector<16xi1>
          %slice3A_1555 = vector.extract_strided_slice %all_reduce_population_count3A_1550 {offsets = [0], sizes = [1], strides = [1]} : vector<16xi32> to vector<1xi32>
          %squeeze3A_1556 = vector.extract %slice3A_1555[0] : i32 from vector<1xi32>
          %add3A_1557 = arith.addi %add3A_1533, %squeeze3A_1556 : i32
          %mul3A_1558 = arith.constant 256 : i32
          %mul3A_1559 = arith.muli %scan3A_1358, %mul3A_1558 : i32
          %add3A_1560 = arith.constant 128 : i32
          %add3A_1561 = arith.addi %mul3A_1559, %add3A_1560 : i32
          %get3A_1562 = arith.index_cast %add3A_1561 : i32 to index
          %get3A_1563 = tpu.vector_load %arg14[%get3A_1562] {strides = array<i32>} : memref<2048xi32, #tpu.memory_space<vmem>>, vector<16xi32>,
          %add3A_1564 = arith.addi %mul3A_3, %add3A_1561 : i32
          %add3A_1565 = vector.broadcast %add3A_1564 : i32 to vector<16xi32>
          %add3A_1566 = arith.addi %add3A_1565, %iota3A : vector<16xi32>
          %eq3A_1567 = arith.constant 0 : i32
          %eq3A_1568 = vector.broadcast %eq3A_1567 : i32 to vector<16xi32>
          %eq3A_1569 = arith.cmpi eq, %get3A_1563, %eq3A_1568 : vector<16xi32>
          %ge3A_1570 = arith.constant 1 : i32
          %ge3A_1571 = vector.broadcast %ge3A_1570 : i32 to vector<16xi32>
          %ge3A_1572 = arith.cmpi sge, %add3A_1566, %ge3A_1571 : vector<16xi32>
          %and3A_1573 = arith.andi %eq3A_1569, %ge3A_1572 : vector<16xi1>
          %all_reduce_population_count3A_1574 = tpu.all_reduce %and3A_1573 {dim = 0 : i64, kind = #tpu.reduction_kind<sum>} : vector<16xi1> -> vector<16xi32>
          %min3A_1575 = arith.constant 64 : i32
          %min3A_1576 = arith.minsi %add3A_1557, %min3A_1575 : i32
          %swap3A_1577 = arith.index_cast %min3A_1576 : i32 to index
          %swap3A_1578 = tpu.vector_load %arg16[%swap3A_1577] masked %and3A_1573 {strides = array<i32>} : memref<80xi32, #tpu.memory_space<vmem>>, vector<16xi32>, vector<16xi1>
          tpu.vector_store %arg16[%swap3A_1577], %add3A_1566 masked %and3A_1573 {strides = array<i32>} : memref<80xi32, #tpu.memory_space<vmem>>, vector<16xi32>, vector<16xi1>
          %slice3A_1579 = vector.extract_strided_slice %all_reduce_population_count3A_1574 {offsets = [0], sizes = [1], strides = [1]} : vector<16xi32> to vector<1xi32>
          %squeeze3A_1580 = vector.extract %slice3A_1579[0] : i32 from vector<1xi32>
          %add3A_1581 = arith.addi %add3A_1557, %squeeze3A_1580 : i32
          %mul3A_1582 = arith.constant 256 : i32
          %mul3A_1583 = arith.muli %scan3A_1358, %mul3A_1582 : i32
          %add3A_1584 = arith.constant 144 : i32
          %add3A_1585 = arith.addi %mul3A_1583, %add3A_1584 : i32
          %get3A_1586 = arith.index_cast %add3A_1585 : i32 to index
          %get3A_1587 = tpu.vector_load %arg14[%get3A_1586] {strides = array<i32>} : memref<2048xi32, #tpu.memory_space<vmem>>, vector<16xi32>,
          %add3A_1588 = arith.addi %mul3A_3, %add3A_1585 : i32
          %add3A_1589 = vector.broadcast %add3A_1588 : i32 to vector<16xi32>
          %add3A_1590 = arith.addi %add3A_1589, %iota3A : vector<16xi32>
          %eq3A_1591 = arith.constant 0 : i32
          %eq3A_1592 = vector.broadcast %eq3A_1591 : i32 to vector<16xi32>
          %eq3A_1593 = arith.cmpi eq, %get3A_1587, %eq3A_1592 : vector<16xi32>
          %ge3A_1594 = arith.constant 1 : i32
          %ge3A_1595 = vector.broadcast %ge3A_1594 : i32 to vector<16xi32>
          %ge3A_1596 = arith.cmpi sge, %add3A_1590, %ge3A_1595 : vector<16xi32>
          %and3A_1597 = arith.andi %eq3A_1593, %ge3A_1596 : vector<16xi1>
          %all_reduce_population_count3A_1598 = tpu.all_reduce %and3A_1597 {dim = 0 : i64, kind = #tpu.reduction_kind<sum>} : vector<16xi1> -> vector<16xi32>
          %min3A_1599 = arith.constant 64 : i32
          %min3A_1600 = arith.minsi %add3A_1581, %min3A_1599 : i32
          %swap3A_1601 = arith.index_cast %min3A_1600 : i32 to index
          %swap3A_1602 = tpu.vector_load %arg16[%swap3A_1601] masked %and3A_1597 {strides = array<i32>} : memref<80xi32, #tpu.memory_space<vmem>>, vector<16xi32>, vector<16xi1>
          tpu.vector_store %arg16[%swap3A_1601], %add3A_1590 masked %and3A_1597 {strides = array<i32>} : memref<80xi32, #tpu.memory_space<vmem>>, vector<16xi32>, vector<16xi1>
          %slice3A_1603 = vector.extract_strided_slice %all_reduce_population_count3A_1598 {offsets = [0], sizes = [1], strides = [1]} : vector<16xi32> to vector<1xi32>
          %squeeze3A_1604 = vector.extract %slice3A_1603[0] : i32 from vector<1xi32>
          %add3A_1605 = arith.addi %add3A_1581, %squeeze3A_1604 : i32
          %mul3A_1606 = arith.constant 256 : i32
          %mul3A_1607 = arith.muli %scan3A_1358, %mul3A_1606 : i32
          %add3A_1608 = arith.constant 160 : i32
          %add3A_1609 = arith.addi %mul3A_1607, %add3A_1608 : i32
          %get3A_1610 = arith.index_cast %add3A_1609 : i32 to index
          %get3A_1611 = tpu.vector_load %arg14[%get3A_1610] {strides = array<i32>} : memref<2048xi32, #tpu.memory_space<vmem>>, vector<16xi32>,
          %add3A_1612 = arith.addi %mul3A_3, %add3A_1609 : i32
          %add3A_1613 = vector.broadcast %add3A_1612 : i32 to vector<16xi32>
          %add3A_1614 = arith.addi %add3A_1613, %iota3A : vector<16xi32>
          %eq3A_1615 = arith.constant 0 : i32
          %eq3A_1616 = vector.broadcast %eq3A_1615 : i32 to vector<16xi32>
          %eq3A_1617 = arith.cmpi eq, %get3A_1611, %eq3A_1616 : vector<16xi32>
          %ge3A_1618 = arith.constant 1 : i32
          %ge3A_1619 = vector.broadcast %ge3A_1618 : i32 to vector<16xi32>
          %ge3A_1620 = arith.cmpi sge, %add3A_1614, %ge3A_1619 : vector<16xi32>
          %and3A_1621 = arith.andi %eq3A_1617, %ge3A_1620 : vector<16xi1>
          %all_reduce_population_count3A_1622 = tpu.all_reduce %and3A_1621 {dim = 0 : i64, kind = #tpu.reduction_kind<sum>} : vector<16xi1> -> vector<16xi32>
          %min3A_1623 = arith.constant 64 : i32
          %min3A_1624 = arith.minsi %add3A_1605, %min3A_1623 : i32
          %swap3A_1625 = arith.index_cast %min3A_1624 : i32 to index
          %swap3A_1626 = tpu.vector_load %arg16[%swap3A_1625] masked %and3A_1621 {strides = array<i32>} : memref<80xi32, #tpu.memory_space<vmem>>, vector<16xi32>, vector<16xi1>
          tpu.vector_store %arg16[%swap3A_1625], %add3A_1614 masked %and3A_1621 {strides = array<i32>} : memref<80xi32, #tpu.memory_space<vmem>>, vector<16xi32>, vector<16xi1>
          %slice3A_1627 = vector.extract_strided_slice %all_reduce_population_count3A_1622 {offsets = [0], sizes = [1], strides = [1]} : vector<16xi32> to vector<1xi32>
          %squeeze3A_1628 = vector.extract %slice3A_1627[0] : i32 from vector<1xi32>
          %add3A_1629 = arith.addi %add3A_1605, %squeeze3A_1628 : i32
          %mul3A_1630 = arith.constant 256 : i32
          %mul3A_1631 = arith.muli %scan3A_1358, %mul3A_1630 : i32
          %add3A_1632 = arith.constant 176 : i32
          %add3A_1633 = arith.addi %mul3A_1631, %add3A_1632 : i32
          %get3A_1634 = arith.index_cast %add3A_1633 : i32 to index
          %get3A_1635 = tpu.vector_load %arg14[%get3A_1634] {strides = array<i32>} : memref<2048xi32, #tpu.memory_space<vmem>>, vector<16xi32>,
          %add3A_1636 = arith.addi %mul3A_3, %add3A_1633 : i32
          %add3A_1637 = vector.broadcast %add3A_1636 : i32 to vector<16xi32>
          %add3A_1638 = arith.addi %add3A_1637, %iota3A : vector<16xi32>
          %eq3A_1639 = arith.constant 0 : i32
          %eq3A_1640 = vector.broadcast %eq3A_1639 : i32 to vector<16xi32>
          %eq3A_1641 = arith.cmpi eq, %get3A_1635, %eq3A_1640 : vector<16xi32>
          %ge3A_1642 = arith.constant 1 : i32
          %ge3A_1643 = vector.broadcast %ge3A_1642 : i32 to vector<16xi32>
          %ge3A_1644 = arith.cmpi sge, %add3A_1638, %ge3A_1643 : vector<16xi32>
          %and3A_1645 = arith.andi %eq3A_1641, %ge3A_1644 : vector<16xi1>
          %all_reduce_population_count3A_1646 = tpu.all_reduce %and3A_1645 {dim = 0 : i64, kind = #tpu.reduction_kind<sum>} : vector<16xi1> -> vector<16xi32>
          %min3A_1647 = arith.constant 64 : i32
          %min3A_1648 = arith.minsi %add3A_1629, %min3A_1647 : i32
          %swap3A_1649 = arith.index_cast %min3A_1648 : i32 to index
          %swap3A_1650 = tpu.vector_load %arg16[%swap3A_1649] masked %and3A_1645 {strides = array<i32>} : memref<80xi32, #tpu.memory_space<vmem>>, vector<16xi32>, vector<16xi1>
          tpu.vector_store %arg16[%swap3A_1649], %add3A_1638 masked %and3A_1645 {strides = array<i32>} : memref<80xi32, #tpu.memory_space<vmem>>, vector<16xi32>, vector<16xi1>
          %slice3A_1651 = vector.extract_strided_slice %all_reduce_population_count3A_1646 {offsets = [0], sizes = [1], strides = [1]} : vector<16xi32> to vector<1xi32>
          %squeeze3A_1652 = vector.extract %slice3A_1651[0] : i32 from vector<1xi32>
          %add3A_1653 = arith.addi %add3A_1629, %squeeze3A_1652 : i32
          %mul3A_1654 = arith.constant 256 : i32
          %mul3A_1655 = arith.muli %scan3A_1358, %mul3A_1654 : i32
          %add3A_1656 = arith.constant 192 : i32
          %add3A_1657 = arith.addi %mul3A_1655, %add3A_1656 : i32
          %get3A_1658 = arith.index_cast %add3A_1657 : i32 to index
          %get3A_1659 = tpu.vector_load %arg14[%get3A_1658] {strides = array<i32>} : memref<2048xi32, #tpu.memory_space<vmem>>, vector<16xi32>,
          %add3A_1660 = arith.addi %mul3A_3, %add3A_1657 : i32
          %add3A_1661 = vector.broadcast %add3A_1660 : i32 to vector<16xi32>
          %add3A_1662 = arith.addi %add3A_1661, %iota3A : vector<16xi32>
          %eq3A_1663 = arith.constant 0 : i32
          %eq3A_1664 = vector.broadcast %eq3A_1663 : i32 to vector<16xi32>
          %eq3A_1665 = arith.cmpi eq, %get3A_1659, %eq3A_1664 : vector<16xi32>
          %ge3A_1666 = arith.constant 1 : i32
          %ge3A_1667 = vector.broadcast %ge3A_1666 : i32 to vector<16xi32>
          %ge3A_1668 = arith.cmpi sge, %add3A_1662, %ge3A_1667 : vector<16xi32>
          %and3A_1669 = arith.andi %eq3A_1665, %ge3A_1668 : vector<16xi1>
          %all_reduce_population_count3A_1670 = tpu.all_reduce %and3A_1669 {dim = 0 : i64, kind = #tpu.reduction_kind<sum>} : vector<16xi1> -> vector<16xi32>
          %min3A_1671 = arith.constant 64 : i32
          %min3A_1672 = arith.minsi %add3A_1653, %min3A_1671 : i32
          %swap3A_1673 = arith.index_cast %min3A_1672 : i32 to index
          %swap3A_1674 = tpu.vector_load %arg16[%swap3A_1673] masked %and3A_1669 {strides = array<i32>} : memref<80xi32, #tpu.memory_space<vmem>>, vector<16xi32>, vector<16xi1>
          tpu.vector_store %arg16[%swap3A_1673], %add3A_1662 masked %and3A_1669 {strides = array<i32>} : memref<80xi32, #tpu.memory_space<vmem>>, vector<16xi32>, vector<16xi1>
          %slice3A_1675 = vector.extract_strided_slice %all_reduce_population_count3A_1670 {offsets = [0], sizes = [1], strides = [1]} : vector<16xi32> to vector<1xi32>
          %squeeze3A_1676 = vector.extract %slice3A_1675[0] : i32 from vector<1xi32>
          %add3A_1677 = arith.addi %add3A_1653, %squeeze3A_1676 : i32
          %mul3A_1678 = arith.constant 256 : i32
          %mul3A_1679 = arith.muli %scan3A_1358, %mul3A_1678 : i32
          %add3A_1680 = arith.constant 208 : i32
          %add3A_1681 = arith.addi %mul3A_1679, %add3A_1680 : i32
          %get3A_1682 = arith.index_cast %add3A_1681 : i32 to index
          %get3A_1683 = tpu.vector_load %arg14[%get3A_1682] {strides = array<i32>} : memref<2048xi32, #tpu.memory_space<vmem>>, vector<16xi32>,
          %add3A_1684 = arith.addi %mul3A_3, %add3A_1681 : i32
          %add3A_1685 = vector.broadcast %add3A_1684 : i32 to vector<16xi32>
          %add3A_1686 = arith.addi %add3A_1685, %iota3A : vector<16xi32>
          %eq3A_1687 = arith.constant 0 : i32
          %eq3A_1688 = vector.broadcast %eq3A_1687 : i32 to vector<16xi32>
          %eq3A_1689 = arith.cmpi eq, %get3A_1683, %eq3A_1688 : vector<16xi32>
          %ge3A_1690 = arith.constant 1 : i32
          %ge3A_1691 = vector.broadcast %ge3A_1690 : i32 to vector<16xi32>
          %ge3A_1692 = arith.cmpi sge, %add3A_1686, %ge3A_1691 : vector<16xi32>
          %and3A_1693 = arith.andi %eq3A_1689, %ge3A_1692 : vector<16xi1>
          %all_reduce_population_count3A_1694 = tpu.all_reduce %and3A_1693 {dim = 0 : i64, kind = #tpu.reduction_kind<sum>} : vector<16xi1> -> vector<16xi32>
          %min3A_1695 = arith.constant 64 : i32
          %min3A_1696 = arith.minsi %add3A_1677, %min3A_1695 : i32
          %swap3A_1697 = arith.index_cast %min3A_1696 : i32 to index
          %swap3A_1698 = tpu.vector_load %arg16[%swap3A_1697] masked %and3A_1693 {strides = array<i32>} : memref<80xi32, #tpu.memory_space<vmem>>, vector<16xi32>, vector<16xi1>
          tpu.vector_store %arg16[%swap3A_1697], %add3A_1686 masked %and3A_1693 {strides = array<i32>} : memref<80xi32, #tpu.memory_space<vmem>>, vector<16xi32>, vector<16xi1>
          %slice3A_1699 = vector.extract_strided_slice %all_reduce_population_count3A_1694 {offsets = [0], sizes = [1], strides = [1]} : vector<16xi32> to vector<1xi32>
          %squeeze3A_1700 = vector.extract %slice3A_1699[0] : i32 from vector<1xi32>
          %add3A_1701 = arith.addi %add3A_1677, %squeeze3A_1700 : i32
          %mul3A_1702 = arith.constant 256 : i32
          %mul3A_1703 = arith.muli %scan3A_1358, %mul3A_1702 : i32
          %add3A_1704 = arith.constant 224 : i32
          %add3A_1705 = arith.addi %mul3A_1703, %add3A_1704 : i32
          %get3A_1706 = arith.index_cast %add3A_1705 : i32 to index
          %get3A_1707 = tpu.vector_load %arg14[%get3A_1706] {strides = array<i32>} : memref<2048xi32, #tpu.memory_space<vmem>>, vector<16xi32>,
          %add3A_1708 = arith.addi %mul3A_3, %add3A_1705 : i32
          %add3A_1709 = vector.broadcast %add3A_1708 : i32 to vector<16xi32>
          %add3A_1710 = arith.addi %add3A_1709, %iota3A : vector<16xi32>
          %eq3A_1711 = arith.constant 0 : i32
          %eq3A_1712 = vector.broadcast %eq3A_1711 : i32 to vector<16xi32>
          %eq3A_1713 = arith.cmpi eq, %get3A_1707, %eq3A_1712 : vector<16xi32>
          %ge3A_1714 = arith.constant 1 : i32
          %ge3A_1715 = vector.broadcast %ge3A_1714 : i32 to vector<16xi32>
          %ge3A_1716 = arith.cmpi sge, %add3A_1710, %ge3A_1715 : vector<16xi32>
          %and3A_1717 = arith.andi %eq3A_1713, %ge3A_1716 : vector<16xi1>
          %all_reduce_population_count3A_1718 = tpu.all_reduce %and3A_1717 {dim = 0 : i64, kind = #tpu.reduction_kind<sum>} : vector<16xi1> -> vector<16xi32>
          %min3A_1719 = arith.constant 64 : i32
          %min3A_1720 = arith.minsi %add3A_1701, %min3A_1719 : i32
          %swap3A_1721 = arith.index_cast %min3A_1720 : i32 to index
          %swap3A_1722 = tpu.vector_load %arg16[%swap3A_1721] masked %and3A_1717 {strides = array<i32>} : memref<80xi32, #tpu.memory_space<vmem>>, vector<16xi32>, vector<16xi1>
          tpu.vector_store %arg16[%swap3A_1721], %add3A_1710 masked %and3A_1717 {strides = array<i32>} : memref<80xi32, #tpu.memory_space<vmem>>, vector<16xi32>, vector<16xi1>
          %slice3A_1723 = vector.extract_strided_slice %all_reduce_population_count3A_1718 {offsets = [0], sizes = [1], strides = [1]} : vector<16xi32> to vector<1xi32>
          %squeeze3A_1724 = vector.extract %slice3A_1723[0] : i32 from vector<1xi32>
          %add3A_1725 = arith.addi %add3A_1701, %squeeze3A_1724 : i32
          %mul3A_1726 = arith.constant 256 : i32
          %mul3A_1727 = arith.muli %scan3A_1358, %mul3A_1726 : i32
          %add3A_1728 = arith.constant 240 : i32
          %add3A_1729 = arith.addi %mul3A_1727, %add3A_1728 : i32
          %get3A_1730 = arith.index_cast %add3A_1729 : i32 to index
          %get3A_1731 = tpu.vector_load %arg14[%get3A_1730] {strides = array<i32>} : memref<2048xi32, #tpu.memory_space<vmem>>, vector<16xi32>,
          %add3A_1732 = arith.addi %mul3A_3, %add3A_1729 : i32
          %add3A_1733 = vector.broadcast %add3A_1732 : i32 to vector<16xi32>
          %add3A_1734 = arith.addi %add3A_1733, %iota3A : vector<16xi32>
          %eq3A_1735 = arith.constant 0 : i32
          %eq3A_1736 = vector.broadcast %eq3A_1735 : i32 to vector<16xi32>
          %eq3A_1737 = arith.cmpi eq, %get3A_1731, %eq3A_1736 : vector<16xi32>
          %ge3A_1738 = arith.constant 1 : i32
          %ge3A_1739 = vector.broadcast %ge3A_1738 : i32 to vector<16xi32>
          %ge3A_1740 = arith.cmpi sge, %add3A_1734, %ge3A_1739 : vector<16xi32>
          %and3A_1741 = arith.andi %eq3A_1737, %ge3A_1740 : vector<16xi1>
          %all_reduce_population_count3A_1742 = tpu.all_reduce %and3A_1741 {dim = 0 : i64, kind = #tpu.reduction_kind<sum>} : vector<16xi1> -> vector<16xi32>
          %min3A_1743 = arith.constant 64 : i32
          %min3A_1744 = arith.minsi %add3A_1725, %min3A_1743 : i32
          %swap3A_1745 = arith.index_cast %min3A_1744 : i32 to index
          %swap3A_1746 = tpu.vector_load %arg16[%swap3A_1745] masked %and3A_1741 {strides = array<i32>} : memref<80xi32, #tpu.memory_space<vmem>>, vector<16xi32>, vector<16xi1>
          tpu.vector_store %arg16[%swap3A_1745], %add3A_1734 masked %and3A_1741 {strides = array<i32>} : memref<80xi32, #tpu.memory_space<vmem>>, vector<16xi32>, vector<16xi1>
          %slice3A_1747 = vector.extract_strided_slice %all_reduce_population_count3A_1742 {offsets = [0], sizes = [1], strides = [1]} : vector<16xi32> to vector<1xi32>
          %squeeze3A_1748 = vector.extract %slice3A_1747[0] : i32 from vector<1xi32>
          %add3A_1749 = arith.addi %add3A_1725, %squeeze3A_1748 : i32
          %swap3A_1750 = arith.constant 0 : i32
          %swap3A_1751 = arith.index_cast %swap3A_1750 : i32 to index
          %swap3A_1752 = memref.load %arg30[%swap3A_1751] : memref<1xi32, #tpu.memory_space<smem>>
          memref.store %add3A_1749, %arg30[%swap3A_1751] : memref<1xi32, #tpu.memory_space<smem>>
        } else {
        }
      }
      %scan3A_757 = arith.constant 8 : i32
      %get3A_758 = arith.constant 0 : i32
      %get3A_759 = arith.index_cast %get3A_758 : i32 to index
      %get3A_760 = memref.load %arg30[%get3A_759] : memref<1xi32, #tpu.memory_space<smem>>
      %broadcast_in_dim3A_761 = vector.broadcast %get3A_760 : i32 to vector<16xi32>
      %swap3A_762 = arith.constant 64 : index
      %swap3A_763 = tpu.vector_load %arg16[%swap3A_762] {strides = array<i32>} : memref<80xi32, #tpu.memory_space<vmem>>, vector<16xi32>,
      tpu.vector_store %arg16[%swap3A_762], %broadcast_in_dim3A_761 {strides = array<i32>} : memref<80xi32, #tpu.memory_space<vmem>>, vector<16xi32>,
      "tpu.region"() ({
        %run_scoped3A = tpu.sem_alloc : memref<!tpu.dma_semaphore, #tpu.memory_space<semaphore_mem>>
        %dma_start3A_1358 = arith.constant 0 : i32
        %dma_start3A_1359 = tpu.memref_slice %arg32[%arg1, %dma_start3A_1358] : memref<128x80xi32, #tpu.memory_space<vmem_shared>> -> memref<1x80xi32, #tpu.memory_space<vmem_shared>>
        %dma_start3A_1360 = tpu.memref_squeeze %dma_start3A_1359 : memref<1x80xi32, #tpu.memory_space<vmem_shared>> -> memref<80xi32, #tpu.memory_space<vmem_shared>>
        %dma_start3A_1361 = arith.constant 0 : i32
        %dma_start3A_1362 = tpu.memref_slice %arg32[%arg1, %dma_start3A_1361] : memref<128x80xi32, #tpu.memory_space<vmem_shared>> -> memref<1x80xi32, #tpu.memory_space<vmem_shared>>
        %dma_start3A_1363 = tpu.memref_squeeze %dma_start3A_1362 : memref<1x80xi32, #tpu.memory_space<vmem_shared>> -> memref<80xi32, #tpu.memory_space<vmem_shared>>
        tpu.enqueue_dma source(%arg16 : memref<80xi32, #tpu.memory_space<vmem>>) target(%dma_start3A_1363 : memref<80xi32, #tpu.memory_space<vmem_shared>>) target_semaphore(%run_scoped3A : memref<!tpu.dma_semaphore, #tpu.memory_space<semaphore_mem>>)
        %dma_wait3A_1364 = arith.constant 0 : i32
        %dma_wait3A_1365 = tpu.memref_slice %arg32[%arg1, %dma_wait3A_1364] : memref<128x80xi32, #tpu.memory_space<vmem_shared>> -> memref<1x80xi32, #tpu.memory_space<vmem_shared>>
        %dma_wait3A_1366 = tpu.memref_squeeze %dma_wait3A_1365 : memref<1x80xi32, #tpu.memory_space<vmem_shared>> -> memref<80xi32, #tpu.memory_space<vmem_shared>>
        %dma_wait3A_1367 = arith.constant 0 : i32
        %dma_wait3A_1368 = tpu.memref_slice %arg32[%arg1, %dma_wait3A_1367] : memref<128x80xi32, #tpu.memory_space<vmem_shared>> -> memref<1x80xi32, #tpu.memory_space<vmem_shared>>
        %dma_wait3A_1369 = tpu.memref_squeeze %dma_wait3A_1368 : memref<1x80xi32, #tpu.memory_space<vmem_shared>> -> memref<80xi32, #tpu.memory_space<vmem_shared>>
        tpu.wait_dma2 semaphore(%run_scoped3A : memref<!tpu.dma_semaphore, #tpu.memory_space<semaphore_mem>>) src(%arg16 : memref<80xi32, #tpu.memory_space<vmem>>) dst(%dma_wait3A_1369 : memref<80xi32, #tpu.memory_space<vmem_shared>>)
        tpu.yield
      }) : () -> ()
      %barrier3A = arith.constant 0 : index
      tpu.barrier barrier_id(%barrier3A)
      "tpu.region"() ({
        %run_scoped3A = tpu.sem_alloc : memref<!tpu.dma_semaphore, #tpu.memory_space<semaphore_mem>>
        %dma_start3A_1358 = arith.constant 0 : i32
        %dma_start3A_1359 = arith.constant 0 : i32
        %dma_start3A_1360 = tpu.memref_slice %arg32[%dma_start3A_1358, %dma_start3A_1359] : memref<128x80xi32, #tpu.memory_space<vmem_shared>> -> memref<16x80xi32, #tpu.memory_space<vmem_shared>>
        %dma_start3A_1361 = arith.constant 0 : i32
        %dma_start3A_1362 = arith.constant 0 : i32
        %dma_start3A_1363 = tpu.memref_slice %arg32[%dma_start3A_1361, %dma_start3A_1362] : memref<128x80xi32, #tpu.memory_space<vmem_shared>> -> memref<16x80xi32, #tpu.memory_space<vmem_shared>>
        tpu.enqueue_dma source(%dma_start3A_1363 : memref<16x80xi32, #tpu.memory_space<vmem_shared>>) target(%arg17 : memref<16x80xi32, #tpu.memory_space<vmem>>) target_semaphore(%run_scoped3A : memref<!tpu.dma_semaphore, #tpu.memory_space<semaphore_mem>>)
        %dma_wait3A_1364 = arith.constant 0 : i32
        %dma_wait3A_1365 = arith.constant 0 : i32
        %dma_wait3A_1366 = tpu.memref_slice %arg32[%dma_wait3A_1364, %dma_wait3A_1365] : memref<128x80xi32, #tpu.memory_space<vmem_shared>> -> memref<16x80xi32, #tpu.memory_space<vmem_shared>>
        %dma_wait3A_1367 = arith.constant 0 : i32
        %dma_wait3A_1368 = arith.constant 0 : i32
        %dma_wait3A_1369 = tpu.memref_slice %arg32[%dma_wait3A_1367, %dma_wait3A_1368] : memref<128x80xi32, #tpu.memory_space<vmem_shared>> -> memref<16x80xi32, #tpu.memory_space<vmem_shared>>
        tpu.wait_dma2 semaphore(%run_scoped3A : memref<!tpu.dma_semaphore, #tpu.memory_space<semaphore_mem>>) src(%dma_wait3A_1369 : memref<16x80xi32, #tpu.memory_space<vmem_shared>>) dst(%arg17 : memref<16x80xi32, #tpu.memory_space<vmem>>)
        tpu.yield
      }) : () -> ()
      %broadcast_in_dim3A_764 = arith.constant 64 : i32
      %broadcast_in_dim3A_765 = vector.broadcast %broadcast_in_dim3A_764 : i32 to vector<16xi32>
      %gather3A_766 = tpu.vector_load_idx %arg17[%iota3A, %broadcast_in_dim3A_765] : memref<16x80xi32, #tpu.memory_space<vmem>>[vector<16xi32>, vector<16xi32>], vector<16xi32>,
      %broadcast_in_dim3A_767 = arith.constant true
      %broadcast_in_dim3A_768 = vector.broadcast %broadcast_in_dim3A_767 : i1 to vector<16xi1>
      %masked_cumsum3A_769 = tpu.scan <sum>, %gather3A_766 masked %broadcast_in_dim3A_768 : vector<16xi32>, vector<16xi1> -> vector<16xi32>
      %sub3A_770 = arith.subi %masked_cumsum3A_769, %gather3A_766 : vector<16xi32>
      %swap3A_771 = arith.constant 0 : index
      %swap3A_772 = tpu.vector_load %arg18[%swap3A_771] {strides = array<i32>} : memref<16xi32, #tpu.memory_space<vmem>>, vector<16xi32>,
      tpu.vector_store %arg18[%swap3A_771], %sub3A_770 {strides = array<i32>} : memref<16xi32, #tpu.memory_space<vmem>>, vector<16xi32>,
      %swap3A_773 = arith.constant 0 : index
      %swap3A_774 = tpu.vector_load %arg19[%swap3A_773] {strides = array<i32>} : memref<16xi32, #tpu.memory_space<vmem>>, vector<16xi32>,
      tpu.vector_store %arg19[%swap3A_773], %masked_cumsum3A_769 {strides = array<i32>} : memref<16xi32, #tpu.memory_space<vmem>>, vector<16xi32>,
      %broadcast_in_dim3A_775 = arith.constant 15 : i32
      %broadcast_in_dim3A_776 = vector.broadcast %broadcast_in_dim3A_775 : i32 to vector<16xi32>
      %gather3A_777 = tpu.vector_load_idx %arg19[%broadcast_in_dim3A_776] : memref<16xi32, #tpu.memory_space<vmem>>[vector<16xi32>], vector<16xi32>,
      %add3A_778 = arith.constant 0 : i32
      %add3A_779 = vector.broadcast %add3A_778 : i32 to vector<16xi32>
      %add3A_780 = arith.addi %add3A_779, %iota3A : vector<16xi32>
      %broadcast_in_dim3A_781 = arith.constant 0 : i32
      %broadcast_in_dim3A_782 = vector.broadcast %broadcast_in_dim3A_781 : i32 to vector<16xi32>
      %gather3A_783 = tpu.vector_load_idx %arg18[%broadcast_in_dim3A_782] : memref<16xi32, #tpu.memory_space<vmem>>[vector<16xi32>], vector<16xi32>,
      %le3A = arith.cmpi sle, %gather3A_783, %add3A_780 : vector<16xi32>
      %broadcast_in_dim3A_784 = arith.constant 0 : i32
      %broadcast_in_dim3A_785 = vector.broadcast %broadcast_in_dim3A_784 : i32 to vector<16xi32>
      %select_n3A_786 = arith.select %le3A, %broadcast_in_dim3A_785, %broadcast_in_dim3A_0 : vector<16xi1>, vector<16xi32>
      %select_n3A_787 = arith.select %le3A, %gather3A_783, %broadcast_in_dim3A_0 : vector<16xi1>, vector<16xi32>
      %broadcast_in_dim3A_788 = arith.constant 1 : i32
      %broadcast_in_dim3A_789 = vector.broadcast %broadcast_in_dim3A_788 : i32 to vector<16xi32>
      %gather3A_790 = tpu.vector_load_idx %arg18[%broadcast_in_dim3A_789] : memref<16xi32, #tpu.memory_space<vmem>>[vector<16xi32>], vector<16xi32>,
      %le3A_791 = arith.cmpi sle, %gather3A_790, %add3A_780 : vector<16xi32>
      %broadcast_in_dim3A_792 = arith.constant 1 : i32
      %broadcast_in_dim3A_793 = vector.broadcast %broadcast_in_dim3A_792 : i32 to vector<16xi32>
      %select_n3A_794 = arith.select %le3A_791, %broadcast_in_dim3A_793, %select_n3A_786 : vector<16xi1>, vector<16xi32>
      %select_n3A_795 = arith.select %le3A_791, %gather3A_790, %select_n3A_787 : vector<16xi1>, vector<16xi32>
      %broadcast_in_dim3A_796 = arith.constant 2 : i32
      %broadcast_in_dim3A_797 = vector.broadcast %broadcast_in_dim3A_796 : i32 to vector<16xi32>
      %gather3A_798 = tpu.vector_load_idx %arg18[%broadcast_in_dim3A_797] : memref<16xi32, #tpu.memory_space<vmem>>[vector<16xi32>], vector<16xi32>,
      %le3A_799 = arith.cmpi sle, %gather3A_798, %add3A_780 : vector<16xi32>
      %broadcast_in_dim3A_800 = arith.constant 2 : i32
      %broadcast_in_dim3A_801 = vector.broadcast %broadcast_in_dim3A_800 : i32 to vector<16xi32>
      %select_n3A_802 = arith.select %le3A_799, %broadcast_in_dim3A_801, %select_n3A_794 : vector<16xi1>, vector<16xi32>
      %select_n3A_803 = arith.select %le3A_799, %gather3A_798, %select_n3A_795 : vector<16xi1>, vector<16xi32>
      %broadcast_in_dim3A_804 = arith.constant 3 : i32
      %broadcast_in_dim3A_805 = vector.broadcast %broadcast_in_dim3A_804 : i32 to vector<16xi32>
      %gather3A_806 = tpu.vector_load_idx %arg18[%broadcast_in_dim3A_805] : memref<16xi32, #tpu.memory_space<vmem>>[vector<16xi32>], vector<16xi32>,
      %le3A_807 = arith.cmpi sle, %gather3A_806, %add3A_780 : vector<16xi32>
      %broadcast_in_dim3A_808 = arith.constant 3 : i32
      %broadcast_in_dim3A_809 = vector.broadcast %broadcast_in_dim3A_808 : i32 to vector<16xi32>
      %select_n3A_810 = arith.select %le3A_807, %broadcast_in_dim3A_809, %select_n3A_802 : vector<16xi1>, vector<16xi32>
      %select_n3A_811 = arith.select %le3A_807, %gather3A_806, %select_n3A_803 : vector<16xi1>, vector<16xi32>
      %broadcast_in_dim3A_812 = arith.constant 4 : i32
      %broadcast_in_dim3A_813 = vector.broadcast %broadcast_in_dim3A_812 : i32 to vector<16xi32>
      %gather3A_814 = tpu.vector_load_idx %arg18[%broadcast_in_dim3A_813] : memref<16xi32, #tpu.memory_space<vmem>>[vector<16xi32>], vector<16xi32>,
      %le3A_815 = arith.cmpi sle, %gather3A_814, %add3A_780 : vector<16xi32>
      %broadcast_in_dim3A_816 = arith.constant 4 : i32
      %broadcast_in_dim3A_817 = vector.broadcast %broadcast_in_dim3A_816 : i32 to vector<16xi32>
      %select_n3A_818 = arith.select %le3A_815, %broadcast_in_dim3A_817, %select_n3A_810 : vector<16xi1>, vector<16xi32>
      %select_n3A_819 = arith.select %le3A_815, %gather3A_814, %select_n3A_811 : vector<16xi1>, vector<16xi32>
      %broadcast_in_dim3A_820 = arith.constant 5 : i32
      %broadcast_in_dim3A_821 = vector.broadcast %broadcast_in_dim3A_820 : i32 to vector<16xi32>
      %gather3A_822 = tpu.vector_load_idx %arg18[%broadcast_in_dim3A_821] : memref<16xi32, #tpu.memory_space<vmem>>[vector<16xi32>], vector<16xi32>,
      %le3A_823 = arith.cmpi sle, %gather3A_822, %add3A_780 : vector<16xi32>
      %broadcast_in_dim3A_824 = arith.constant 5 : i32
      %broadcast_in_dim3A_825 = vector.broadcast %broadcast_in_dim3A_824 : i32 to vector<16xi32>
      %select_n3A_826 = arith.select %le3A_823, %broadcast_in_dim3A_825, %select_n3A_818 : vector<16xi1>, vector<16xi32>
      %select_n3A_827 = arith.select %le3A_823, %gather3A_822, %select_n3A_819 : vector<16xi1>, vector<16xi32>
      %broadcast_in_dim3A_828 = arith.constant 6 : i32
      %broadcast_in_dim3A_829 = vector.broadcast %broadcast_in_dim3A_828 : i32 to vector<16xi32>
      %gather3A_830 = tpu.vector_load_idx %arg18[%broadcast_in_dim3A_829] : memref<16xi32, #tpu.memory_space<vmem>>[vector<16xi32>], vector<16xi32>,
      %le3A_831 = arith.cmpi sle, %gather3A_830, %add3A_780 : vector<16xi32>
      %broadcast_in_dim3A_832 = arith.constant 6 : i32
      %broadcast_in_dim3A_833 = vector.broadcast %broadcast_in_dim3A_832 : i32 to vector<16xi32>
      %select_n3A_834 = arith.select %le3A_831, %broadcast_in_dim3A_833, %select_n3A_826 : vector<16xi1>, vector<16xi32>
      %select_n3A_835 = arith.select %le3A_831, %gather3A_830, %select_n3A_827 : vector<16xi1>, vector<16xi32>
      %broadcast_in_dim3A_836 = arith.constant 7 : i32
      %broadcast_in_dim3A_837 = vector.broadcast %broadcast_in_dim3A_836 : i32 to vector<16xi32>
      %gather3A_838 = tpu.vector_load_idx %arg18[%broadcast_in_dim3A_837] : memref<16xi32, #tpu.memory_space<vmem>>[vector<16xi32>], vector<16xi32>,
      %le3A_839 = arith.cmpi sle, %gather3A_838, %add3A_780 : vector<16xi32>
      %broadcast_in_dim3A_840 = arith.constant 7 : i32
      %broadcast_in_dim3A_841 = vector.broadcast %broadcast_in_dim3A_840 : i32 to vector<16xi32>
      %select_n3A_842 = arith.select %le3A_839, %broadcast_in_dim3A_841, %select_n3A_834 : vector<16xi1>, vector<16xi32>
      %select_n3A_843 = arith.select %le3A_839, %gather3A_838, %select_n3A_835 : vector<16xi1>, vector<16xi32>
      %broadcast_in_dim3A_844 = arith.constant 8 : i32
      %broadcast_in_dim3A_845 = vector.broadcast %broadcast_in_dim3A_844 : i32 to vector<16xi32>
      %gather3A_846 = tpu.vector_load_idx %arg18[%broadcast_in_dim3A_845] : memref<16xi32, #tpu.memory_space<vmem>>[vector<16xi32>], vector<16xi32>,
      %le3A_847 = arith.cmpi sle, %gather3A_846, %add3A_780 : vector<16xi32>
      %broadcast_in_dim3A_848 = arith.constant 8 : i32
      %broadcast_in_dim3A_849 = vector.broadcast %broadcast_in_dim3A_848 : i32 to vector<16xi32>
      %select_n3A_850 = arith.select %le3A_847, %broadcast_in_dim3A_849, %select_n3A_842 : vector<16xi1>, vector<16xi32>
      %select_n3A_851 = arith.select %le3A_847, %gather3A_846, %select_n3A_843 : vector<16xi1>, vector<16xi32>
      %broadcast_in_dim3A_852 = arith.constant 9 : i32
      %broadcast_in_dim3A_853 = vector.broadcast %broadcast_in_dim3A_852 : i32 to vector<16xi32>
      %gather3A_854 = tpu.vector_load_idx %arg18[%broadcast_in_dim3A_853] : memref<16xi32, #tpu.memory_space<vmem>>[vector<16xi32>], vector<16xi32>,
      %le3A_855 = arith.cmpi sle, %gather3A_854, %add3A_780 : vector<16xi32>
      %broadcast_in_dim3A_856 = arith.constant 9 : i32
      %broadcast_in_dim3A_857 = vector.broadcast %broadcast_in_dim3A_856 : i32 to vector<16xi32>
      %select_n3A_858 = arith.select %le3A_855, %broadcast_in_dim3A_857, %select_n3A_850 : vector<16xi1>, vector<16xi32>
      %select_n3A_859 = arith.select %le3A_855, %gather3A_854, %select_n3A_851 : vector<16xi1>, vector<16xi32>
      %broadcast_in_dim3A_860 = arith.constant 10 : i32
      %broadcast_in_dim3A_861 = vector.broadcast %broadcast_in_dim3A_860 : i32 to vector<16xi32>
      %gather3A_862 = tpu.vector_load_idx %arg18[%broadcast_in_dim3A_861] : memref<16xi32, #tpu.memory_space<vmem>>[vector<16xi32>], vector<16xi32>,
      %le3A_863 = arith.cmpi sle, %gather3A_862, %add3A_780 : vector<16xi32>
      %broadcast_in_dim3A_864 = arith.constant 10 : i32
      %broadcast_in_dim3A_865 = vector.broadcast %broadcast_in_dim3A_864 : i32 to vector<16xi32>
      %select_n3A_866 = arith.select %le3A_863, %broadcast_in_dim3A_865, %select_n3A_858 : vector<16xi1>, vector<16xi32>
      %select_n3A_867 = arith.select %le3A_863, %gather3A_862, %select_n3A_859 : vector<16xi1>, vector<16xi32>
      %broadcast_in_dim3A_868 = arith.constant 11 : i32
      %broadcast_in_dim3A_869 = vector.broadcast %broadcast_in_dim3A_868 : i32 to vector<16xi32>
      %gather3A_870 = tpu.vector_load_idx %arg18[%broadcast_in_dim3A_869] : memref<16xi32, #tpu.memory_space<vmem>>[vector<16xi32>], vector<16xi32>,
      %le3A_871 = arith.cmpi sle, %gather3A_870, %add3A_780 : vector<16xi32>
      %broadcast_in_dim3A_872 = arith.constant 11 : i32
      %broadcast_in_dim3A_873 = vector.broadcast %broadcast_in_dim3A_872 : i32 to vector<16xi32>
      %select_n3A_874 = arith.select %le3A_871, %broadcast_in_dim3A_873, %select_n3A_866 : vector<16xi1>, vector<16xi32>
      %select_n3A_875 = arith.select %le3A_871, %gather3A_870, %select_n3A_867 : vector<16xi1>, vector<16xi32>
      %broadcast_in_dim3A_876 = arith.constant 12 : i32
      %broadcast_in_dim3A_877 = vector.broadcast %broadcast_in_dim3A_876 : i32 to vector<16xi32>
      %gather3A_878 = tpu.vector_load_idx %arg18[%broadcast_in_dim3A_877] : memref<16xi32, #tpu.memory_space<vmem>>[vector<16xi32>], vector<16xi32>,
      %le3A_879 = arith.cmpi sle, %gather3A_878, %add3A_780 : vector<16xi32>
      %broadcast_in_dim3A_880 = arith.constant 12 : i32
      %broadcast_in_dim3A_881 = vector.broadcast %broadcast_in_dim3A_880 : i32 to vector<16xi32>
      %select_n3A_882 = arith.select %le3A_879, %broadcast_in_dim3A_881, %select_n3A_874 : vector<16xi1>, vector<16xi32>
      %select_n3A_883 = arith.select %le3A_879, %gather3A_878, %select_n3A_875 : vector<16xi1>, vector<16xi32>
      %broadcast_in_dim3A_884 = arith.constant 13 : i32
      %broadcast_in_dim3A_885 = vector.broadcast %broadcast_in_dim3A_884 : i32 to vector<16xi32>
      %gather3A_886 = tpu.vector_load_idx %arg18[%broadcast_in_dim3A_885] : memref<16xi32, #tpu.memory_space<vmem>>[vector<16xi32>], vector<16xi32>,
      %le3A_887 = arith.cmpi sle, %gather3A_886, %add3A_780 : vector<16xi32>
      %broadcast_in_dim3A_888 = arith.constant 13 : i32
      %broadcast_in_dim3A_889 = vector.broadcast %broadcast_in_dim3A_888 : i32 to vector<16xi32>
      %select_n3A_890 = arith.select %le3A_887, %broadcast_in_dim3A_889, %select_n3A_882 : vector<16xi1>, vector<16xi32>
      %select_n3A_891 = arith.select %le3A_887, %gather3A_886, %select_n3A_883 : vector<16xi1>, vector<16xi32>
      %broadcast_in_dim3A_892 = arith.constant 14 : i32
      %broadcast_in_dim3A_893 = vector.broadcast %broadcast_in_dim3A_892 : i32 to vector<16xi32>
      %gather3A_894 = tpu.vector_load_idx %arg18[%broadcast_in_dim3A_893] : memref<16xi32, #tpu.memory_space<vmem>>[vector<16xi32>], vector<16xi32>,
      %le3A_895 = arith.cmpi sle, %gather3A_894, %add3A_780 : vector<16xi32>
      %broadcast_in_dim3A_896 = arith.constant 14 : i32
      %broadcast_in_dim3A_897 = vector.broadcast %broadcast_in_dim3A_896 : i32 to vector<16xi32>
      %select_n3A_898 = arith.select %le3A_895, %broadcast_in_dim3A_897, %select_n3A_890 : vector<16xi1>, vector<16xi32>
      %select_n3A_899 = arith.select %le3A_895, %gather3A_894, %select_n3A_891 : vector<16xi1>, vector<16xi32>
      %broadcast_in_dim3A_900 = arith.constant 15 : i32
      %broadcast_in_dim3A_901 = vector.broadcast %broadcast_in_dim3A_900 : i32 to vector<16xi32>
      %gather3A_902 = tpu.vector_load_idx %arg18[%broadcast_in_dim3A_901] : memref<16xi32, #tpu.memory_space<vmem>>[vector<16xi32>], vector<16xi32>,
      %le3A_903 = arith.cmpi sle, %gather3A_902, %add3A_780 : vector<16xi32>
      %broadcast_in_dim3A_904 = arith.constant 15 : i32
      %broadcast_in_dim3A_905 = vector.broadcast %broadcast_in_dim3A_904 : i32 to vector<16xi32>
      %select_n3A_906 = arith.select %le3A_903, %broadcast_in_dim3A_905, %select_n3A_898 : vector<16xi1>, vector<16xi32>
      %select_n3A_907 = arith.select %le3A_903, %gather3A_902, %select_n3A_899 : vector<16xi1>, vector<16xi32>
      %sub3A_908 = arith.subi %add3A_780, %select_n3A_907 : vector<16xi32>
      %jit3A_909 = arith.constant 0 : i32
      %jit3A_910 = arith.constant 63 : i32
      %max3A_911 = vector.broadcast %jit3A_909 : i32 to vector<16xi32>
      %max3A_912 = arith.maxsi %max3A_911, %sub3A_908 : vector<16xi32>
      %min3A_913 = vector.broadcast %jit3A_910 : i32 to vector<16xi32>
      %min3A_914 = arith.minsi %min3A_913, %max3A_912 : vector<16xi32>
      %lt3A_915 = arith.cmpi slt, %add3A_780, %gather3A_777 : vector<16xi32>
      %gather3A_916 = tpu.vector_load_idx %arg17[%select_n3A_906, %min3A_914] masked %lt3A_915 : memref<16x80xi32, #tpu.memory_space<vmem>>[vector<16xi32>, vector<16xi32>], vector<16xi32>, vector<16xi1>
      %jit3A_917 = arith.constant 0 : i32
      %broadcast_in_dim3A_918 = vector.broadcast %jit3A_917 : i32 to vector<16xi32>
      %select_n3A_919 = arith.select %lt3A_915, %gather3A_916, %broadcast_in_dim3A_918 : vector<16xi1>, vector<16xi32>
      %swap3A_920 = arith.constant 0 : index
      %swap3A_921 = tpu.vector_load %arg20[%swap3A_920] {strides = array<i32>} : memref<64xi32, #tpu.memory_space<vmem>>, vector<16xi32>,
      tpu.vector_store %arg20[%swap3A_920], %select_n3A_919 {strides = array<i32>} : memref<64xi32, #tpu.memory_space<vmem>>, vector<16xi32>,
      %add3A_922 = arith.constant 16 : i32
      %add3A_923 = vector.broadcast %add3A_922 : i32 to vector<16xi32>
      %add3A_924 = arith.addi %add3A_923, %iota3A : vector<16xi32>
      %broadcast_in_dim3A_925 = arith.constant 0 : i32
      %broadcast_in_dim3A_926 = vector.broadcast %broadcast_in_dim3A_925 : i32 to vector<16xi32>
      %gather3A_927 = tpu.vector_load_idx %arg18[%broadcast_in_dim3A_926] : memref<16xi32, #tpu.memory_space<vmem>>[vector<16xi32>], vector<16xi32>,
      %le3A_928 = arith.cmpi sle, %gather3A_927, %add3A_924 : vector<16xi32>
      %broadcast_in_dim3A_929 = arith.constant 0 : i32
      %broadcast_in_dim3A_930 = vector.broadcast %broadcast_in_dim3A_929 : i32 to vector<16xi32>
      %select_n3A_931 = arith.select %le3A_928, %broadcast_in_dim3A_930, %broadcast_in_dim3A_0 : vector<16xi1>, vector<16xi32>
      %select_n3A_932 = arith.select %le3A_928, %gather3A_927, %broadcast_in_dim3A_0 : vector<16xi1>, vector<16xi32>
      %broadcast_in_dim3A_933 = arith.constant 1 : i32
      %broadcast_in_dim3A_934 = vector.broadcast %broadcast_in_dim3A_933 : i32 to vector<16xi32>
      %gather3A_935 = tpu.vector_load_idx %arg18[%broadcast_in_dim3A_934] : memref<16xi32, #tpu.memory_space<vmem>>[vector<16xi32>], vector<16xi32>,
      %le3A_936 = arith.cmpi sle, %gather3A_935, %add3A_924 : vector<16xi32>
      %broadcast_in_dim3A_937 = arith.constant 1 : i32
      %broadcast_in_dim3A_938 = vector.broadcast %broadcast_in_dim3A_937 : i32 to vector<16xi32>
      %select_n3A_939 = arith.select %le3A_936, %broadcast_in_dim3A_938, %select_n3A_931 : vector<16xi1>, vector<16xi32>
      %select_n3A_940 = arith.select %le3A_936, %gather3A_935, %select_n3A_932 : vector<16xi1>, vector<16xi32>
      %broadcast_in_dim3A_941 = arith.constant 2 : i32
      %broadcast_in_dim3A_942 = vector.broadcast %broadcast_in_dim3A_941 : i32 to vector<16xi32>
      %gather3A_943 = tpu.vector_load_idx %arg18[%broadcast_in_dim3A_942] : memref<16xi32, #tpu.memory_space<vmem>>[vector<16xi32>], vector<16xi32>,
      %le3A_944 = arith.cmpi sle, %gather3A_943, %add3A_924 : vector<16xi32>
      %broadcast_in_dim3A_945 = arith.constant 2 : i32
      %broadcast_in_dim3A_946 = vector.broadcast %broadcast_in_dim3A_945 : i32 to vector<16xi32>
      %select_n3A_947 = arith.select %le3A_944, %broadcast_in_dim3A_946, %select_n3A_939 : vector<16xi1>, vector<16xi32>
      %select_n3A_948 = arith.select %le3A_944, %gather3A_943, %select_n3A_940 : vector<16xi1>, vector<16xi32>
      %broadcast_in_dim3A_949 = arith.constant 3 : i32
      %broadcast_in_dim3A_950 = vector.broadcast %broadcast_in_dim3A_949 : i32 to vector<16xi32>
      %gather3A_951 = tpu.vector_load_idx %arg18[%broadcast_in_dim3A_950] : memref<16xi32, #tpu.memory_space<vmem>>[vector<16xi32>], vector<16xi32>,
      %le3A_952 = arith.cmpi sle, %gather3A_951, %add3A_924 : vector<16xi32>
      %broadcast_in_dim3A_953 = arith.constant 3 : i32
      %broadcast_in_dim3A_954 = vector.broadcast %broadcast_in_dim3A_953 : i32 to vector<16xi32>
      %select_n3A_955 = arith.select %le3A_952, %broadcast_in_dim3A_954, %select_n3A_947 : vector<16xi1>, vector<16xi32>
      %select_n3A_956 = arith.select %le3A_952, %gather3A_951, %select_n3A_948 : vector<16xi1>, vector<16xi32>
      %broadcast_in_dim3A_957 = arith.constant 4 : i32
      %broadcast_in_dim3A_958 = vector.broadcast %broadcast_in_dim3A_957 : i32 to vector<16xi32>
      %gather3A_959 = tpu.vector_load_idx %arg18[%broadcast_in_dim3A_958] : memref<16xi32, #tpu.memory_space<vmem>>[vector<16xi32>], vector<16xi32>,
      %le3A_960 = arith.cmpi sle, %gather3A_959, %add3A_924 : vector<16xi32>
      %broadcast_in_dim3A_961 = arith.constant 4 : i32
      %broadcast_in_dim3A_962 = vector.broadcast %broadcast_in_dim3A_961 : i32 to vector<16xi32>
      %select_n3A_963 = arith.select %le3A_960, %broadcast_in_dim3A_962, %select_n3A_955 : vector<16xi1>, vector<16xi32>
      %select_n3A_964 = arith.select %le3A_960, %gather3A_959, %select_n3A_956 : vector<16xi1>, vector<16xi32>
      %broadcast_in_dim3A_965 = arith.constant 5 : i32
      %broadcast_in_dim3A_966 = vector.broadcast %broadcast_in_dim3A_965 : i32 to vector<16xi32>
      %gather3A_967 = tpu.vector_load_idx %arg18[%broadcast_in_dim3A_966] : memref<16xi32, #tpu.memory_space<vmem>>[vector<16xi32>], vector<16xi32>,
      %le3A_968 = arith.cmpi sle, %gather3A_967, %add3A_924 : vector<16xi32>
      %broadcast_in_dim3A_969 = arith.constant 5 : i32
      %broadcast_in_dim3A_970 = vector.broadcast %broadcast_in_dim3A_969 : i32 to vector<16xi32>
      %select_n3A_971 = arith.select %le3A_968, %broadcast_in_dim3A_970, %select_n3A_963 : vector<16xi1>, vector<16xi32>
      %select_n3A_972 = arith.select %le3A_968, %gather3A_967, %select_n3A_964 : vector<16xi1>, vector<16xi32>
      %broadcast_in_dim3A_973 = arith.constant 6 : i32
      %broadcast_in_dim3A_974 = vector.broadcast %broadcast_in_dim3A_973 : i32 to vector<16xi32>
      %gather3A_975 = tpu.vector_load_idx %arg18[%broadcast_in_dim3A_974] : memref<16xi32, #tpu.memory_space<vmem>>[vector<16xi32>], vector<16xi32>,
      %le3A_976 = arith.cmpi sle, %gather3A_975, %add3A_924 : vector<16xi32>
      %broadcast_in_dim3A_977 = arith.constant 6 : i32
      %broadcast_in_dim3A_978 = vector.broadcast %broadcast_in_dim3A_977 : i32 to vector<16xi32>
      %select_n3A_979 = arith.select %le3A_976, %broadcast_in_dim3A_978, %select_n3A_971 : vector<16xi1>, vector<16xi32>
      %select_n3A_980 = arith.select %le3A_976, %gather3A_975, %select_n3A_972 : vector<16xi1>, vector<16xi32>
      %broadcast_in_dim3A_981 = arith.constant 7 : i32
      %broadcast_in_dim3A_982 = vector.broadcast %broadcast_in_dim3A_981 : i32 to vector<16xi32>
      %gather3A_983 = tpu.vector_load_idx %arg18[%broadcast_in_dim3A_982] : memref<16xi32, #tpu.memory_space<vmem>>[vector<16xi32>], vector<16xi32>,
      %le3A_984 = arith.cmpi sle, %gather3A_983, %add3A_924 : vector<16xi32>
      %broadcast_in_dim3A_985 = arith.constant 7 : i32
      %broadcast_in_dim3A_986 = vector.broadcast %broadcast_in_dim3A_985 : i32 to vector<16xi32>
      %select_n3A_987 = arith.select %le3A_984, %broadcast_in_dim3A_986, %select_n3A_979 : vector<16xi1>, vector<16xi32>
      %select_n3A_988 = arith.select %le3A_984, %gather3A_983, %select_n3A_980 : vector<16xi1>, vector<16xi32>
      %broadcast_in_dim3A_989 = arith.constant 8 : i32
      %broadcast_in_dim3A_990 = vector.broadcast %broadcast_in_dim3A_989 : i32 to vector<16xi32>
      %gather3A_991 = tpu.vector_load_idx %arg18[%broadcast_in_dim3A_990] : memref<16xi32, #tpu.memory_space<vmem>>[vector<16xi32>], vector<16xi32>,
      %le3A_992 = arith.cmpi sle, %gather3A_991, %add3A_924 : vector<16xi32>
      %broadcast_in_dim3A_993 = arith.constant 8 : i32
      %broadcast_in_dim3A_994 = vector.broadcast %broadcast_in_dim3A_993 : i32 to vector<16xi32>
      %select_n3A_995 = arith.select %le3A_992, %broadcast_in_dim3A_994, %select_n3A_987 : vector<16xi1>, vector<16xi32>
      %select_n3A_996 = arith.select %le3A_992, %gather3A_991, %select_n3A_988 : vector<16xi1>, vector<16xi32>
      %broadcast_in_dim3A_997 = arith.constant 9 : i32
      %broadcast_in_dim3A_998 = vector.broadcast %broadcast_in_dim3A_997 : i32 to vector<16xi32>
      %gather3A_999 = tpu.vector_load_idx %arg18[%broadcast_in_dim3A_998] : memref<16xi32, #tpu.memory_space<vmem>>[vector<16xi32>], vector<16xi32>,
      %le3A_1000 = arith.cmpi sle, %gather3A_999, %add3A_924 : vector<16xi32>
      %broadcast_in_dim3A_1001 = arith.constant 9 : i32
      %broadcast_in_dim3A_1002 = vector.broadcast %broadcast_in_dim3A_1001 : i32 to vector<16xi32>
      %select_n3A_1003 = arith.select %le3A_1000, %broadcast_in_dim3A_1002, %select_n3A_995 : vector<16xi1>, vector<16xi32>
      %select_n3A_1004 = arith.select %le3A_1000, %gather3A_999, %select_n3A_996 : vector<16xi1>, vector<16xi32>
      %broadcast_in_dim3A_1005 = arith.constant 10 : i32
      %broadcast_in_dim3A_1006 = vector.broadcast %broadcast_in_dim3A_1005 : i32 to vector<16xi32>
      %gather3A_1007 = tpu.vector_load_idx %arg18[%broadcast_in_dim3A_1006] : memref<16xi32, #tpu.memory_space<vmem>>[vector<16xi32>], vector<16xi32>,
      %le3A_1008 = arith.cmpi sle, %gather3A_1007, %add3A_924 : vector<16xi32>
      %broadcast_in_dim3A_1009 = arith.constant 10 : i32
      %broadcast_in_dim3A_1010 = vector.broadcast %broadcast_in_dim3A_1009 : i32 to vector<16xi32>
      %select_n3A_1011 = arith.select %le3A_1008, %broadcast_in_dim3A_1010, %select_n3A_1003 : vector<16xi1>, vector<16xi32>
      %select_n3A_1012 = arith.select %le3A_1008, %gather3A_1007, %select_n3A_1004 : vector<16xi1>, vector<16xi32>
      %broadcast_in_dim3A_1013 = arith.constant 11 : i32
      %broadcast_in_dim3A_1014 = vector.broadcast %broadcast_in_dim3A_1013 : i32 to vector<16xi32>
      %gather3A_1015 = tpu.vector_load_idx %arg18[%broadcast_in_dim3A_1014] : memref<16xi32, #tpu.memory_space<vmem>>[vector<16xi32>], vector<16xi32>,
      %le3A_1016 = arith.cmpi sle, %gather3A_1015, %add3A_924 : vector<16xi32>
      %broadcast_in_dim3A_1017 = arith.constant 11 : i32
      %broadcast_in_dim3A_1018 = vector.broadcast %broadcast_in_dim3A_1017 : i32 to vector<16xi32>
      %select_n3A_1019 = arith.select %le3A_1016, %broadcast_in_dim3A_1018, %select_n3A_1011 : vector<16xi1>, vector<16xi32>
      %select_n3A_1020 = arith.select %le3A_1016, %gather3A_1015, %select_n3A_1012 : vector<16xi1>, vector<16xi32>
      %broadcast_in_dim3A_1021 = arith.constant 12 : i32
      %broadcast_in_dim3A_1022 = vector.broadcast %broadcast_in_dim3A_1021 : i32 to vector<16xi32>
      %gather3A_1023 = tpu.vector_load_idx %arg18[%broadcast_in_dim3A_1022] : memref<16xi32, #tpu.memory_space<vmem>>[vector<16xi32>], vector<16xi32>,
      %le3A_1024 = arith.cmpi sle, %gather3A_1023, %add3A_924 : vector<16xi32>
      %broadcast_in_dim3A_1025 = arith.constant 12 : i32
      %broadcast_in_dim3A_1026 = vector.broadcast %broadcast_in_dim3A_1025 : i32 to vector<16xi32>
      %select_n3A_1027 = arith.select %le3A_1024, %broadcast_in_dim3A_1026, %select_n3A_1019 : vector<16xi1>, vector<16xi32>
      %select_n3A_1028 = arith.select %le3A_1024, %gather3A_1023, %select_n3A_1020 : vector<16xi1>, vector<16xi32>
      %broadcast_in_dim3A_1029 = arith.constant 13 : i32
      %broadcast_in_dim3A_1030 = vector.broadcast %broadcast_in_dim3A_1029 : i32 to vector<16xi32>
      %gather3A_1031 = tpu.vector_load_idx %arg18[%broadcast_in_dim3A_1030] : memref<16xi32, #tpu.memory_space<vmem>>[vector<16xi32>], vector<16xi32>,
      %le3A_1032 = arith.cmpi sle, %gather3A_1031, %add3A_924 : vector<16xi32>
      %broadcast_in_dim3A_1033 = arith.constant 13 : i32
      %broadcast_in_dim3A_1034 = vector.broadcast %broadcast_in_dim3A_1033 : i32 to vector<16xi32>
      %select_n3A_1035 = arith.select %le3A_1032, %broadcast_in_dim3A_1034, %select_n3A_1027 : vector<16xi1>, vector<16xi32>
      %select_n3A_1036 = arith.select %le3A_1032, %gather3A_1031, %select_n3A_1028 : vector<16xi1>, vector<16xi32>
      %broadcast_in_dim3A_1037 = arith.constant 14 : i32
      %broadcast_in_dim3A_1038 = vector.broadcast %broadcast_in_dim3A_1037 : i32 to vector<16xi32>
      %gather3A_1039 = tpu.vector_load_idx %arg18[%broadcast_in_dim3A_1038] : memref<16xi32, #tpu.memory_space<vmem>>[vector<16xi32>], vector<16xi32>,
      %le3A_1040 = arith.cmpi sle, %gather3A_1039, %add3A_924 : vector<16xi32>
      %broadcast_in_dim3A_1041 = arith.constant 14 : i32
      %broadcast_in_dim3A_1042 = vector.broadcast %broadcast_in_dim3A_1041 : i32 to vector<16xi32>
      %select_n3A_1043 = arith.select %le3A_1040, %broadcast_in_dim3A_1042, %select_n3A_1035 : vector<16xi1>, vector<16xi32>
      %select_n3A_1044 = arith.select %le3A_1040, %gather3A_1039, %select_n3A_1036 : vector<16xi1>, vector<16xi32>
      %broadcast_in_dim3A_1045 = arith.constant 15 : i32
      %broadcast_in_dim3A_1046 = vector.broadcast %broadcast_in_dim3A_1045 : i32 to vector<16xi32>
      %gather3A_1047 = tpu.vector_load_idx %arg18[%broadcast_in_dim3A_1046] : memref<16xi32, #tpu.memory_space<vmem>>[vector<16xi32>], vector<16xi32>,
      %le3A_1048 = arith.cmpi sle, %gather3A_1047, %add3A_924 : vector<16xi32>
      %broadcast_in_dim3A_1049 = arith.constant 15 : i32
      %broadcast_in_dim3A_1050 = vector.broadcast %broadcast_in_dim3A_1049 : i32 to vector<16xi32>
      %select_n3A_1051 = arith.select %le3A_1048, %broadcast_in_dim3A_1050, %select_n3A_1043 : vector<16xi1>, vector<16xi32>
      %select_n3A_1052 = arith.select %le3A_1048, %gather3A_1047, %select_n3A_1044 : vector<16xi1>, vector<16xi32>
      %sub3A_1053 = arith.subi %add3A_924, %select_n3A_1052 : vector<16xi32>
      %jit3A_1054 = arith.constant 0 : i32
      %jit3A_1055 = arith.constant 63 : i32
      %max3A_1056 = vector.broadcast %jit3A_1054 : i32 to vector<16xi32>
      %max3A_1057 = arith.maxsi %max3A_1056, %sub3A_1053 : vector<16xi32>
      %min3A_1058 = vector.broadcast %jit3A_1055 : i32 to vector<16xi32>
      %min3A_1059 = arith.minsi %min3A_1058, %max3A_1057 : vector<16xi32>
      %lt3A_1060 = arith.cmpi slt, %add3A_924, %gather3A_777 : vector<16xi32>
      %gather3A_1061 = tpu.vector_load_idx %arg17[%select_n3A_1051, %min3A_1059] masked %lt3A_1060 : memref<16x80xi32, #tpu.memory_space<vmem>>[vector<16xi32>, vector<16xi32>], vector<16xi32>, vector<16xi1>
      %jit3A_1062 = arith.constant 0 : i32
      %broadcast_in_dim3A_1063 = vector.broadcast %jit3A_1062 : i32 to vector<16xi32>
      %select_n3A_1064 = arith.select %lt3A_1060, %gather3A_1061, %broadcast_in_dim3A_1063 : vector<16xi1>, vector<16xi32>
      %swap3A_1065 = arith.constant 16 : index
      %swap3A_1066 = tpu.vector_load %arg20[%swap3A_1065] {strides = array<i32>} : memref<64xi32, #tpu.memory_space<vmem>>, vector<16xi32>,
      tpu.vector_store %arg20[%swap3A_1065], %select_n3A_1064 {strides = array<i32>} : memref<64xi32, #tpu.memory_space<vmem>>, vector<16xi32>,
      %add3A_1067 = arith.constant 32 : i32
      %add3A_1068 = vector.broadcast %add3A_1067 : i32 to vector<16xi32>
      %add3A_1069 = arith.addi %add3A_1068, %iota3A : vector<16xi32>
      %broadcast_in_dim3A_1070 = arith.constant 0 : i32
      %broadcast_in_dim3A_1071 = vector.broadcast %broadcast_in_dim3A_1070 : i32 to vector<16xi32>
      %gather3A_1072 = tpu.vector_load_idx %arg18[%broadcast_in_dim3A_1071] : memref<16xi32, #tpu.memory_space<vmem>>[vector<16xi32>], vector<16xi32>,
      %le3A_1073 = arith.cmpi sle, %gather3A_1072, %add3A_1069 : vector<16xi32>
      %broadcast_in_dim3A_1074 = arith.constant 0 : i32
      %broadcast_in_dim3A_1075 = vector.broadcast %broadcast_in_dim3A_1074 : i32 to vector<16xi32>
      %select_n3A_1076 = arith.select %le3A_1073, %broadcast_in_dim3A_1075, %broadcast_in_dim3A_0 : vector<16xi1>, vector<16xi32>
      %select_n3A_1077 = arith.select %le3A_1073, %gather3A_1072, %broadcast_in_dim3A_0 : vector<16xi1>, vector<16xi32>
      %broadcast_in_dim3A_1078 = arith.constant 1 : i32
      %broadcast_in_dim3A_1079 = vector.broadcast %broadcast_in_dim3A_1078 : i32 to vector<16xi32>
      %gather3A_1080 = tpu.vector_load_idx %arg18[%broadcast_in_dim3A_1079] : memref<16xi32, #tpu.memory_space<vmem>>[vector<16xi32>], vector<16xi32>,
      %le3A_1081 = arith.cmpi sle, %gather3A_1080, %add3A_1069 : vector<16xi32>
      %broadcast_in_dim3A_1082 = arith.constant 1 : i32
      %broadcast_in_dim3A_1083 = vector.broadcast %broadcast_in_dim3A_1082 : i32 to vector<16xi32>
      %select_n3A_1084 = arith.select %le3A_1081, %broadcast_in_dim3A_1083, %select_n3A_1076 : vector<16xi1>, vector<16xi32>
      %select_n3A_1085 = arith.select %le3A_1081, %gather3A_1080, %select_n3A_1077 : vector<16xi1>, vector<16xi32>
      %broadcast_in_dim3A_1086 = arith.constant 2 : i32
      %broadcast_in_dim3A_1087 = vector.broadcast %broadcast_in_dim3A_1086 : i32 to vector<16xi32>
      %gather3A_1088 = tpu.vector_load_idx %arg18[%broadcast_in_dim3A_1087] : memref<16xi32, #tpu.memory_space<vmem>>[vector<16xi32>], vector<16xi32>,
      %le3A_1089 = arith.cmpi sle, %gather3A_1088, %add3A_1069 : vector<16xi32>
      %broadcast_in_dim3A_1090 = arith.constant 2 : i32
      %broadcast_in_dim3A_1091 = vector.broadcast %broadcast_in_dim3A_1090 : i32 to vector<16xi32>
      %select_n3A_1092 = arith.select %le3A_1089, %broadcast_in_dim3A_1091, %select_n3A_1084 : vector<16xi1>, vector<16xi32>
      %select_n3A_1093 = arith.select %le3A_1089, %gather3A_1088, %select_n3A_1085 : vector<16xi1>, vector<16xi32>
      %broadcast_in_dim3A_1094 = arith.constant 3 : i32
      %broadcast_in_dim3A_1095 = vector.broadcast %broadcast_in_dim3A_1094 : i32 to vector<16xi32>
      %gather3A_1096 = tpu.vector_load_idx %arg18[%broadcast_in_dim3A_1095] : memref<16xi32, #tpu.memory_space<vmem>>[vector<16xi32>], vector<16xi32>,
      %le3A_1097 = arith.cmpi sle, %gather3A_1096, %add3A_1069 : vector<16xi32>
      %broadcast_in_dim3A_1098 = arith.constant 3 : i32
      %broadcast_in_dim3A_1099 = vector.broadcast %broadcast_in_dim3A_1098 : i32 to vector<16xi32>
      %select_n3A_1100 = arith.select %le3A_1097, %broadcast_in_dim3A_1099, %select_n3A_1092 : vector<16xi1>, vector<16xi32>
      %select_n3A_1101 = arith.select %le3A_1097, %gather3A_1096, %select_n3A_1093 : vector<16xi1>, vector<16xi32>
      %broadcast_in_dim3A_1102 = arith.constant 4 : i32
      %broadcast_in_dim3A_1103 = vector.broadcast %broadcast_in_dim3A_1102 : i32 to vector<16xi32>
      %gather3A_1104 = tpu.vector_load_idx %arg18[%broadcast_in_dim3A_1103] : memref<16xi32, #tpu.memory_space<vmem>>[vector<16xi32>], vector<16xi32>,
      %le3A_1105 = arith.cmpi sle, %gather3A_1104, %add3A_1069 : vector<16xi32>
      %broadcast_in_dim3A_1106 = arith.constant 4 : i32
      %broadcast_in_dim3A_1107 = vector.broadcast %broadcast_in_dim3A_1106 : i32 to vector<16xi32>
      %select_n3A_1108 = arith.select %le3A_1105, %broadcast_in_dim3A_1107, %select_n3A_1100 : vector<16xi1>, vector<16xi32>
      %select_n3A_1109 = arith.select %le3A_1105, %gather3A_1104, %select_n3A_1101 : vector<16xi1>, vector<16xi32>
      %broadcast_in_dim3A_1110 = arith.constant 5 : i32
      %broadcast_in_dim3A_1111 = vector.broadcast %broadcast_in_dim3A_1110 : i32 to vector<16xi32>
      %gather3A_1112 = tpu.vector_load_idx %arg18[%broadcast_in_dim3A_1111] : memref<16xi32, #tpu.memory_space<vmem>>[vector<16xi32>], vector<16xi32>,
      %le3A_1113 = arith.cmpi sle, %gather3A_1112, %add3A_1069 : vector<16xi32>
      %broadcast_in_dim3A_1114 = arith.constant 5 : i32
      %broadcast_in_dim3A_1115 = vector.broadcast %broadcast_in_dim3A_1114 : i32 to vector<16xi32>
      %select_n3A_1116 = arith.select %le3A_1113, %broadcast_in_dim3A_1115, %select_n3A_1108 : vector<16xi1>, vector<16xi32>
      %select_n3A_1117 = arith.select %le3A_1113, %gather3A_1112, %select_n3A_1109 : vector<16xi1>, vector<16xi32>
      %broadcast_in_dim3A_1118 = arith.constant 6 : i32
      %broadcast_in_dim3A_1119 = vector.broadcast %broadcast_in_dim3A_1118 : i32 to vector<16xi32>
      %gather3A_1120 = tpu.vector_load_idx %arg18[%broadcast_in_dim3A_1119] : memref<16xi32, #tpu.memory_space<vmem>>[vector<16xi32>], vector<16xi32>,
      %le3A_1121 = arith.cmpi sle, %gather3A_1120, %add3A_1069 : vector<16xi32>
      %broadcast_in_dim3A_1122 = arith.constant 6 : i32
      %broadcast_in_dim3A_1123 = vector.broadcast %broadcast_in_dim3A_1122 : i32 to vector<16xi32>
      %select_n3A_1124 = arith.select %le3A_1121, %broadcast_in_dim3A_1123, %select_n3A_1116 : vector<16xi1>, vector<16xi32>
      %select_n3A_1125 = arith.select %le3A_1121, %gather3A_1120, %select_n3A_1117 : vector<16xi1>, vector<16xi32>
      %broadcast_in_dim3A_1126 = arith.constant 7 : i32
      %broadcast_in_dim3A_1127 = vector.broadcast %broadcast_in_dim3A_1126 : i32 to vector<16xi32>
      %gather3A_1128 = tpu.vector_load_idx %arg18[%broadcast_in_dim3A_1127] : memref<16xi32, #tpu.memory_space<vmem>>[vector<16xi32>], vector<16xi32>,
      %le3A_1129 = arith.cmpi sle, %gather3A_1128, %add3A_1069 : vector<16xi32>
      %broadcast_in_dim3A_1130 = arith.constant 7 : i32
      %broadcast_in_dim3A_1131 = vector.broadcast %broadcast_in_dim3A_1130 : i32 to vector<16xi32>
      %select_n3A_1132 = arith.select %le3A_1129, %broadcast_in_dim3A_1131, %select_n3A_1124 : vector<16xi1>, vector<16xi32>
      %select_n3A_1133 = arith.select %le3A_1129, %gather3A_1128, %select_n3A_1125 : vector<16xi1>, vector<16xi32>
      %broadcast_in_dim3A_1134 = arith.constant 8 : i32
      %broadcast_in_dim3A_1135 = vector.broadcast %broadcast_in_dim3A_1134 : i32 to vector<16xi32>
      %gather3A_1136 = tpu.vector_load_idx %arg18[%broadcast_in_dim3A_1135] : memref<16xi32, #tpu.memory_space<vmem>>[vector<16xi32>], vector<16xi32>,
      %le3A_1137 = arith.cmpi sle, %gather3A_1136, %add3A_1069 : vector<16xi32>
      %broadcast_in_dim3A_1138 = arith.constant 8 : i32
      %broadcast_in_dim3A_1139 = vector.broadcast %broadcast_in_dim3A_1138 : i32 to vector<16xi32>
      %select_n3A_1140 = arith.select %le3A_1137, %broadcast_in_dim3A_1139, %select_n3A_1132 : vector<16xi1>, vector<16xi32>
      %select_n3A_1141 = arith.select %le3A_1137, %gather3A_1136, %select_n3A_1133 : vector<16xi1>, vector<16xi32>
      %broadcast_in_dim3A_1142 = arith.constant 9 : i32
      %broadcast_in_dim3A_1143 = vector.broadcast %broadcast_in_dim3A_1142 : i32 to vector<16xi32>
      %gather3A_1144 = tpu.vector_load_idx %arg18[%broadcast_in_dim3A_1143] : memref<16xi32, #tpu.memory_space<vmem>>[vector<16xi32>], vector<16xi32>,
      %le3A_1145 = arith.cmpi sle, %gather3A_1144, %add3A_1069 : vector<16xi32>
      %broadcast_in_dim3A_1146 = arith.constant 9 : i32
      %broadcast_in_dim3A_1147 = vector.broadcast %broadcast_in_dim3A_1146 : i32 to vector<16xi32>
      %select_n3A_1148 = arith.select %le3A_1145, %broadcast_in_dim3A_1147, %select_n3A_1140 : vector<16xi1>, vector<16xi32>
      %select_n3A_1149 = arith.select %le3A_1145, %gather3A_1144, %select_n3A_1141 : vector<16xi1>, vector<16xi32>
      %broadcast_in_dim3A_1150 = arith.constant 10 : i32
      %broadcast_in_dim3A_1151 = vector.broadcast %broadcast_in_dim3A_1150 : i32 to vector<16xi32>
      %gather3A_1152 = tpu.vector_load_idx %arg18[%broadcast_in_dim3A_1151] : memref<16xi32, #tpu.memory_space<vmem>>[vector<16xi32>], vector<16xi32>,
      %le3A_1153 = arith.cmpi sle, %gather3A_1152, %add3A_1069 : vector<16xi32>
      %broadcast_in_dim3A_1154 = arith.constant 10 : i32
      %broadcast_in_dim3A_1155 = vector.broadcast %broadcast_in_dim3A_1154 : i32 to vector<16xi32>
      %select_n3A_1156 = arith.select %le3A_1153, %broadcast_in_dim3A_1155, %select_n3A_1148 : vector<16xi1>, vector<16xi32>
      %select_n3A_1157 = arith.select %le3A_1153, %gather3A_1152, %select_n3A_1149 : vector<16xi1>, vector<16xi32>
      %broadcast_in_dim3A_1158 = arith.constant 11 : i32
      %broadcast_in_dim3A_1159 = vector.broadcast %broadcast_in_dim3A_1158 : i32 to vector<16xi32>
      %gather3A_1160 = tpu.vector_load_idx %arg18[%broadcast_in_dim3A_1159] : memref<16xi32, #tpu.memory_space<vmem>>[vector<16xi32>], vector<16xi32>,
      %le3A_1161 = arith.cmpi sle, %gather3A_1160, %add3A_1069 : vector<16xi32>
      %broadcast_in_dim3A_1162 = arith.constant 11 : i32
      %broadcast_in_dim3A_1163 = vector.broadcast %broadcast_in_dim3A_1162 : i32 to vector<16xi32>
      %select_n3A_1164 = arith.select %le3A_1161, %broadcast_in_dim3A_1163, %select_n3A_1156 : vector<16xi1>, vector<16xi32>
      %select_n3A_1165 = arith.select %le3A_1161, %gather3A_1160, %select_n3A_1157 : vector<16xi1>, vector<16xi32>
      %broadcast_in_dim3A_1166 = arith.constant 12 : i32
      %broadcast_in_dim3A_1167 = vector.broadcast %broadcast_in_dim3A_1166 : i32 to vector<16xi32>
      %gather3A_1168 = tpu.vector_load_idx %arg18[%broadcast_in_dim3A_1167] : memref<16xi32, #tpu.memory_space<vmem>>[vector<16xi32>], vector<16xi32>,
      %le3A_1169 = arith.cmpi sle, %gather3A_1168, %add3A_1069 : vector<16xi32>
      %broadcast_in_dim3A_1170 = arith.constant 12 : i32
      %broadcast_in_dim3A_1171 = vector.broadcast %broadcast_in_dim3A_1170 : i32 to vector<16xi32>
      %select_n3A_1172 = arith.select %le3A_1169, %broadcast_in_dim3A_1171, %select_n3A_1164 : vector<16xi1>, vector<16xi32>
      %select_n3A_1173 = arith.select %le3A_1169, %gather3A_1168, %select_n3A_1165 : vector<16xi1>, vector<16xi32>
      %broadcast_in_dim3A_1174 = arith.constant 13 : i32
      %broadcast_in_dim3A_1175 = vector.broadcast %broadcast_in_dim3A_1174 : i32 to vector<16xi32>
      %gather3A_1176 = tpu.vector_load_idx %arg18[%broadcast_in_dim3A_1175] : memref<16xi32, #tpu.memory_space<vmem>>[vector<16xi32>], vector<16xi32>,
      %le3A_1177 = arith.cmpi sle, %gather3A_1176, %add3A_1069 : vector<16xi32>
      %broadcast_in_dim3A_1178 = arith.constant 13 : i32
      %broadcast_in_dim3A_1179 = vector.broadcast %broadcast_in_dim3A_1178 : i32 to vector<16xi32>
      %select_n3A_1180 = arith.select %le3A_1177, %broadcast_in_dim3A_1179, %select_n3A_1172 : vector<16xi1>, vector<16xi32>
      %select_n3A_1181 = arith.select %le3A_1177, %gather3A_1176, %select_n3A_1173 : vector<16xi1>, vector<16xi32>
      %broadcast_in_dim3A_1182 = arith.constant 14 : i32
      %broadcast_in_dim3A_1183 = vector.broadcast %broadcast_in_dim3A_1182 : i32 to vector<16xi32>
      %gather3A_1184 = tpu.vector_load_idx %arg18[%broadcast_in_dim3A_1183] : memref<16xi32, #tpu.memory_space<vmem>>[vector<16xi32>], vector<16xi32>,
      %le3A_1185 = arith.cmpi sle, %gather3A_1184, %add3A_1069 : vector<16xi32>
      %broadcast_in_dim3A_1186 = arith.constant 14 : i32
      %broadcast_in_dim3A_1187 = vector.broadcast %broadcast_in_dim3A_1186 : i32 to vector<16xi32>
      %select_n3A_1188 = arith.select %le3A_1185, %broadcast_in_dim3A_1187, %select_n3A_1180 : vector<16xi1>, vector<16xi32>
      %select_n3A_1189 = arith.select %le3A_1185, %gather3A_1184, %select_n3A_1181 : vector<16xi1>, vector<16xi32>
      %broadcast_in_dim3A_1190 = arith.constant 15 : i32
      %broadcast_in_dim3A_1191 = vector.broadcast %broadcast_in_dim3A_1190 : i32 to vector<16xi32>
      %gather3A_1192 = tpu.vector_load_idx %arg18[%broadcast_in_dim3A_1191] : memref<16xi32, #tpu.memory_space<vmem>>[vector<16xi32>], vector<16xi32>,
      %le3A_1193 = arith.cmpi sle, %gather3A_1192, %add3A_1069 : vector<16xi32>
      %broadcast_in_dim3A_1194 = arith.constant 15 : i32
      %broadcast_in_dim3A_1195 = vector.broadcast %broadcast_in_dim3A_1194 : i32 to vector<16xi32>
      %select_n3A_1196 = arith.select %le3A_1193, %broadcast_in_dim3A_1195, %select_n3A_1188 : vector<16xi1>, vector<16xi32>
      %select_n3A_1197 = arith.select %le3A_1193, %gather3A_1192, %select_n3A_1189 : vector<16xi1>, vector<16xi32>
      %sub3A_1198 = arith.subi %add3A_1069, %select_n3A_1197 : vector<16xi32>
      %jit3A_1199 = arith.constant 0 : i32
      %jit3A_1200 = arith.constant 63 : i32
      %max3A_1201 = vector.broadcast %jit3A_1199 : i32 to vector<16xi32>
      %max3A_1202 = arith.maxsi %max3A_1201, %sub3A_1198 : vector<16xi32>
      %min3A_1203 = vector.broadcast %jit3A_1200 : i32 to vector<16xi32>
      %min3A_1204 = arith.minsi %min3A_1203, %max3A_1202 : vector<16xi32>
      %lt3A_1205 = arith.cmpi slt, %add3A_1069, %gather3A_777 : vector<16xi32>
      %gather3A_1206 = tpu.vector_load_idx %arg17[%select_n3A_1196, %min3A_1204] masked %lt3A_1205 : memref<16x80xi32, #tpu.memory_space<vmem>>[vector<16xi32>, vector<16xi32>], vector<16xi32>, vector<16xi1>
      %jit3A_1207 = arith.constant 0 : i32
      %broadcast_in_dim3A_1208 = vector.broadcast %jit3A_1207 : i32 to vector<16xi32>
      %select_n3A_1209 = arith.select %lt3A_1205, %gather3A_1206, %broadcast_in_dim3A_1208 : vector<16xi1>, vector<16xi32>
      %swap3A_1210 = arith.constant 32 : index
      %swap3A_1211 = tpu.vector_load %arg20[%swap3A_1210] {strides = array<i32>} : memref<64xi32, #tpu.memory_space<vmem>>, vector<16xi32>,
      tpu.vector_store %arg20[%swap3A_1210], %select_n3A_1209 {strides = array<i32>} : memref<64xi32, #tpu.memory_space<vmem>>, vector<16xi32>,
      %add3A_1212 = arith.constant 48 : i32
      %add3A_1213 = vector.broadcast %add3A_1212 : i32 to vector<16xi32>
      %add3A_1214 = arith.addi %add3A_1213, %iota3A : vector<16xi32>
      %broadcast_in_dim3A_1215 = arith.constant 0 : i32
      %broadcast_in_dim3A_1216 = vector.broadcast %broadcast_in_dim3A_1215 : i32 to vector<16xi32>
      %gather3A_1217 = tpu.vector_load_idx %arg18[%broadcast_in_dim3A_1216] : memref<16xi32, #tpu.memory_space<vmem>>[vector<16xi32>], vector<16xi32>,
      %le3A_1218 = arith.cmpi sle, %gather3A_1217, %add3A_1214 : vector<16xi32>
      %broadcast_in_dim3A_1219 = arith.constant 0 : i32
      %broadcast_in_dim3A_1220 = vector.broadcast %broadcast_in_dim3A_1219 : i32 to vector<16xi32>
      %select_n3A_1221 = arith.select %le3A_1218, %broadcast_in_dim3A_1220, %broadcast_in_dim3A_0 : vector<16xi1>, vector<16xi32>
      %select_n3A_1222 = arith.select %le3A_1218, %gather3A_1217, %broadcast_in_dim3A_0 : vector<16xi1>, vector<16xi32>
      %broadcast_in_dim3A_1223 = arith.constant 1 : i32
      %broadcast_in_dim3A_1224 = vector.broadcast %broadcast_in_dim3A_1223 : i32 to vector<16xi32>
      %gather3A_1225 = tpu.vector_load_idx %arg18[%broadcast_in_dim3A_1224] : memref<16xi32, #tpu.memory_space<vmem>>[vector<16xi32>], vector<16xi32>,
      %le3A_1226 = arith.cmpi sle, %gather3A_1225, %add3A_1214 : vector<16xi32>
      %broadcast_in_dim3A_1227 = arith.constant 1 : i32
      %broadcast_in_dim3A_1228 = vector.broadcast %broadcast_in_dim3A_1227 : i32 to vector<16xi32>
      %select_n3A_1229 = arith.select %le3A_1226, %broadcast_in_dim3A_1228, %select_n3A_1221 : vector<16xi1>, vector<16xi32>
      %select_n3A_1230 = arith.select %le3A_1226, %gather3A_1225, %select_n3A_1222 : vector<16xi1>, vector<16xi32>
      %broadcast_in_dim3A_1231 = arith.constant 2 : i32
      %broadcast_in_dim3A_1232 = vector.broadcast %broadcast_in_dim3A_1231 : i32 to vector<16xi32>
      %gather3A_1233 = tpu.vector_load_idx %arg18[%broadcast_in_dim3A_1232] : memref<16xi32, #tpu.memory_space<vmem>>[vector<16xi32>], vector<16xi32>,
      %le3A_1234 = arith.cmpi sle, %gather3A_1233, %add3A_1214 : vector<16xi32>
      %broadcast_in_dim3A_1235 = arith.constant 2 : i32
      %broadcast_in_dim3A_1236 = vector.broadcast %broadcast_in_dim3A_1235 : i32 to vector<16xi32>
      %select_n3A_1237 = arith.select %le3A_1234, %broadcast_in_dim3A_1236, %select_n3A_1229 : vector<16xi1>, vector<16xi32>
      %select_n3A_1238 = arith.select %le3A_1234, %gather3A_1233, %select_n3A_1230 : vector<16xi1>, vector<16xi32>
      %broadcast_in_dim3A_1239 = arith.constant 3 : i32
      %broadcast_in_dim3A_1240 = vector.broadcast %broadcast_in_dim3A_1239 : i32 to vector<16xi32>
      %gather3A_1241 = tpu.vector_load_idx %arg18[%broadcast_in_dim3A_1240] : memref<16xi32, #tpu.memory_space<vmem>>[vector<16xi32>], vector<16xi32>,
      %le3A_1242 = arith.cmpi sle, %gather3A_1241, %add3A_1214 : vector<16xi32>
      %broadcast_in_dim3A_1243 = arith.constant 3 : i32
      %broadcast_in_dim3A_1244 = vector.broadcast %broadcast_in_dim3A_1243 : i32 to vector<16xi32>
      %select_n3A_1245 = arith.select %le3A_1242, %broadcast_in_dim3A_1244, %select_n3A_1237 : vector<16xi1>, vector<16xi32>
      %select_n3A_1246 = arith.select %le3A_1242, %gather3A_1241, %select_n3A_1238 : vector<16xi1>, vector<16xi32>
      %broadcast_in_dim3A_1247 = arith.constant 4 : i32
      %broadcast_in_dim3A_1248 = vector.broadcast %broadcast_in_dim3A_1247 : i32 to vector<16xi32>
      %gather3A_1249 = tpu.vector_load_idx %arg18[%broadcast_in_dim3A_1248] : memref<16xi32, #tpu.memory_space<vmem>>[vector<16xi32>], vector<16xi32>,
      %le3A_1250 = arith.cmpi sle, %gather3A_1249, %add3A_1214 : vector<16xi32>
      %broadcast_in_dim3A_1251 = arith.constant 4 : i32
      %broadcast_in_dim3A_1252 = vector.broadcast %broadcast_in_dim3A_1251 : i32 to vector<16xi32>
      %select_n3A_1253 = arith.select %le3A_1250, %broadcast_in_dim3A_1252, %select_n3A_1245 : vector<16xi1>, vector<16xi32>
      %select_n3A_1254 = arith.select %le3A_1250, %gather3A_1249, %select_n3A_1246 : vector<16xi1>, vector<16xi32>
      %broadcast_in_dim3A_1255 = arith.constant 5 : i32
      %broadcast_in_dim3A_1256 = vector.broadcast %broadcast_in_dim3A_1255 : i32 to vector<16xi32>
      %gather3A_1257 = tpu.vector_load_idx %arg18[%broadcast_in_dim3A_1256] : memref<16xi32, #tpu.memory_space<vmem>>[vector<16xi32>], vector<16xi32>,
      %le3A_1258 = arith.cmpi sle, %gather3A_1257, %add3A_1214 : vector<16xi32>
      %broadcast_in_dim3A_1259 = arith.constant 5 : i32
      %broadcast_in_dim3A_1260 = vector.broadcast %broadcast_in_dim3A_1259 : i32 to vector<16xi32>
      %select_n3A_1261 = arith.select %le3A_1258, %broadcast_in_dim3A_1260, %select_n3A_1253 : vector<16xi1>, vector<16xi32>
      %select_n3A_1262 = arith.select %le3A_1258, %gather3A_1257, %select_n3A_1254 : vector<16xi1>, vector<16xi32>
      %broadcast_in_dim3A_1263 = arith.constant 6 : i32
      %broadcast_in_dim3A_1264 = vector.broadcast %broadcast_in_dim3A_1263 : i32 to vector<16xi32>
      %gather3A_1265 = tpu.vector_load_idx %arg18[%broadcast_in_dim3A_1264] : memref<16xi32, #tpu.memory_space<vmem>>[vector<16xi32>], vector<16xi32>,
      %le3A_1266 = arith.cmpi sle, %gather3A_1265, %add3A_1214 : vector<16xi32>
      %broadcast_in_dim3A_1267 = arith.constant 6 : i32
      %broadcast_in_dim3A_1268 = vector.broadcast %broadcast_in_dim3A_1267 : i32 to vector<16xi32>
      %select_n3A_1269 = arith.select %le3A_1266, %broadcast_in_dim3A_1268, %select_n3A_1261 : vector<16xi1>, vector<16xi32>
      %select_n3A_1270 = arith.select %le3A_1266, %gather3A_1265, %select_n3A_1262 : vector<16xi1>, vector<16xi32>
      %broadcast_in_dim3A_1271 = arith.constant 7 : i32
      %broadcast_in_dim3A_1272 = vector.broadcast %broadcast_in_dim3A_1271 : i32 to vector<16xi32>
      %gather3A_1273 = tpu.vector_load_idx %arg18[%broadcast_in_dim3A_1272] : memref<16xi32, #tpu.memory_space<vmem>>[vector<16xi32>], vector<16xi32>,
      %le3A_1274 = arith.cmpi sle, %gather3A_1273, %add3A_1214 : vector<16xi32>
      %broadcast_in_dim3A_1275 = arith.constant 7 : i32
      %broadcast_in_dim3A_1276 = vector.broadcast %broadcast_in_dim3A_1275 : i32 to vector<16xi32>
      %select_n3A_1277 = arith.select %le3A_1274, %broadcast_in_dim3A_1276, %select_n3A_1269 : vector<16xi1>, vector<16xi32>
      %select_n3A_1278 = arith.select %le3A_1274, %gather3A_1273, %select_n3A_1270 : vector<16xi1>, vector<16xi32>
      %broadcast_in_dim3A_1279 = arith.constant 8 : i32
      %broadcast_in_dim3A_1280 = vector.broadcast %broadcast_in_dim3A_1279 : i32 to vector<16xi32>
      %gather3A_1281 = tpu.vector_load_idx %arg18[%broadcast_in_dim3A_1280] : memref<16xi32, #tpu.memory_space<vmem>>[vector<16xi32>], vector<16xi32>,
      %le3A_1282 = arith.cmpi sle, %gather3A_1281, %add3A_1214 : vector<16xi32>
      %broadcast_in_dim3A_1283 = arith.constant 8 : i32
      %broadcast_in_dim3A_1284 = vector.broadcast %broadcast_in_dim3A_1283 : i32 to vector<16xi32>
      %select_n3A_1285 = arith.select %le3A_1282, %broadcast_in_dim3A_1284, %select_n3A_1277 : vector<16xi1>, vector<16xi32>
      %select_n3A_1286 = arith.select %le3A_1282, %gather3A_1281, %select_n3A_1278 : vector<16xi1>, vector<16xi32>
      %broadcast_in_dim3A_1287 = arith.constant 9 : i32
      %broadcast_in_dim3A_1288 = vector.broadcast %broadcast_in_dim3A_1287 : i32 to vector<16xi32>
      %gather3A_1289 = tpu.vector_load_idx %arg18[%broadcast_in_dim3A_1288] : memref<16xi32, #tpu.memory_space<vmem>>[vector<16xi32>], vector<16xi32>,
      %le3A_1290 = arith.cmpi sle, %gather3A_1289, %add3A_1214 : vector<16xi32>
      %broadcast_in_dim3A_1291 = arith.constant 9 : i32
      %broadcast_in_dim3A_1292 = vector.broadcast %broadcast_in_dim3A_1291 : i32 to vector<16xi32>
      %select_n3A_1293 = arith.select %le3A_1290, %broadcast_in_dim3A_1292, %select_n3A_1285 : vector<16xi1>, vector<16xi32>
      %select_n3A_1294 = arith.select %le3A_1290, %gather3A_1289, %select_n3A_1286 : vector<16xi1>, vector<16xi32>
      %broadcast_in_dim3A_1295 = arith.constant 10 : i32
      %broadcast_in_dim3A_1296 = vector.broadcast %broadcast_in_dim3A_1295 : i32 to vector<16xi32>
      %gather3A_1297 = tpu.vector_load_idx %arg18[%broadcast_in_dim3A_1296] : memref<16xi32, #tpu.memory_space<vmem>>[vector<16xi32>], vector<16xi32>,
      %le3A_1298 = arith.cmpi sle, %gather3A_1297, %add3A_1214 : vector<16xi32>
      %broadcast_in_dim3A_1299 = arith.constant 10 : i32
      %broadcast_in_dim3A_1300 = vector.broadcast %broadcast_in_dim3A_1299 : i32 to vector<16xi32>
      %select_n3A_1301 = arith.select %le3A_1298, %broadcast_in_dim3A_1300, %select_n3A_1293 : vector<16xi1>, vector<16xi32>
      %select_n3A_1302 = arith.select %le3A_1298, %gather3A_1297, %select_n3A_1294 : vector<16xi1>, vector<16xi32>
      %broadcast_in_dim3A_1303 = arith.constant 11 : i32
      %broadcast_in_dim3A_1304 = vector.broadcast %broadcast_in_dim3A_1303 : i32 to vector<16xi32>
      %gather3A_1305 = tpu.vector_load_idx %arg18[%broadcast_in_dim3A_1304] : memref<16xi32, #tpu.memory_space<vmem>>[vector<16xi32>], vector<16xi32>,
      %le3A_1306 = arith.cmpi sle, %gather3A_1305, %add3A_1214 : vector<16xi32>
      %broadcast_in_dim3A_1307 = arith.constant 11 : i32
      %broadcast_in_dim3A_1308 = vector.broadcast %broadcast_in_dim3A_1307 : i32 to vector<16xi32>
      %select_n3A_1309 = arith.select %le3A_1306, %broadcast_in_dim3A_1308, %select_n3A_1301 : vector<16xi1>, vector<16xi32>
      %select_n3A_1310 = arith.select %le3A_1306, %gather3A_1305, %select_n3A_1302 : vector<16xi1>, vector<16xi32>
      %broadcast_in_dim3A_1311 = arith.constant 12 : i32
      %broadcast_in_dim3A_1312 = vector.broadcast %broadcast_in_dim3A_1311 : i32 to vector<16xi32>
      %gather3A_1313 = tpu.vector_load_idx %arg18[%broadcast_in_dim3A_1312] : memref<16xi32, #tpu.memory_space<vmem>>[vector<16xi32>], vector<16xi32>,
      %le3A_1314 = arith.cmpi sle, %gather3A_1313, %add3A_1214 : vector<16xi32>
      %broadcast_in_dim3A_1315 = arith.constant 12 : i32
      %broadcast_in_dim3A_1316 = vector.broadcast %broadcast_in_dim3A_1315 : i32 to vector<16xi32>
      %select_n3A_1317 = arith.select %le3A_1314, %broadcast_in_dim3A_1316, %select_n3A_1309 : vector<16xi1>, vector<16xi32>
      %select_n3A_1318 = arith.select %le3A_1314, %gather3A_1313, %select_n3A_1310 : vector<16xi1>, vector<16xi32>
      %broadcast_in_dim3A_1319 = arith.constant 13 : i32
      %broadcast_in_dim3A_1320 = vector.broadcast %broadcast_in_dim3A_1319 : i32 to vector<16xi32>
      %gather3A_1321 = tpu.vector_load_idx %arg18[%broadcast_in_dim3A_1320] : memref<16xi32, #tpu.memory_space<vmem>>[vector<16xi32>], vector<16xi32>,
      %le3A_1322 = arith.cmpi sle, %gather3A_1321, %add3A_1214 : vector<16xi32>
      %broadcast_in_dim3A_1323 = arith.constant 13 : i32
      %broadcast_in_dim3A_1324 = vector.broadcast %broadcast_in_dim3A_1323 : i32 to vector<16xi32>
      %select_n3A_1325 = arith.select %le3A_1322, %broadcast_in_dim3A_1324, %select_n3A_1317 : vector<16xi1>, vector<16xi32>
      %select_n3A_1326 = arith.select %le3A_1322, %gather3A_1321, %select_n3A_1318 : vector<16xi1>, vector<16xi32>
      %broadcast_in_dim3A_1327 = arith.constant 14 : i32
      %broadcast_in_dim3A_1328 = vector.broadcast %broadcast_in_dim3A_1327 : i32 to vector<16xi32>
      %gather3A_1329 = tpu.vector_load_idx %arg18[%broadcast_in_dim3A_1328] : memref<16xi32, #tpu.memory_space<vmem>>[vector<16xi32>], vector<16xi32>,
      %le3A_1330 = arith.cmpi sle, %gather3A_1329, %add3A_1214 : vector<16xi32>
      %broadcast_in_dim3A_1331 = arith.constant 14 : i32
      %broadcast_in_dim3A_1332 = vector.broadcast %broadcast_in_dim3A_1331 : i32 to vector<16xi32>
      %select_n3A_1333 = arith.select %le3A_1330, %broadcast_in_dim3A_1332, %select_n3A_1325 : vector<16xi1>, vector<16xi32>
      %select_n3A_1334 = arith.select %le3A_1330, %gather3A_1329, %select_n3A_1326 : vector<16xi1>, vector<16xi32>
      %broadcast_in_dim3A_1335 = arith.constant 15 : i32
      %broadcast_in_dim3A_1336 = vector.broadcast %broadcast_in_dim3A_1335 : i32 to vector<16xi32>
      %gather3A_1337 = tpu.vector_load_idx %arg18[%broadcast_in_dim3A_1336] : memref<16xi32, #tpu.memory_space<vmem>>[vector<16xi32>], vector<16xi32>,
      %le3A_1338 = arith.cmpi sle, %gather3A_1337, %add3A_1214 : vector<16xi32>
      %broadcast_in_dim3A_1339 = arith.constant 15 : i32
      %broadcast_in_dim3A_1340 = vector.broadcast %broadcast_in_dim3A_1339 : i32 to vector<16xi32>
      %select_n3A_1341 = arith.select %le3A_1338, %broadcast_in_dim3A_1340, %select_n3A_1333 : vector<16xi1>, vector<16xi32>
      %select_n3A_1342 = arith.select %le3A_1338, %gather3A_1337, %select_n3A_1334 : vector<16xi1>, vector<16xi32>
      %sub3A_1343 = arith.subi %add3A_1214, %select_n3A_1342 : vector<16xi32>
      %jit3A_1344 = arith.constant 0 : i32
      %jit3A_1345 = arith.constant 63 : i32
      %max3A_1346 = vector.broadcast %jit3A_1344 : i32 to vector<16xi32>
      %max3A_1347 = arith.maxsi %max3A_1346, %sub3A_1343 : vector<16xi32>
      %min3A_1348 = vector.broadcast %jit3A_1345 : i32 to vector<16xi32>
      %min3A_1349 = arith.minsi %min3A_1348, %max3A_1347 : vector<16xi32>
      %lt3A_1350 = arith.cmpi slt, %add3A_1214, %gather3A_777 : vector<16xi32>
      %gather3A_1351 = tpu.vector_load_idx %arg17[%select_n3A_1341, %min3A_1349] masked %lt3A_1350 : memref<16x80xi32, #tpu.memory_space<vmem>>[vector<16xi32>, vector<16xi32>], vector<16xi32>, vector<16xi1>
      %jit3A_1352 = arith.constant 0 : i32
      %broadcast_in_dim3A_1353 = vector.broadcast %jit3A_1352 : i32 to vector<16xi32>
      %select_n3A_1354 = arith.select %lt3A_1350, %gather3A_1351, %broadcast_in_dim3A_1353 : vector<16xi1>, vector<16xi32>
      %swap3A_1355 = arith.constant 48 : index
      %swap3A_1356 = tpu.vector_load %arg20[%swap3A_1355] {strides = array<i32>} : memref<64xi32, #tpu.memory_space<vmem>>, vector<16xi32>,
      tpu.vector_store %arg20[%swap3A_1355], %select_n3A_1354 {strides = array<i32>} : memref<64xi32, #tpu.memory_space<vmem>>, vector<16xi32>,
      %barrier3A_1357 = arith.constant 0 : index
      tpu.barrier barrier_id(%barrier3A_1357)
    } else {
    }
    %get3A_215 = arith.constant 0 : index
    %get3A_216 = tpu.vector_load %arg21[%get3A_215] {strides = array<i32>} : memref<64xi32, #tpu.memory_space<vmem>>, vector<16xi32>,
    %get3A_217 = arith.constant 0 : index
    %get3A_218 = tpu.vector_load %arg22[%get3A_217] {strides = array<i32>} : memref<64xi32, #tpu.memory_space<vmem>>, vector<16xi32>,
    %get3A_219 = arith.constant 0 : index
    %get3A_220 = tpu.vector_load %arg23[%get3A_219] {strides = array<i32>} : memref<64xi32, #tpu.memory_space<vmem>>, vector<16xi32>,
    %eq3A_221 = arith.constant -1 : i32
    %eq3A_222 = vector.broadcast %eq3A_221 : i32 to vector<16xi32>
    %eq3A_223 = arith.cmpi eq, %get3A_220, %eq3A_222 : vector<16xi32>
    %jit3A_224 = arith.constant 0 : i32
    %jit3A_225 = arith.constant 1 : i32
    %broadcast_in_dim3A_226 = vector.broadcast %jit3A_224 : i32 to vector<16xi32>
    %broadcast_in_dim3A_227 = vector.broadcast %jit3A_225 : i32 to vector<16xi32>
    %select_n3A_228 = arith.select %eq3A_223, %broadcast_in_dim3A_226, %broadcast_in_dim3A_227 : vector<16xi1>, vector<16xi32>
    %add3A_229 = arith.addi %get3A_216, %select_n3A_228 : vector<16xi32>
    %add3A_230 = arith.constant 63 : i32
    %add3A_231 = vector.broadcast %add3A_230 : i32 to vector<16xi32>
    %add3A_232 = arith.addi %add3A_229, %add3A_231 : vector<16xi32>
    %jit3A_233 = arith.constant 64 : i32
    %div3A_234 = vector.broadcast %jit3A_233 : i32 to vector<16xi32>
    %div3A_235 = arith.divsi %add3A_232, %div3A_234 : vector<16xi32>
    %sign3A_236 = arith.constant 0 : i32
    %sign3A_237 = vector.broadcast %sign3A_236 : i32 to vector<16xi32>
    %sign3A_238 = arith.cmpi sgt, %add3A_232, %sign3A_237 : vector<16xi32>
    %sign3A_239 = arith.extui %sign3A_238 : vector<16xi1> to vector<16xi32>
    %sign3A_240 = arith.constant 0 : i32
    %sign3A_241 = vector.broadcast %sign3A_240 : i32 to vector<16xi32>
    %sign3A_242 = arith.cmpi slt, %add3A_232, %sign3A_241 : vector<16xi32>
    %sign3A_243 = arith.extui %sign3A_242 : vector<16xi1> to vector<16xi32>
    %sign3A_244 = arith.subi %sign3A_239, %sign3A_243 : vector<16xi32>
    %sign3A_245 = arith.constant 0 : i32
    %sign3A_246 = arith.cmpi sgt, %jit3A_233, %sign3A_245 : i32
    %sign3A_247 = arith.extui %sign3A_246 : i1 to i32
    %sign3A_248 = arith.constant 0 : i32
    %sign3A_249 = arith.cmpi slt, %jit3A_233, %sign3A_248 : i32
    %sign3A_250 = arith.extui %sign3A_249 : i1 to i32
    %sign3A_251 = arith.subi %sign3A_247, %sign3A_250 : i32
    %ne3A_252 = vector.broadcast %sign3A_251 : i32 to vector<16xi32>
    %ne3A_253 = arith.cmpi ne, %sign3A_244, %ne3A_252 : vector<16xi32>
    %rem3A_254 = vector.broadcast %jit3A_233 : i32 to vector<16xi32>
    %rem3A_255 = arith.remsi %add3A_232, %rem3A_254 : vector<16xi32>
    %ne3A_256 = arith.constant 0 : i32
    %ne3A_257 = vector.broadcast %ne3A_256 : i32 to vector<16xi32>
    %ne3A_258 = arith.cmpi ne, %rem3A_255, %ne3A_257 : vector<16xi32>
    %and3A_259 = arith.andi %ne3A_253, %ne3A_258 : vector<16xi1>
    %sub3A_260 = arith.constant 1 : i32
    %sub3A_261 = vector.broadcast %sub3A_260 : i32 to vector<16xi32>
    %sub3A_262 = arith.subi %div3A_235, %sub3A_261 : vector<16xi32>
    %select_n3A_263 = arith.select %and3A_259, %sub3A_262, %div3A_235 : vector<16xi1>, vector<16xi32>
    %eq3A_264 = arith.constant 0 : i32
    %eq3A_265 = vector.broadcast %eq3A_264 : i32 to vector<16xi32>
    %eq3A_266 = arith.cmpi eq, %add3A_229, %eq3A_265 : vector<16xi32>
    %sub3A_267 = arith.constant 1 : i32
    %sub3A_268 = vector.broadcast %sub3A_267 : i32 to vector<16xi32>
    %sub3A_269 = arith.subi %add3A_229, %sub3A_268 : vector<16xi32>
    %jit3A_270 = arith.constant 64 : i32
    %eq3A_271 = arith.constant 0 : i32
    %eq3A_272 = arith.cmpi eq, %jit3A_270, %eq3A_271 : i32
    %jit3A_273 = arith.constant 1 : i32
    %select_n3A_274 = arith.select %eq3A_272, %jit3A_273, %jit3A_270 : i32
    %rem3A_275 = vector.broadcast %select_n3A_274 : i32 to vector<16xi32>
    %rem3A_276 = arith.remsi %sub3A_269, %rem3A_275 : vector<16xi32>
    %ne3A_277 = arith.constant 0 : i32
    %ne3A_278 = vector.broadcast %ne3A_277 : i32 to vector<16xi32>
    %ne3A_279 = arith.cmpi ne, %rem3A_276, %ne3A_278 : vector<16xi32>
    %lt3A = arith.constant 0 : i32
    %lt3A_280 = vector.broadcast %lt3A : i32 to vector<16xi32>
    %lt3A_281 = arith.cmpi slt, %rem3A_276, %lt3A_280 : vector<16xi32>
    %lt3A_282 = arith.constant 0 : i32
    %lt3A_283 = arith.cmpi slt, %select_n3A_274, %lt3A_282 : i32
    %ne3A_284 = vector.broadcast %lt3A_283 : i1 to vector<16xi1>
    %ne3A_285 = vector.broadcast %ne3A_284 : vector<16xi1> to vector<16xi1>
    %ne3A_286 = arith.xori %lt3A_281, %ne3A_285 : vector<16xi1>
    %and3A_287 = arith.andi %ne3A_286, %ne3A_279 : vector<16xi1>
    %add3A_288 = vector.broadcast %select_n3A_274 : i32 to vector<16xi32>
    %add3A_289 = arith.addi %rem3A_276, %add3A_288 : vector<16xi32>
    %select_n3A_290 = arith.select %and3A_287, %add3A_289, %rem3A_276 : vector<16xi1>, vector<16xi32>
    %jit3A_291 = arith.constant 0 : i32
    %broadcast_in_dim3A_292 = vector.broadcast %jit3A_291 : i32 to vector<16xi32>
    %select_n3A_293 = arith.select %eq3A_266, %broadcast_in_dim3A_292, %select_n3A_290 : vector<16xi1>, vector<16xi32>
    %gt3A_294 = arith.cmpi sgt, %select_n3A_263, %get3A_218 : vector<16xi32>
    %jit3A_295 = arith.constant 1 : i32
    %jit3A_296 = arith.constant 0 : i32
    %broadcast_in_dim3A_297 = vector.broadcast %jit3A_295 : i32 to vector<16xi32>
    %broadcast_in_dim3A_298 = vector.broadcast %jit3A_296 : i32 to vector<16xi32>
    %select_n3A_299 = arith.select %gt3A_294, %broadcast_in_dim3A_297, %broadcast_in_dim3A_298 : vector<16xi1>, vector<16xi32>
    %broadcast_in_dim3A_300 = arith.constant true
    %broadcast_in_dim3A_301 = vector.broadcast %broadcast_in_dim3A_300 : i1 to vector<16xi1>
    %masked_cumsum3A = tpu.scan <sum>, %select_n3A_299 masked %broadcast_in_dim3A_301 : vector<16xi32>, vector<16xi1> -> vector<16xi32>
    %add3A_302 = arith.constant 0 : i32
    %add3A_303 = vector.broadcast %add3A_302 : i32 to vector<16xi32>
    %add3A_304 = arith.addi %add3A_303, %masked_cumsum3A : vector<16xi32>
    %sub3A_305 = arith.constant 1 : i32
    %sub3A_306 = vector.broadcast %sub3A_305 : i32 to vector<16xi32>
    %sub3A_307 = arith.subi %add3A_304, %sub3A_306 : vector<16xi32>
    %reduce_sum3A = arith.constant true
    %reduce_sum3A_308 = vector.broadcast %reduce_sum3A : i1 to vector<16xi1>
    %reduce_sum3A_309 = tpu.scan <sum>, %select_n3A_299 masked %reduce_sum3A_308 : vector<16xi32>, vector<16xi1> -> vector<16xi32>
    %reduce_sum3A_310 = vector.extract %reduce_sum3A_309[15] : i32 from vector<16xi32>
    %add3A_311 = arith.constant 0 : i32
    %add3A_312 = arith.addi %add3A_311, %reduce_sum3A_310 : i32
    %jit3A_313 = arith.constant 0 : i32
    %jit3A_314 = arith.constant 63 : i32
    %max3A = vector.broadcast %jit3A_313 : i32 to vector<16xi32>
    %max3A_315 = arith.maxsi %max3A, %sub3A_307 : vector<16xi32>
    %min3A = vector.broadcast %jit3A_314 : i32 to vector<16xi32>
    %min3A_316 = arith.minsi %min3A, %max3A_315 : vector<16xi32>
    %gather3A = tpu.vector_load_idx %arg20[%min3A_316] masked %gt3A_294 : memref<64xi32, #tpu.memory_space<vmem>>[vector<16xi32>], vector<16xi32>, vector<16xi1>
    %jit3A_317 = arith.constant 0 : i32
    %broadcast_in_dim3A_318 = vector.broadcast %jit3A_317 : i32 to vector<16xi32>
    %select_n3A_319 = arith.select %gt3A_294, %gather3A, %broadcast_in_dim3A_318 : vector<16xi1>, vector<16xi32>
    %select_n3A_320 = arith.select %gt3A_294, %select_n3A_319, %get3A_220 : vector<16xi1>, vector<16xi32>
    %swap3A_321 = arith.constant 0 : index
    %swap3A_322 = tpu.vector_load %arg26[%swap3A_321] {strides = array<i32>} : memref<64xi32, #tpu.memory_space<vmem>>, vector<16xi32>,
    tpu.vector_store %arg26[%swap3A_321], %add3A_229 {strides = array<i32>} : memref<64xi32, #tpu.memory_space<vmem>>, vector<16xi32>,
    %swap3A_323 = arith.constant 0 : index
    %swap3A_324 = tpu.vector_load %arg27[%swap3A_323] {strides = array<i32>} : memref<64xi32, #tpu.memory_space<vmem>>, vector<16xi32>,
    tpu.vector_store %arg27[%swap3A_323], %select_n3A_263 {strides = array<i32>} : memref<64xi32, #tpu.memory_space<vmem>>, vector<16xi32>,
    %swap3A_325 = arith.constant 0 : index
    %swap3A_326 = tpu.vector_load %arg28[%swap3A_325] {strides = array<i32>} : memref<64xi32, #tpu.memory_space<vmem>>, vector<16xi32>,
    tpu.vector_store %arg28[%swap3A_325], %select_n3A_320 {strides = array<i32>} : memref<64xi32, #tpu.memory_space<vmem>>, vector<16xi32>,
    %swap3A_327 = arith.constant 0 : index
    %swap3A_328 = tpu.vector_load %arg29[%swap3A_327] {strides = array<i32>} : memref<64xi32, #tpu.memory_space<vmem>>, vector<16xi32>,
    tpu.vector_store %arg29[%swap3A_327], %select_n3A_293 {strides = array<i32>} : memref<64xi32, #tpu.memory_space<vmem>>, vector<16xi32>,
    %swap3A_329 = arith.constant 0 : index
    %swap3A_330 = tpu.vector_load %arg24[%swap3A_329] {strides = array<i32>} : memref<64xi32, #tpu.memory_space<vmem>>, vector<16xi32>,
    tpu.vector_store %arg24[%swap3A_329], %select_n3A_319 {strides = array<i32>} : memref<64xi32, #tpu.memory_space<vmem>>, vector<16xi32>,
    %swap3A_331 = arith.constant 0 : index
    %swap3A_332 = tpu.vector_load %arg25[%swap3A_331] {strides = array<i32>} : memref<64xi32, #tpu.memory_space<vmem>>, vector<16xi32>,
    tpu.vector_store %arg25[%swap3A_331], %select_n3A_299 {strides = array<i32>} : memref<64xi32, #tpu.memory_space<vmem>>, vector<16xi32>,
    %jit3A_333 = arith.constant -1 : i32
    %broadcast_in_dim3A_334 = vector.broadcast %jit3A_333 : i32 to vector<16xi32>
    %select_n3A_335 = arith.select %gt3A_294, %select_n3A_319, %broadcast_in_dim3A_334 : vector<16xi1>, vector<16xi32>
    %get3A_336 = arith.constant 16 : index
    %get3A_337 = tpu.vector_load %arg21[%get3A_336] {strides = array<i32>} : memref<64xi32, #tpu.memory_space<vmem>>, vector<16xi32>,
    %get3A_338 = arith.constant 16 : index
    %get3A_339 = tpu.vector_load %arg22[%get3A_338] {strides = array<i32>} : memref<64xi32, #tpu.memory_space<vmem>>, vector<16xi32>,
    %get3A_340 = arith.constant 16 : index
    %get3A_341 = tpu.vector_load %arg23[%get3A_340] {strides = array<i32>} : memref<64xi32, #tpu.memory_space<vmem>>, vector<16xi32>,
    %eq3A_342 = arith.constant -1 : i32
    %eq3A_343 = vector.broadcast %eq3A_342 : i32 to vector<16xi32>
    %eq3A_344 = arith.cmpi eq, %get3A_341, %eq3A_343 : vector<16xi32>
    %jit3A_345 = arith.constant 0 : i32
    %jit3A_346 = arith.constant 1 : i32
    %broadcast_in_dim3A_347 = vector.broadcast %jit3A_345 : i32 to vector<16xi32>
    %broadcast_in_dim3A_348 = vector.broadcast %jit3A_346 : i32 to vector<16xi32>
    %select_n3A_349 = arith.select %eq3A_344, %broadcast_in_dim3A_347, %broadcast_in_dim3A_348 : vector<16xi1>, vector<16xi32>
    %add3A_350 = arith.addi %get3A_337, %select_n3A_349 : vector<16xi32>
    %add3A_351 = arith.constant 63 : i32
    %add3A_352 = vector.broadcast %add3A_351 : i32 to vector<16xi32>
    %add3A_353 = arith.addi %add3A_350, %add3A_352 : vector<16xi32>
    %jit3A_354 = arith.constant 64 : i32
    %div3A_355 = vector.broadcast %jit3A_354 : i32 to vector<16xi32>
    %div3A_356 = arith.divsi %add3A_353, %div3A_355 : vector<16xi32>
    %sign3A_357 = arith.constant 0 : i32
    %sign3A_358 = vector.broadcast %sign3A_357 : i32 to vector<16xi32>
    %sign3A_359 = arith.cmpi sgt, %add3A_353, %sign3A_358 : vector<16xi32>
    %sign3A_360 = arith.extui %sign3A_359 : vector<16xi1> to vector<16xi32>
    %sign3A_361 = arith.constant 0 : i32
    %sign3A_362 = vector.broadcast %sign3A_361 : i32 to vector<16xi32>
    %sign3A_363 = arith.cmpi slt, %add3A_353, %sign3A_362 : vector<16xi32>
    %sign3A_364 = arith.extui %sign3A_363 : vector<16xi1> to vector<16xi32>
    %sign3A_365 = arith.subi %sign3A_360, %sign3A_364 : vector<16xi32>
    %sign3A_366 = arith.constant 0 : i32
    %sign3A_367 = arith.cmpi sgt, %jit3A_354, %sign3A_366 : i32
    %sign3A_368 = arith.extui %sign3A_367 : i1 to i32
    %sign3A_369 = arith.constant 0 : i32
    %sign3A_370 = arith.cmpi slt, %jit3A_354, %sign3A_369 : i32
    %sign3A_371 = arith.extui %sign3A_370 : i1 to i32
    %sign3A_372 = arith.subi %sign3A_368, %sign3A_371 : i32
    %ne3A_373 = vector.broadcast %sign3A_372 : i32 to vector<16xi32>
    %ne3A_374 = arith.cmpi ne, %sign3A_365, %ne3A_373 : vector<16xi32>
    %rem3A_375 = vector.broadcast %jit3A_354 : i32 to vector<16xi32>
    %rem3A_376 = arith.remsi %add3A_353, %rem3A_375 : vector<16xi32>
    %ne3A_377 = arith.constant 0 : i32
    %ne3A_378 = vector.broadcast %ne3A_377 : i32 to vector<16xi32>
    %ne3A_379 = arith.cmpi ne, %rem3A_376, %ne3A_378 : vector<16xi32>
    %and3A_380 = arith.andi %ne3A_374, %ne3A_379 : vector<16xi1>
    %sub3A_381 = arith.constant 1 : i32
    %sub3A_382 = vector.broadcast %sub3A_381 : i32 to vector<16xi32>
    %sub3A_383 = arith.subi %div3A_356, %sub3A_382 : vector<16xi32>
    %select_n3A_384 = arith.select %and3A_380, %sub3A_383, %div3A_356 : vector<16xi1>, vector<16xi32>
    %eq3A_385 = arith.constant 0 : i32
    %eq3A_386 = vector.broadcast %eq3A_385 : i32 to vector<16xi32>
    %eq3A_387 = arith.cmpi eq, %add3A_350, %eq3A_386 : vector<16xi32>
    %sub3A_388 = arith.constant 1 : i32
    %sub3A_389 = vector.broadcast %sub3A_388 : i32 to vector<16xi32>
    %sub3A_390 = arith.subi %add3A_350, %sub3A_389 : vector<16xi32>
    %jit3A_391 = arith.constant 64 : i32
    %eq3A_392 = arith.constant 0 : i32
    %eq3A_393 = arith.cmpi eq, %jit3A_391, %eq3A_392 : i32
    %jit3A_394 = arith.constant 1 : i32
    %select_n3A_395 = arith.select %eq3A_393, %jit3A_394, %jit3A_391 : i32
    %rem3A_396 = vector.broadcast %select_n3A_395 : i32 to vector<16xi32>
    %rem3A_397 = arith.remsi %sub3A_390, %rem3A_396 : vector<16xi32>
    %ne3A_398 = arith.constant 0 : i32
    %ne3A_399 = vector.broadcast %ne3A_398 : i32 to vector<16xi32>
    %ne3A_400 = arith.cmpi ne, %rem3A_397, %ne3A_399 : vector<16xi32>
    %lt3A_401 = arith.constant 0 : i32
    %lt3A_402 = vector.broadcast %lt3A_401 : i32 to vector<16xi32>
    %lt3A_403 = arith.cmpi slt, %rem3A_397, %lt3A_402 : vector<16xi32>
    %lt3A_404 = arith.constant 0 : i32
    %lt3A_405 = arith.cmpi slt, %select_n3A_395, %lt3A_404 : i32
    %ne3A_406 = vector.broadcast %lt3A_405 : i1 to vector<16xi1>
    %ne3A_407 = vector.broadcast %ne3A_406 : vector<16xi1> to vector<16xi1>
    %ne3A_408 = arith.xori %lt3A_403, %ne3A_407 : vector<16xi1>
    %and3A_409 = arith.andi %ne3A_408, %ne3A_400 : vector<16xi1>
    %add3A_410 = vector.broadcast %select_n3A_395 : i32 to vector<16xi32>
    %add3A_411 = arith.addi %rem3A_397, %add3A_410 : vector<16xi32>
    %select_n3A_412 = arith.select %and3A_409, %add3A_411, %rem3A_397 : vector<16xi1>, vector<16xi32>
    %jit3A_413 = arith.constant 0 : i32
    %broadcast_in_dim3A_414 = vector.broadcast %jit3A_413 : i32 to vector<16xi32>
    %select_n3A_415 = arith.select %eq3A_387, %broadcast_in_dim3A_414, %select_n3A_412 : vector<16xi1>, vector<16xi32>
    %gt3A_416 = arith.cmpi sgt, %select_n3A_384, %get3A_339 : vector<16xi32>
    %jit3A_417 = arith.constant 1 : i32
    %jit3A_418 = arith.constant 0 : i32
    %broadcast_in_dim3A_419 = vector.broadcast %jit3A_417 : i32 to vector<16xi32>
    %broadcast_in_dim3A_420 = vector.broadcast %jit3A_418 : i32 to vector<16xi32>
    %select_n3A_421 = arith.select %gt3A_416, %broadcast_in_dim3A_419, %broadcast_in_dim3A_420 : vector<16xi1>, vector<16xi32>
    %broadcast_in_dim3A_422 = arith.constant true
    %broadcast_in_dim3A_423 = vector.broadcast %broadcast_in_dim3A_422 : i1 to vector<16xi1>
    %masked_cumsum3A_424 = tpu.scan <sum>, %select_n3A_421 masked %broadcast_in_dim3A_423 : vector<16xi32>, vector<16xi1> -> vector<16xi32>
    %add3A_425 = vector.broadcast %add3A_312 : i32 to vector<16xi32>
    %add3A_426 = arith.addi %add3A_425, %masked_cumsum3A_424 : vector<16xi32>
    %sub3A_427 = arith.constant 1 : i32
    %sub3A_428 = vector.broadcast %sub3A_427 : i32 to vector<16xi32>
    %sub3A_429 = arith.subi %add3A_426, %sub3A_428 : vector<16xi32>
    %reduce_sum3A_430 = arith.constant true
    %reduce_sum3A_431 = vector.broadcast %reduce_sum3A_430 : i1 to vector<16xi1>
    %reduce_sum3A_432 = tpu.scan <sum>, %select_n3A_421 masked %reduce_sum3A_431 : vector<16xi32>, vector<16xi1> -> vector<16xi32>
    %reduce_sum3A_433 = vector.extract %reduce_sum3A_432[15] : i32 from vector<16xi32>
    %add3A_434 = arith.addi %add3A_312, %reduce_sum3A_433 : i32
    %jit3A_435 = arith.constant 0 : i32
    %jit3A_436 = arith.constant 63 : i32
    %max3A_437 = vector.broadcast %jit3A_435 : i32 to vector<16xi32>
    %max3A_438 = arith.maxsi %max3A_437, %sub3A_429 : vector<16xi32>
    %min3A_439 = vector.broadcast %jit3A_436 : i32 to vector<16xi32>
    %min3A_440 = arith.minsi %min3A_439, %max3A_438 : vector<16xi32>
    %gather3A_441 = tpu.vector_load_idx %arg20[%min3A_440] masked %gt3A_416 : memref<64xi32, #tpu.memory_space<vmem>>[vector<16xi32>], vector<16xi32>, vector<16xi1>
    %jit3A_442 = arith.constant 0 : i32
    %broadcast_in_dim3A_443 = vector.broadcast %jit3A_442 : i32 to vector<16xi32>
    %select_n3A_444 = arith.select %gt3A_416, %gather3A_441, %broadcast_in_dim3A_443 : vector<16xi1>, vector<16xi32>
    %select_n3A_445 = arith.select %gt3A_416, %select_n3A_444, %get3A_341 : vector<16xi1>, vector<16xi32>
    %swap3A_446 = arith.constant 16 : index
    %swap3A_447 = tpu.vector_load %arg26[%swap3A_446] {strides = array<i32>} : memref<64xi32, #tpu.memory_space<vmem>>, vector<16xi32>,
    tpu.vector_store %arg26[%swap3A_446], %add3A_350 {strides = array<i32>} : memref<64xi32, #tpu.memory_space<vmem>>, vector<16xi32>,
    %swap3A_448 = arith.constant 16 : index
    %swap3A_449 = tpu.vector_load %arg27[%swap3A_448] {strides = array<i32>} : memref<64xi32, #tpu.memory_space<vmem>>, vector<16xi32>,
    tpu.vector_store %arg27[%swap3A_448], %select_n3A_384 {strides = array<i32>} : memref<64xi32, #tpu.memory_space<vmem>>, vector<16xi32>,
    %swap3A_450 = arith.constant 16 : index
    %swap3A_451 = tpu.vector_load %arg28[%swap3A_450] {strides = array<i32>} : memref<64xi32, #tpu.memory_space<vmem>>, vector<16xi32>,
    tpu.vector_store %arg28[%swap3A_450], %select_n3A_445 {strides = array<i32>} : memref<64xi32, #tpu.memory_space<vmem>>, vector<16xi32>,
    %swap3A_452 = arith.constant 16 : index
    %swap3A_453 = tpu.vector_load %arg29[%swap3A_452] {strides = array<i32>} : memref<64xi32, #tpu.memory_space<vmem>>, vector<16xi32>,
    tpu.vector_store %arg29[%swap3A_452], %select_n3A_415 {strides = array<i32>} : memref<64xi32, #tpu.memory_space<vmem>>, vector<16xi32>,
    %swap3A_454 = arith.constant 16 : index
    %swap3A_455 = tpu.vector_load %arg24[%swap3A_454] {strides = array<i32>} : memref<64xi32, #tpu.memory_space<vmem>>, vector<16xi32>,
    tpu.vector_store %arg24[%swap3A_454], %select_n3A_444 {strides = array<i32>} : memref<64xi32, #tpu.memory_space<vmem>>, vector<16xi32>,
    %swap3A_456 = arith.constant 16 : index
    %swap3A_457 = tpu.vector_load %arg25[%swap3A_456] {strides = array<i32>} : memref<64xi32, #tpu.memory_space<vmem>>, vector<16xi32>,
    tpu.vector_store %arg25[%swap3A_456], %select_n3A_421 {strides = array<i32>} : memref<64xi32, #tpu.memory_space<vmem>>, vector<16xi32>,
    %jit3A_458 = arith.constant -1 : i32
    %broadcast_in_dim3A_459 = vector.broadcast %jit3A_458 : i32 to vector<16xi32>
    %select_n3A_460 = arith.select %gt3A_416, %select_n3A_444, %broadcast_in_dim3A_459 : vector<16xi1>, vector<16xi32>
    %get3A_461 = arith.constant 32 : index
    %get3A_462 = tpu.vector_load %arg21[%get3A_461] {strides = array<i32>} : memref<64xi32, #tpu.memory_space<vmem>>, vector<16xi32>,
    %get3A_463 = arith.constant 32 : index
    %get3A_464 = tpu.vector_load %arg22[%get3A_463] {strides = array<i32>} : memref<64xi32, #tpu.memory_space<vmem>>, vector<16xi32>,
    %get3A_465 = arith.constant 32 : index
    %get3A_466 = tpu.vector_load %arg23[%get3A_465] {strides = array<i32>} : memref<64xi32, #tpu.memory_space<vmem>>, vector<16xi32>,
    %eq3A_467 = arith.constant -1 : i32
    %eq3A_468 = vector.broadcast %eq3A_467 : i32 to vector<16xi32>
    %eq3A_469 = arith.cmpi eq, %get3A_466, %eq3A_468 : vector<16xi32>
    %jit3A_470 = arith.constant 0 : i32
    %jit3A_471 = arith.constant 1 : i32
    %broadcast_in_dim3A_472 = vector.broadcast %jit3A_470 : i32 to vector<16xi32>
    %broadcast_in_dim3A_473 = vector.broadcast %jit3A_471 : i32 to vector<16xi32>
    %select_n3A_474 = arith.select %eq3A_469, %broadcast_in_dim3A_472, %broadcast_in_dim3A_473 : vector<16xi1>, vector<16xi32>
    %add3A_475 = arith.addi %get3A_462, %select_n3A_474 : vector<16xi32>
    %add3A_476 = arith.constant 63 : i32
    %add3A_477 = vector.broadcast %add3A_476 : i32 to vector<16xi32>
    %add3A_478 = arith.addi %add3A_475, %add3A_477 : vector<16xi32>
    %jit3A_479 = arith.constant 64 : i32
    %div3A_480 = vector.broadcast %jit3A_479 : i32 to vector<16xi32>
    %div3A_481 = arith.divsi %add3A_478, %div3A_480 : vector<16xi32>
    %sign3A_482 = arith.constant 0 : i32
    %sign3A_483 = vector.broadcast %sign3A_482 : i32 to vector<16xi32>
    %sign3A_484 = arith.cmpi sgt, %add3A_478, %sign3A_483 : vector<16xi32>
    %sign3A_485 = arith.extui %sign3A_484 : vector<16xi1> to vector<16xi32>
    %sign3A_486 = arith.constant 0 : i32
    %sign3A_487 = vector.broadcast %sign3A_486 : i32 to vector<16xi32>
    %sign3A_488 = arith.cmpi slt, %add3A_478, %sign3A_487 : vector<16xi32>
    %sign3A_489 = arith.extui %sign3A_488 : vector<16xi1> to vector<16xi32>
    %sign3A_490 = arith.subi %sign3A_485, %sign3A_489 : vector<16xi32>
    %sign3A_491 = arith.constant 0 : i32
    %sign3A_492 = arith.cmpi sgt, %jit3A_479, %sign3A_491 : i32
    %sign3A_493 = arith.extui %sign3A_492 : i1 to i32
    %sign3A_494 = arith.constant 0 : i32
    %sign3A_495 = arith.cmpi slt, %jit3A_479, %sign3A_494 : i32
    %sign3A_496 = arith.extui %sign3A_495 : i1 to i32
    %sign3A_497 = arith.subi %sign3A_493, %sign3A_496 : i32
    %ne3A_498 = vector.broadcast %sign3A_497 : i32 to vector<16xi32>
    %ne3A_499 = arith.cmpi ne, %sign3A_490, %ne3A_498 : vector<16xi32>
    %rem3A_500 = vector.broadcast %jit3A_479 : i32 to vector<16xi32>
    %rem3A_501 = arith.remsi %add3A_478, %rem3A_500 : vector<16xi32>
    %ne3A_502 = arith.constant 0 : i32
    %ne3A_503 = vector.broadcast %ne3A_502 : i32 to vector<16xi32>
    %ne3A_504 = arith.cmpi ne, %rem3A_501, %ne3A_503 : vector<16xi32>
    %and3A_505 = arith.andi %ne3A_499, %ne3A_504 : vector<16xi1>
    %sub3A_506 = arith.constant 1 : i32
    %sub3A_507 = vector.broadcast %sub3A_506 : i32 to vector<16xi32>
    %sub3A_508 = arith.subi %div3A_481, %sub3A_507 : vector<16xi32>
    %select_n3A_509 = arith.select %and3A_505, %sub3A_508, %div3A_481 : vector<16xi1>, vector<16xi32>
    %eq3A_510 = arith.constant 0 : i32
    %eq3A_511 = vector.broadcast %eq3A_510 : i32 to vector<16xi32>
    %eq3A_512 = arith.cmpi eq, %add3A_475, %eq3A_511 : vector<16xi32>
    %sub3A_513 = arith.constant 1 : i32
    %sub3A_514 = vector.broadcast %sub3A_513 : i32 to vector<16xi32>
    %sub3A_515 = arith.subi %add3A_475, %sub3A_514 : vector<16xi32>
    %jit3A_516 = arith.constant 64 : i32
    %eq3A_517 = arith.constant 0 : i32
    %eq3A_518 = arith.cmpi eq, %jit3A_516, %eq3A_517 : i32
    %jit3A_519 = arith.constant 1 : i32
    %select_n3A_520 = arith.select %eq3A_518, %jit3A_519, %jit3A_516 : i32
    %rem3A_521 = vector.broadcast %select_n3A_520 : i32 to vector<16xi32>
    %rem3A_522 = arith.remsi %sub3A_515, %rem3A_521 : vector<16xi32>
    %ne3A_523 = arith.constant 0 : i32
    %ne3A_524 = vector.broadcast %ne3A_523 : i32 to vector<16xi32>
    %ne3A_525 = arith.cmpi ne, %rem3A_522, %ne3A_524 : vector<16xi32>
    %lt3A_526 = arith.constant 0 : i32
    %lt3A_527 = vector.broadcast %lt3A_526 : i32 to vector<16xi32>
    %lt3A_528 = arith.cmpi slt, %rem3A_522, %lt3A_527 : vector<16xi32>
    %lt3A_529 = arith.constant 0 : i32
    %lt3A_530 = arith.cmpi slt, %select_n3A_520, %lt3A_529 : i32
    %ne3A_531 = vector.broadcast %lt3A_530 : i1 to vector<16xi1>
    %ne3A_532 = vector.broadcast %ne3A_531 : vector<16xi1> to vector<16xi1>
    %ne3A_533 = arith.xori %lt3A_528, %ne3A_532 : vector<16xi1>
    %and3A_534 = arith.andi %ne3A_533, %ne3A_525 : vector<16xi1>
    %add3A_535 = vector.broadcast %select_n3A_520 : i32 to vector<16xi32>
    %add3A_536 = arith.addi %rem3A_522, %add3A_535 : vector<16xi32>
    %select_n3A_537 = arith.select %and3A_534, %add3A_536, %rem3A_522 : vector<16xi1>, vector<16xi32>
    %jit3A_538 = arith.constant 0 : i32
    %broadcast_in_dim3A_539 = vector.broadcast %jit3A_538 : i32 to vector<16xi32>
    %select_n3A_540 = arith.select %eq3A_512, %broadcast_in_dim3A_539, %select_n3A_537 : vector<16xi1>, vector<16xi32>
    %gt3A_541 = arith.cmpi sgt, %select_n3A_509, %get3A_464 : vector<16xi32>
    %jit3A_542 = arith.constant 1 : i32
    %jit3A_543 = arith.constant 0 : i32
    %broadcast_in_dim3A_544 = vector.broadcast %jit3A_542 : i32 to vector<16xi32>
    %broadcast_in_dim3A_545 = vector.broadcast %jit3A_543 : i32 to vector<16xi32>
    %select_n3A_546 = arith.select %gt3A_541, %broadcast_in_dim3A_544, %broadcast_in_dim3A_545 : vector<16xi1>, vector<16xi32>
    %broadcast_in_dim3A_547 = arith.constant true
    %broadcast_in_dim3A_548 = vector.broadcast %broadcast_in_dim3A_547 : i1 to vector<16xi1>
    %masked_cumsum3A_549 = tpu.scan <sum>, %select_n3A_546 masked %broadcast_in_dim3A_548 : vector<16xi32>, vector<16xi1> -> vector<16xi32>
    %add3A_550 = vector.broadcast %add3A_434 : i32 to vector<16xi32>
    %add3A_551 = arith.addi %add3A_550, %masked_cumsum3A_549 : vector<16xi32>
    %sub3A_552 = arith.constant 1 : i32
    %sub3A_553 = vector.broadcast %sub3A_552 : i32 to vector<16xi32>
    %sub3A_554 = arith.subi %add3A_551, %sub3A_553 : vector<16xi32>
    %reduce_sum3A_555 = arith.constant true
    %reduce_sum3A_556 = vector.broadcast %reduce_sum3A_555 : i1 to vector<16xi1>
    %reduce_sum3A_557 = tpu.scan <sum>, %select_n3A_546 masked %reduce_sum3A_556 : vector<16xi32>, vector<16xi1> -> vector<16xi32>
    %reduce_sum3A_558 = vector.extract %reduce_sum3A_557[15] : i32 from vector<16xi32>
    %add3A_559 = arith.addi %add3A_434, %reduce_sum3A_558 : i32
    %jit3A_560 = arith.constant 0 : i32
    %jit3A_561 = arith.constant 63 : i32
    %max3A_562 = vector.broadcast %jit3A_560 : i32 to vector<16xi32>
    %max3A_563 = arith.maxsi %max3A_562, %sub3A_554 : vector<16xi32>
    %min3A_564 = vector.broadcast %jit3A_561 : i32 to vector<16xi32>
    %min3A_565 = arith.minsi %min3A_564, %max3A_563 : vector<16xi32>
    %gather3A_566 = tpu.vector_load_idx %arg20[%min3A_565] masked %gt3A_541 : memref<64xi32, #tpu.memory_space<vmem>>[vector<16xi32>], vector<16xi32>, vector<16xi1>
    %jit3A_567 = arith.constant 0 : i32
    %broadcast_in_dim3A_568 = vector.broadcast %jit3A_567 : i32 to vector<16xi32>
    %select_n3A_569 = arith.select %gt3A_541, %gather3A_566, %broadcast_in_dim3A_568 : vector<16xi1>, vector<16xi32>
    %select_n3A_570 = arith.select %gt3A_541, %select_n3A_569, %get3A_466 : vector<16xi1>, vector<16xi32>
    %swap3A_571 = arith.constant 32 : index
    %swap3A_572 = tpu.vector_load %arg26[%swap3A_571] {strides = array<i32>} : memref<64xi32, #tpu.memory_space<vmem>>, vector<16xi32>,
    tpu.vector_store %arg26[%swap3A_571], %add3A_475 {strides = array<i32>} : memref<64xi32, #tpu.memory_space<vmem>>, vector<16xi32>,
    %swap3A_573 = arith.constant 32 : index
    %swap3A_574 = tpu.vector_load %arg27[%swap3A_573] {strides = array<i32>} : memref<64xi32, #tpu.memory_space<vmem>>, vector<16xi32>,
    tpu.vector_store %arg27[%swap3A_573], %select_n3A_509 {strides = array<i32>} : memref<64xi32, #tpu.memory_space<vmem>>, vector<16xi32>,
    %swap3A_575 = arith.constant 32 : index
    %swap3A_576 = tpu.vector_load %arg28[%swap3A_575] {strides = array<i32>} : memref<64xi32, #tpu.memory_space<vmem>>, vector<16xi32>,
    tpu.vector_store %arg28[%swap3A_575], %select_n3A_570 {strides = array<i32>} : memref<64xi32, #tpu.memory_space<vmem>>, vector<16xi32>,
    %swap3A_577 = arith.constant 32 : index
    %swap3A_578 = tpu.vector_load %arg29[%swap3A_577] {strides = array<i32>} : memref<64xi32, #tpu.memory_space<vmem>>, vector<16xi32>,
    tpu.vector_store %arg29[%swap3A_577], %select_n3A_540 {strides = array<i32>} : memref<64xi32, #tpu.memory_space<vmem>>, vector<16xi32>,
    %swap3A_579 = arith.constant 32 : index
    %swap3A_580 = tpu.vector_load %arg24[%swap3A_579] {strides = array<i32>} : memref<64xi32, #tpu.memory_space<vmem>>, vector<16xi32>,
    tpu.vector_store %arg24[%swap3A_579], %select_n3A_569 {strides = array<i32>} : memref<64xi32, #tpu.memory_space<vmem>>, vector<16xi32>,
    %swap3A_581 = arith.constant 32 : index
    %swap3A_582 = tpu.vector_load %arg25[%swap3A_581] {strides = array<i32>} : memref<64xi32, #tpu.memory_space<vmem>>, vector<16xi32>,
    tpu.vector_store %arg25[%swap3A_581], %select_n3A_546 {strides = array<i32>} : memref<64xi32, #tpu.memory_space<vmem>>, vector<16xi32>,
    %jit3A_583 = arith.constant -1 : i32
    %broadcast_in_dim3A_584 = vector.broadcast %jit3A_583 : i32 to vector<16xi32>
    %select_n3A_585 = arith.select %gt3A_541, %select_n3A_569, %broadcast_in_dim3A_584 : vector<16xi1>, vector<16xi32>
    %get3A_586 = arith.constant 48 : index
    %get3A_587 = tpu.vector_load %arg21[%get3A_586] {strides = array<i32>} : memref<64xi32, #tpu.memory_space<vmem>>, vector<16xi32>,
    %get3A_588 = arith.constant 48 : index
    %get3A_589 = tpu.vector_load %arg22[%get3A_588] {strides = array<i32>} : memref<64xi32, #tpu.memory_space<vmem>>, vector<16xi32>,
    %get3A_590 = arith.constant 48 : index
    %get3A_591 = tpu.vector_load %arg23[%get3A_590] {strides = array<i32>} : memref<64xi32, #tpu.memory_space<vmem>>, vector<16xi32>,
    %eq3A_592 = arith.constant -1 : i32
    %eq3A_593 = vector.broadcast %eq3A_592 : i32 to vector<16xi32>
    %eq3A_594 = arith.cmpi eq, %get3A_591, %eq3A_593 : vector<16xi32>
    %jit3A_595 = arith.constant 0 : i32
    %jit3A_596 = arith.constant 1 : i32
    %broadcast_in_dim3A_597 = vector.broadcast %jit3A_595 : i32 to vector<16xi32>
    %broadcast_in_dim3A_598 = vector.broadcast %jit3A_596 : i32 to vector<16xi32>
    %select_n3A_599 = arith.select %eq3A_594, %broadcast_in_dim3A_597, %broadcast_in_dim3A_598 : vector<16xi1>, vector<16xi32>
    %add3A_600 = arith.addi %get3A_587, %select_n3A_599 : vector<16xi32>
    %add3A_601 = arith.constant 63 : i32
    %add3A_602 = vector.broadcast %add3A_601 : i32 to vector<16xi32>
    %add3A_603 = arith.addi %add3A_600, %add3A_602 : vector<16xi32>
    %jit3A_604 = arith.constant 64 : i32
    %div3A_605 = vector.broadcast %jit3A_604 : i32 to vector<16xi32>
    %div3A_606 = arith.divsi %add3A_603, %div3A_605 : vector<16xi32>
    %sign3A_607 = arith.constant 0 : i32
    %sign3A_608 = vector.broadcast %sign3A_607 : i32 to vector<16xi32>
    %sign3A_609 = arith.cmpi sgt, %add3A_603, %sign3A_608 : vector<16xi32>
    %sign3A_610 = arith.extui %sign3A_609 : vector<16xi1> to vector<16xi32>
    %sign3A_611 = arith.constant 0 : i32
    %sign3A_612 = vector.broadcast %sign3A_611 : i32 to vector<16xi32>
    %sign3A_613 = arith.cmpi slt, %add3A_603, %sign3A_612 : vector<16xi32>
    %sign3A_614 = arith.extui %sign3A_613 : vector<16xi1> to vector<16xi32>
    %sign3A_615 = arith.subi %sign3A_610, %sign3A_614 : vector<16xi32>
    %sign3A_616 = arith.constant 0 : i32
    %sign3A_617 = arith.cmpi sgt, %jit3A_604, %sign3A_616 : i32
    %sign3A_618 = arith.extui %sign3A_617 : i1 to i32
    %sign3A_619 = arith.constant 0 : i32
    %sign3A_620 = arith.cmpi slt, %jit3A_604, %sign3A_619 : i32
    %sign3A_621 = arith.extui %sign3A_620 : i1 to i32
    %sign3A_622 = arith.subi %sign3A_618, %sign3A_621 : i32
    %ne3A_623 = vector.broadcast %sign3A_622 : i32 to vector<16xi32>
    %ne3A_624 = arith.cmpi ne, %sign3A_615, %ne3A_623 : vector<16xi32>
    %rem3A_625 = vector.broadcast %jit3A_604 : i32 to vector<16xi32>
    %rem3A_626 = arith.remsi %add3A_603, %rem3A_625 : vector<16xi32>
    %ne3A_627 = arith.constant 0 : i32
    %ne3A_628 = vector.broadcast %ne3A_627 : i32 to vector<16xi32>
    %ne3A_629 = arith.cmpi ne, %rem3A_626, %ne3A_628 : vector<16xi32>
    %and3A_630 = arith.andi %ne3A_624, %ne3A_629 : vector<16xi1>
    %sub3A_631 = arith.constant 1 : i32
    %sub3A_632 = vector.broadcast %sub3A_631 : i32 to vector<16xi32>
    %sub3A_633 = arith.subi %div3A_606, %sub3A_632 : vector<16xi32>
    %select_n3A_634 = arith.select %and3A_630, %sub3A_633, %div3A_606 : vector<16xi1>, vector<16xi32>
    %eq3A_635 = arith.constant 0 : i32
    %eq3A_636 = vector.broadcast %eq3A_635 : i32 to vector<16xi32>
    %eq3A_637 = arith.cmpi eq, %add3A_600, %eq3A_636 : vector<16xi32>
    %sub3A_638 = arith.constant 1 : i32
    %sub3A_639 = vector.broadcast %sub3A_638 : i32 to vector<16xi32>
    %sub3A_640 = arith.subi %add3A_600, %sub3A_639 : vector<16xi32>
    %jit3A_641 = arith.constant 64 : i32
    %eq3A_642 = arith.constant 0 : i32
    %eq3A_643 = arith.cmpi eq, %jit3A_641, %eq3A_642 : i32
    %jit3A_644 = arith.constant 1 : i32
    %select_n3A_645 = arith.select %eq3A_643, %jit3A_644, %jit3A_641 : i32
    %rem3A_646 = vector.broadcast %select_n3A_645 : i32 to vector<16xi32>
    %rem3A_647 = arith.remsi %sub3A_640, %rem3A_646 : vector<16xi32>
    %ne3A_648 = arith.constant 0 : i32
    %ne3A_649 = vector.broadcast %ne3A_648 : i32 to vector<16xi32>
    %ne3A_650 = arith.cmpi ne, %rem3A_647, %ne3A_649 : vector<16xi32>
    %lt3A_651 = arith.constant 0 : i32
    %lt3A_652 = vector.broadcast %lt3A_651 : i32 to vector<16xi32>
    %lt3A_653 = arith.cmpi slt, %rem3A_647, %lt3A_652 : vector<16xi32>
    %lt3A_654 = arith.constant 0 : i32
    %lt3A_655 = arith.cmpi slt, %select_n3A_645, %lt3A_654 : i32
    %ne3A_656 = vector.broadcast %lt3A_655 : i1 to vector<16xi1>
    %ne3A_657 = vector.broadcast %ne3A_656 : vector<16xi1> to vector<16xi1>
    %ne3A_658 = arith.xori %lt3A_653, %ne3A_657 : vector<16xi1>
    %and3A_659 = arith.andi %ne3A_658, %ne3A_650 : vector<16xi1>
    %add3A_660 = vector.broadcast %select_n3A_645 : i32 to vector<16xi32>
    %add3A_661 = arith.addi %rem3A_647, %add3A_660 : vector<16xi32>
    %select_n3A_662 = arith.select %and3A_659, %add3A_661, %rem3A_647 : vector<16xi1>, vector<16xi32>
    %jit3A_663 = arith.constant 0 : i32
    %broadcast_in_dim3A_664 = vector.broadcast %jit3A_663 : i32 to vector<16xi32>
    %select_n3A_665 = arith.select %eq3A_637, %broadcast_in_dim3A_664, %select_n3A_662 : vector<16xi1>, vector<16xi32>
    %gt3A_666 = arith.cmpi sgt, %select_n3A_634, %get3A_589 : vector<16xi32>
    %jit3A_667 = arith.constant 1 : i32
    %jit3A_668 = arith.constant 0 : i32
    %broadcast_in_dim3A_669 = vector.broadcast %jit3A_667 : i32 to vector<16xi32>
    %broadcast_in_dim3A_670 = vector.broadcast %jit3A_668 : i32 to vector<16xi32>
    %select_n3A_671 = arith.select %gt3A_666, %broadcast_in_dim3A_669, %broadcast_in_dim3A_670 : vector<16xi1>, vector<16xi32>
    %broadcast_in_dim3A_672 = arith.constant true
    %broadcast_in_dim3A_673 = vector.broadcast %broadcast_in_dim3A_672 : i1 to vector<16xi1>
    %masked_cumsum3A_674 = tpu.scan <sum>, %select_n3A_671 masked %broadcast_in_dim3A_673 : vector<16xi32>, vector<16xi1> -> vector<16xi32>
    %add3A_675 = vector.broadcast %add3A_559 : i32 to vector<16xi32>
    %add3A_676 = arith.addi %add3A_675, %masked_cumsum3A_674 : vector<16xi32>
    %sub3A_677 = arith.constant 1 : i32
    %sub3A_678 = vector.broadcast %sub3A_677 : i32 to vector<16xi32>
    %sub3A_679 = arith.subi %add3A_676, %sub3A_678 : vector<16xi32>
    %reduce_sum3A_680 = arith.constant true
    %reduce_sum3A_681 = vector.broadcast %reduce_sum3A_680 : i1 to vector<16xi1>
    %reduce_sum3A_682 = tpu.scan <sum>, %select_n3A_671 masked %reduce_sum3A_681 : vector<16xi32>, vector<16xi1> -> vector<16xi32>
    %reduce_sum3A_683 = vector.extract %reduce_sum3A_682[15] : i32 from vector<16xi32>
    %add3A_684 = arith.addi %add3A_559, %reduce_sum3A_683 : i32
    %jit3A_685 = arith.constant 0 : i32
    %jit3A_686 = arith.constant 63 : i32
    %max3A_687 = vector.broadcast %jit3A_685 : i32 to vector<16xi32>
    %max3A_688 = arith.maxsi %max3A_687, %sub3A_679 : vector<16xi32>
    %min3A_689 = vector.broadcast %jit3A_686 : i32 to vector<16xi32>
    %min3A_690 = arith.minsi %min3A_689, %max3A_688 : vector<16xi32>
    %gather3A_691 = tpu.vector_load_idx %arg20[%min3A_690] masked %gt3A_666 : memref<64xi32, #tpu.memory_space<vmem>>[vector<16xi32>], vector<16xi32>, vector<16xi1>
    %jit3A_692 = arith.constant 0 : i32
    %broadcast_in_dim3A_693 = vector.broadcast %jit3A_692 : i32 to vector<16xi32>
    %select_n3A_694 = arith.select %gt3A_666, %gather3A_691, %broadcast_in_dim3A_693 : vector<16xi1>, vector<16xi32>
    %select_n3A_695 = arith.select %gt3A_666, %select_n3A_694, %get3A_591 : vector<16xi1>, vector<16xi32>
    %swap3A_696 = arith.constant 48 : index
    %swap3A_697 = tpu.vector_load %arg26[%swap3A_696] {strides = array<i32>} : memref<64xi32, #tpu.memory_space<vmem>>, vector<16xi32>,
    tpu.vector_store %arg26[%swap3A_696], %add3A_600 {strides = array<i32>} : memref<64xi32, #tpu.memory_space<vmem>>, vector<16xi32>,
    %swap3A_698 = arith.constant 48 : index
    %swap3A_699 = tpu.vector_load %arg27[%swap3A_698] {strides = array<i32>} : memref<64xi32, #tpu.memory_space<vmem>>, vector<16xi32>,
    tpu.vector_store %arg27[%swap3A_698], %select_n3A_634 {strides = array<i32>} : memref<64xi32, #tpu.memory_space<vmem>>, vector<16xi32>,
    %swap3A_700 = arith.constant 48 : index
    %swap3A_701 = tpu.vector_load %arg28[%swap3A_700] {strides = array<i32>} : memref<64xi32, #tpu.memory_space<vmem>>, vector<16xi32>,
    tpu.vector_store %arg28[%swap3A_700], %select_n3A_695 {strides = array<i32>} : memref<64xi32, #tpu.memory_space<vmem>>, vector<16xi32>,
    %swap3A_702 = arith.constant 48 : index
    %swap3A_703 = tpu.vector_load %arg29[%swap3A_702] {strides = array<i32>} : memref<64xi32, #tpu.memory_space<vmem>>, vector<16xi32>,
    tpu.vector_store %arg29[%swap3A_702], %select_n3A_665 {strides = array<i32>} : memref<64xi32, #tpu.memory_space<vmem>>, vector<16xi32>,
    %swap3A_704 = arith.constant 48 : index
    %swap3A_705 = tpu.vector_load %arg24[%swap3A_704] {strides = array<i32>} : memref<64xi32, #tpu.memory_space<vmem>>, vector<16xi32>,
    tpu.vector_store %arg24[%swap3A_704], %select_n3A_694 {strides = array<i32>} : memref<64xi32, #tpu.memory_space<vmem>>, vector<16xi32>,
    %swap3A_706 = arith.constant 48 : index
    %swap3A_707 = tpu.vector_load %arg25[%swap3A_706] {strides = array<i32>} : memref<64xi32, #tpu.memory_space<vmem>>, vector<16xi32>,
    tpu.vector_store %arg25[%swap3A_706], %select_n3A_671 {strides = array<i32>} : memref<64xi32, #tpu.memory_space<vmem>>, vector<16xi32>,
    %jit3A_708 = arith.constant -1 : i32
    %broadcast_in_dim3A_709 = vector.broadcast %jit3A_708 : i32 to vector<16xi32>
    %select_n3A_710 = arith.select %gt3A_666, %select_n3A_694, %broadcast_in_dim3A_709 : vector<16xi1>, vector<16xi32>
    %eq3A_711 = arith.constant 0 : i32
    %eq3A_712 = arith.cmpi eq, %arg0, %eq3A_711 : i32
    %convert_element_type3A_713 = arith.extui %eq3A_712 : i1 to i32
    %cond3A_714 = arith.constant 0 : i32
    %cond3A_715 = arith.cmpi ne, %convert_element_type3A_713, %cond3A_714 : i32
    scf.if %cond3A_715 {
      %ge3A = vector.broadcast %mul3A_3 : i32 to vector<16xi32>
      %ge3A_753 = arith.cmpi sge, %select_n3A_335, %ge3A : vector<16xi32>
      %add3A_754 = arith.constant 2048 : i32
      %add3A_755 = arith.addi %mul3A_3, %add3A_754 : i32
      %lt3A_756 = vector.broadcast %add3A_755 : i32 to vector<16xi32>
      %lt3A_757 = arith.cmpi slt, %select_n3A_335, %lt3A_756 : vector<16xi32>
      %and3A_758 = arith.andi %ge3A_753, %lt3A_757 : vector<16xi1>
      %sub3A_759 = vector.broadcast %mul3A_3 : i32 to vector<16xi32>
      %sub3A_760 = arith.subi %select_n3A_335, %sub3A_759 : vector<16xi32>
      %jit3A_761 = arith.constant 0 : i32
      %jit3A_762 = arith.constant 2047 : i32
      %max3A_763 = vector.broadcast %jit3A_761 : i32 to vector<16xi32>
      %max3A_764 = arith.maxsi %max3A_763, %sub3A_760 : vector<16xi32>
      %min3A_765 = vector.broadcast %jit3A_762 : i32 to vector<16xi32>
      %min3A_766 = arith.minsi %min3A_765, %max3A_764 : vector<16xi32>
      tpu.vector_store_idx %arg14[%min3A_766], %broadcast_in_dim3A_2 masked %and3A_758 : memref<2048xi32, #tpu.memory_space<vmem>>[vector<16xi32>], vector<16xi32>, vector<16xi1>
      %ge3A_767 = vector.broadcast %mul3A_3 : i32 to vector<16xi32>
      %ge3A_768 = arith.cmpi sge, %select_n3A_460, %ge3A_767 : vector<16xi32>
      %add3A_769 = arith.constant 2048 : i32
      %add3A_770 = arith.addi %mul3A_3, %add3A_769 : i32
      %lt3A_771 = vector.broadcast %add3A_770 : i32 to vector<16xi32>
      %lt3A_772 = arith.cmpi slt, %select_n3A_460, %lt3A_771 : vector<16xi32>
      %and3A_773 = arith.andi %ge3A_768, %lt3A_772 : vector<16xi1>
      %sub3A_774 = vector.broadcast %mul3A_3 : i32 to vector<16xi32>
      %sub3A_775 = arith.subi %select_n3A_460, %sub3A_774 : vector<16xi32>
      %jit3A_776 = arith.constant 0 : i32
      %jit3A_777 = arith.constant 2047 : i32
      %max3A_778 = vector.broadcast %jit3A_776 : i32 to vector<16xi32>
      %max3A_779 = arith.maxsi %max3A_778, %sub3A_775 : vector<16xi32>
      %min3A_780 = vector.broadcast %jit3A_777 : i32 to vector<16xi32>
      %min3A_781 = arith.minsi %min3A_780, %max3A_779 : vector<16xi32>
      tpu.vector_store_idx %arg14[%min3A_781], %broadcast_in_dim3A_2 masked %and3A_773 : memref<2048xi32, #tpu.memory_space<vmem>>[vector<16xi32>], vector<16xi32>, vector<16xi1>
      %ge3A_782 = vector.broadcast %mul3A_3 : i32 to vector<16xi32>
      %ge3A_783 = arith.cmpi sge, %select_n3A_585, %ge3A_782 : vector<16xi32>
      %add3A_784 = arith.constant 2048 : i32
      %add3A_785 = arith.addi %mul3A_3, %add3A_784 : i32
      %lt3A_786 = vector.broadcast %add3A_785 : i32 to vector<16xi32>
      %lt3A_787 = arith.cmpi slt, %select_n3A_585, %lt3A_786 : vector<16xi32>
      %and3A_788 = arith.andi %ge3A_783, %lt3A_787 : vector<16xi1>
      %sub3A_789 = vector.broadcast %mul3A_3 : i32 to vector<16xi32>
      %sub3A_790 = arith.subi %select_n3A_585, %sub3A_789 : vector<16xi32>
      %jit3A_791 = arith.constant 0 : i32
      %jit3A_792 = arith.constant 2047 : i32
      %max3A_793 = vector.broadcast %jit3A_791 : i32 to vector<16xi32>
      %max3A_794 = arith.maxsi %max3A_793, %sub3A_790 : vector<16xi32>
      %min3A_795 = vector.broadcast %jit3A_792 : i32 to vector<16xi32>
      %min3A_796 = arith.minsi %min3A_795, %max3A_794 : vector<16xi32>
      tpu.vector_store_idx %arg14[%min3A_796], %broadcast_in_dim3A_2 masked %and3A_788 : memref<2048xi32, #tpu.memory_space<vmem>>[vector<16xi32>], vector<16xi32>, vector<16xi1>
      %ge3A_797 = vector.broadcast %mul3A_3 : i32 to vector<16xi32>
      %ge3A_798 = arith.cmpi sge, %select_n3A_710, %ge3A_797 : vector<16xi32>
      %add3A_799 = arith.constant 2048 : i32
      %add3A_800 = arith.addi %mul3A_3, %add3A_799 : i32
      %lt3A_801 = vector.broadcast %add3A_800 : i32 to vector<16xi32>
      %lt3A_802 = arith.cmpi slt, %select_n3A_710, %lt3A_801 : vector<16xi32>
      %and3A_803 = arith.andi %ge3A_798, %lt3A_802 : vector<16xi1>
      %sub3A_804 = vector.broadcast %mul3A_3 : i32 to vector<16xi32>
      %sub3A_805 = arith.subi %select_n3A_710, %sub3A_804 : vector<16xi32>
      %jit3A_806 = arith.constant 0 : i32
      %jit3A_807 = arith.constant 2047 : i32
      %max3A_808 = vector.broadcast %jit3A_806 : i32 to vector<16xi32>
      %max3A_809 = arith.maxsi %max3A_808, %sub3A_805 : vector<16xi32>
      %min3A_810 = vector.broadcast %jit3A_807 : i32 to vector<16xi32>
      %min3A_811 = arith.minsi %min3A_810, %max3A_809 : vector<16xi32>
      tpu.vector_store_idx %arg14[%min3A_811], %broadcast_in_dim3A_2 masked %and3A_803 : memref<2048xi32, #tpu.memory_space<vmem>>[vector<16xi32>], vector<16xi32>, vector<16xi1>
      "tpu.region"() ({
        %run_scoped3A = tpu.sem_alloc : memref<!tpu.dma_semaphore, #tpu.memory_space<semaphore_mem>>
        %dma_start3A_812 = tpu.memref_slice %arg8[%mul3A_3] : memref<32768xi32, #tpu.memory_space<hbm>> -> memref<2048xi32, #tpu.memory_space<hbm>>
        %dma_start3A_813 = tpu.memref_slice %arg8[%mul3A_3] : memref<32768xi32, #tpu.memory_space<hbm>> -> memref<2048xi32, #tpu.memory_space<hbm>>
        tpu.enqueue_dma source(%arg14 : memref<2048xi32, #tpu.memory_space<vmem>>) target(%dma_start3A_813 : memref<2048xi32, #tpu.memory_space<hbm>>) target_semaphore(%run_scoped3A : memref<!tpu.dma_semaphore, #tpu.memory_space<semaphore_mem>>)
        %dma_wait3A_814 = tpu.memref_slice %arg8[%mul3A_3] : memref<32768xi32, #tpu.memory_space<hbm>> -> memref<2048xi32, #tpu.memory_space<hbm>>
        %dma_wait3A_815 = tpu.memref_slice %arg8[%mul3A_3] : memref<32768xi32, #tpu.memory_space<hbm>> -> memref<2048xi32, #tpu.memory_space<hbm>>
        tpu.wait_dma2 semaphore(%run_scoped3A : memref<!tpu.dma_semaphore, #tpu.memory_space<semaphore_mem>>) src(%arg14 : memref<2048xi32, #tpu.memory_space<vmem>>) dst(%dma_wait3A_815 : memref<2048xi32, #tpu.memory_space<hbm>>)
        tpu.yield
      }) : () -> ()
    } else {
    }
    %eq3A_716 = arith.constant 0 : i32
    %eq3A_717 = arith.cmpi eq, %arg0, %eq3A_716 : i32
    %eq3A_718 = arith.constant 1 : i32
    %eq3A_719 = arith.cmpi eq, %arg1, %eq3A_718 : i32
    %and3A_720 = arith.andi %eq3A_717, %eq3A_719 : i1
    %convert_element_type3A_721 = arith.extui %and3A_720 : i1 to i32
    %cond3A_722 = arith.constant 0 : i32
    %cond3A_723 = arith.cmpi ne, %convert_element_type3A_721, %cond3A_722 : i32
    scf.if %cond3A_723 {
      "tpu.region"() ({
        %run_scoped3A = tpu.sem_alloc : memref<!tpu.dma_semaphore, #tpu.memory_space<semaphore_mem>>
        tpu.enqueue_dma source(%arg26 : memref<64xi32, #tpu.memory_space<vmem>>) target(%arg10 : memref<64xi32, #tpu.memory_space<hbm>>) target_semaphore(%run_scoped3A : memref<!tpu.dma_semaphore, #tpu.memory_space<semaphore_mem>>)
        tpu.wait_dma2 semaphore(%run_scoped3A : memref<!tpu.dma_semaphore, #tpu.memory_space<semaphore_mem>>) src(%arg26 : memref<64xi32, #tpu.memory_space<vmem>>) dst(%arg10 : memref<64xi32, #tpu.memory_space<hbm>>)
        tpu.yield
      }) : () -> ()
    } else {
    }
    %eq3A_724 = arith.constant 0 : i32
    %eq3A_725 = arith.cmpi eq, %arg0, %eq3A_724 : i32
    %eq3A_726 = arith.constant 2 : i32
    %eq3A_727 = arith.cmpi eq, %arg1, %eq3A_726 : i32
    %and3A_728 = arith.andi %eq3A_725, %eq3A_727 : i1
    %convert_element_type3A_729 = arith.extui %and3A_728 : i1 to i32
    %cond3A_730 = arith.constant 0 : i32
    %cond3A_731 = arith.cmpi ne, %convert_element_type3A_729, %cond3A_730 : i32
    scf.if %cond3A_731 {
      "tpu.region"() ({
        %run_scoped3A = tpu.sem_alloc : memref<!tpu.dma_semaphore, #tpu.memory_space<semaphore_mem>>
        tpu.enqueue_dma source(%arg27 : memref<64xi32, #tpu.memory_space<vmem>>) target(%arg11 : memref<64xi32, #tpu.memory_space<hbm>>) target_semaphore(%run_scoped3A : memref<!tpu.dma_semaphore, #tpu.memory_space<semaphore_mem>>)
        tpu.wait_dma2 semaphore(%run_scoped3A : memref<!tpu.dma_semaphore, #tpu.memory_space<semaphore_mem>>) src(%arg27 : memref<64xi32, #tpu.memory_space<vmem>>) dst(%arg11 : memref<64xi32, #tpu.memory_space<hbm>>)
        tpu.yield
      }) : () -> ()
    } else {
    }
    %eq3A_732 = arith.constant 1 : i32
    %eq3A_733 = arith.cmpi eq, %arg0, %eq3A_732 : i32
    %eq3A_734 = arith.constant 1 : i32
    %eq3A_735 = arith.cmpi eq, %arg1, %eq3A_734 : i32
    %and3A_736 = arith.andi %eq3A_733, %eq3A_735 : i1
    %convert_element_type3A_737 = arith.extui %and3A_736 : i1 to i32
    %cond3A_738 = arith.constant 0 : i32
    %cond3A_739 = arith.cmpi ne, %convert_element_type3A_737, %cond3A_738 : i32
    scf.if %cond3A_739 {
      "tpu.region"() ({
        %run_scoped3A = tpu.sem_alloc : memref<!tpu.dma_semaphore, #tpu.memory_space<semaphore_mem>>
        tpu.enqueue_dma source(%arg28 : memref<64xi32, #tpu.memory_space<vmem>>) target(%arg12 : memref<64xi32, #tpu.memory_space<hbm>>) target_semaphore(%run_scoped3A : memref<!tpu.dma_semaphore, #tpu.memory_space<semaphore_mem>>)
        tpu.wait_dma2 semaphore(%run_scoped3A : memref<!tpu.dma_semaphore, #tpu.memory_space<semaphore_mem>>) src(%arg28 : memref<64xi32, #tpu.memory_space<vmem>>) dst(%arg12 : memref<64xi32, #tpu.memory_space<hbm>>)
        tpu.yield
      }) : () -> ()
    } else {
    }
    %eq3A_740 = arith.constant 1 : i32
    %eq3A_741 = arith.cmpi eq, %arg0, %eq3A_740 : i32
    %eq3A_742 = arith.constant 2 : i32
    %eq3A_743 = arith.cmpi eq, %arg1, %eq3A_742 : i32
    %and3A_744 = arith.andi %eq3A_741, %eq3A_743 : i1
    %convert_element_type3A_745 = arith.extui %and3A_744 : i1 to i32
    %cond3A_746 = arith.constant 0 : i32
    %cond3A_747 = arith.cmpi ne, %convert_element_type3A_745, %cond3A_746 : i32
    scf.if %cond3A_747 {
      "tpu.region"() ({
        %run_scoped3A = tpu.sem_alloc : memref<!tpu.dma_semaphore, #tpu.memory_space<semaphore_mem>>
        tpu.enqueue_dma source(%arg29 : memref<64xi32, #tpu.memory_space<vmem>>) target(%arg13 : memref<64xi32, #tpu.memory_space<hbm>>) target_semaphore(%run_scoped3A : memref<!tpu.dma_semaphore, #tpu.memory_space<semaphore_mem>>)
        tpu.wait_dma2 semaphore(%run_scoped3A : memref<!tpu.dma_semaphore, #tpu.memory_space<semaphore_mem>>) src(%arg29 : memref<64xi32, #tpu.memory_space<vmem>>) dst(%arg13 : memref<64xi32, #tpu.memory_space<hbm>>)
        tpu.yield
      }) : () -> ()
    } else {
    }
    %eq3A_748 = arith.constant 1 : i32
    %eq3A_749 = arith.cmpi eq, %arg0, %eq3A_748 : i32
    %convert_element_type3A_750 = arith.extui %eq3A_749 : i1 to i32
    %cond3A_751 = arith.constant 0 : i32
    %cond3A_752 = arith.cmpi ne, %convert_element_type3A_750, %cond3A_751 : i32
    scf.if %cond3A_752 {
      %mul3A_753 = arith.constant 4 : i32
      %mul3A_754 = arith.muli %arg1, %mul3A_753 : i32
      %add3A_755 = vector.broadcast %mul3A_754 : i32 to vector<16xi32>
      %add3A_756 = arith.addi %add3A_755, %iota3A : vector<16xi32>
      %jit3A_757 = arith.constant 0 : i32
      %jit3A_758 = arith.constant 63 : i32
      %max3A_759 = vector.broadcast %jit3A_757 : i32 to vector<16xi32>
      %max3A_760 = arith.maxsi %max3A_759, %add3A_756 : vector<16xi32>
      %min3A_761 = vector.broadcast %jit3A_758 : i32 to vector<16xi32>
      %min3A_762 = arith.minsi %min3A_761, %max3A_760 : vector<16xi32>
      %lt3A_763 = arith.constant 4 : i32
      %lt3A_764 = vector.broadcast %lt3A_763 : i32 to vector<16xi32>
      %lt3A_765 = arith.cmpi slt, %iota3A, %lt3A_764 : vector<16xi32>
      %gather3A_766 = tpu.vector_load_idx %arg25[%min3A_762] masked %lt3A_765 : memref<64xi32, #tpu.memory_space<vmem>>[vector<16xi32>], vector<16xi32>, vector<16xi1>
      %gather3A_767 = tpu.vector_load_idx %arg24[%min3A_762] masked %lt3A_765 : memref<64xi32, #tpu.memory_space<vmem>>[vector<16xi32>], vector<16xi32>, vector<16xi1>
      %gather3A_768 = tpu.vector_load_idx %arg22[%min3A_762] masked %lt3A_765 : memref<64xi32, #tpu.memory_space<vmem>>[vector<16xi32>], vector<16xi32>, vector<16xi1>
      %eq3A_769 = arith.constant 1 : i32
      %eq3A_770 = vector.broadcast %eq3A_769 : i32 to vector<16xi32>
      %eq3A_771 = arith.cmpi eq, %gather3A_766, %eq3A_770 : vector<16xi32>
      %and3A_772 = arith.andi %lt3A_765, %eq3A_771 : vector<16xi1>
      %min3A_773 = arith.constant 3 : i32
      %min3A_774 = vector.broadcast %min3A_773 : i32 to vector<16xi32>
      %min3A_775 = arith.minsi %iota3A, %min3A_774 : vector<16xi32>
      %jit3A_776 = arith.constant 0 : i32
      %jit3A_777 = arith.constant 511 : i32
      %max3A_778 = vector.broadcast %jit3A_776 : i32 to vector<16xi32>
      %max3A_779 = arith.maxsi %max3A_778, %gather3A_768 : vector<16xi32>
      %min3A_780 = vector.broadcast %jit3A_777 : i32 to vector<16xi32>
      %min3A_781 = arith.minsi %min3A_780, %max3A_779 : vector<16xi32>
      tpu.vector_store_idx %arg15[%min3A_775, %min3A_781], %gather3A_767 masked %and3A_772 : memref<4x512xi32, #tpu.memory_space<vmem>>[vector<16xi32>, vector<16xi32>], vector<16xi32>, vector<16xi1>
      %mul3A_782 = arith.constant 4 : i32
      %mul3A_783 = arith.muli %arg1, %mul3A_782 : i32
      "tpu.region"() ({
        %run_scoped3A = tpu.sem_alloc : memref<!tpu.dma_semaphore, #tpu.memory_space<semaphore_mem>>
        %dma_start3A_784 = arith.constant 0 : i32
        %dma_start3A_785 = tpu.memref_slice %arg9[%mul3A_783, %dma_start3A_784] : memref<64x512xi32, #tpu.memory_space<hbm>> -> memref<4x512xi32, #tpu.memory_space<hbm>>
        %dma_start3A_786 = arith.constant 0 : i32
        %dma_start3A_787 = tpu.memref_slice %arg9[%mul3A_783, %dma_start3A_786] : memref<64x512xi32, #tpu.memory_space<hbm>> -> memref<4x512xi32, #tpu.memory_space<hbm>>
        tpu.enqueue_dma source(%arg15 : memref<4x512xi32, #tpu.memory_space<vmem>>) target(%dma_start3A_787 : memref<4x512xi32, #tpu.memory_space<hbm>>) target_semaphore(%run_scoped3A : memref<!tpu.dma_semaphore, #tpu.memory_space<semaphore_mem>>)
        %dma_wait3A_788 = arith.constant 0 : i32
        %dma_wait3A_789 = tpu.memref_slice %arg9[%mul3A_783, %dma_wait3A_788] : memref<64x512xi32, #tpu.memory_space<hbm>> -> memref<4x512xi32, #tpu.memory_space<hbm>>
        %dma_wait3A_790 = arith.constant 0 : i32
        %dma_wait3A_791 = tpu.memref_slice %arg9[%mul3A_783, %dma_wait3A_790] : memref<64x512xi32, #tpu.memory_space<hbm>> -> memref<4x512xi32, #tpu.memory_space<hbm>>
        tpu.wait_dma2 semaphore(%run_scoped3A : memref<!tpu.dma_semaphore, #tpu.memory_space<semaphore_mem>>) src(%arg15 : memref<4x512xi32, #tpu.memory_space<vmem>>) dst(%dma_wait3A_791 : memref<4x512xi32, #tpu.memory_space<hbm>>)
        tpu.yield
      }) : () -> ()
    } else {
    }
    return
  }
}

</mosaic_0001>

<sc_bundles>
// kernel: page_manager_sc.3.cloned.1.call-start
scs
__scs_entry_jumppad:
0x0: {  	(pc) =	sbr.rel $0x88, $3  }
0x1: {  	(tag) =	ssettag $0x0;
	lr =	simm.s32 $0x1  }
0x2: {  	[smem:$0x3F9B] =	sst lr;
	_ =	strace $0xD0000000  }
0x3: {  	_ = 	snop  }
0x4: {  	_ = 	snop  }
0x5: {  	_ = 	snop  }
0x6: {  	_ = 	snop  }
0x7: {  	_ = 	snop  }
__scs_overlays_trampoline_lowered:
0x8: {  	[smem:$0x3FAA] =	sst s0  }
0x9: {  	[smem:$0x3FAB] =	sst s1  }
0xa: {  	[smem:$0x3FAC] =	sst s2  }
0xb: {  	[smem:$0x3FAD] =	sst s3  }
0xc: {  	[smem:$0x3FAE] =	sst s4  }
0xd: {  	[smem:$0x3FAF] =	sst s5  }
0xe: {  	[smem:$0x3FB0] =	sst s6  }
0xf: {  	[smem:$0x3FB1] =	sst s7  }
0x10: {  	[smem:$0x3FB2] =	sst s8  }
0x11: {  	[smem:$0x3FB3] =	sst s9;
	s0 =	simm.s32 @!p0 $0x0  }
0x12: {  	s1 =	sld [smem:$0x3F99];
	s0 =	simm.s32 @p0 $0x1  }
0x13: {  	[smem:$0x3FB4] =	sst s0;
	s0 =	simm.s32 @!p1 $0x0  }
0x14: {  	s2 =	sld [smem:$0x3F98];
	s0 =	simm.s32 @p1 $0x1  }
0x15: {  	[smem:$0x3FB5] =	sst s0;
	s0 =	simm.s32 @!p2 $0x0  }
0x16: {  	s3 =	sld [smem:$0x3FDB];
	s0 =	simm.s32 @p2 $0x1  }
0x17: {  	s4 =	simm.s32 $0x1BF5;
	[smem:$0x3FB7] =	sst s0  }
0x18: {  	s0 =	sld [smem:$0x3F9A];
	_ =	swait.ge [sflag:s4], $0x0  }
0x19: {  	s7 =	sld [smem:$0x3F9B]  }
0x1a: {  	s8 =	sadd.s32 $0xFFFFE003, lr  }
0x1b: {  	s9 =	sadd.s32 $0xFFFFFEF7, lr;
	s5 =	simm.s32 $0xFFFFFFFF;
	p2 =	slt.u32 s8, $0xFFFFF086  }
0x1c: {  	p1 =	slt.u32 s9, $0xF7A;
	s5 =	simm.s32 @!p2 $0x0  }
0x1d: {  	s5 =	simm.s32 @p1 $0x1;
	p0 =	seq.s32 s7, s2  }
0x1e: {  	s7 =	smul.u32 @!p0 $0xF7A, s2;
	p2 =	seq.s32 @!p0 s5, $0x0  }
0x1f: {  	s9 =	smul.u32 $0xF7A, s1;
	s8 =	simm.s32 @!p0 $0x1BF5;
	p2 =	por !p2, p0  }
0x20: {  	[sflag:s8] =	ssyncset.s32 @!p0 $0xFFFFF086;
	s6 =	sadd.s32 @!p0 s3, s7;
	s7 =	simm.s32 @!p0 $0x108  }
0x21: {  	s3 =	sadd.s32 s3, s9;
	s6 =	sadd.s32 @!p0 $0x88, s6;
	s7 =	simm.s32 @p2 $0x1082  }
0x22: {  	[simem:s7], [sflag:s8] =	dma.local @!p0 [hbm:s6], $0xF7A  }
0x23: {  	s9 =	sor.u32 $0xD0000000, s2;
	s6 =	simm.s32 $0x108;
	_ =	swait.ge @!p0 [sflag:s8], $0x0  }
0x24: {  	s3 =	sadd.s32 $0x88, s3;
	s6 =	simm.s32 @!p1 $0x1082;
	[sflag:s4] =	ssyncset.s32 $0xFFFFF086  }
0x25: {  	[simem:s6], [sflag:s4] =	dma.local [hbm:s3], $0xF7A  }
0x26: {  	[smem:$0x3F9B] =	sst s1;
	(tag) =	ssettag s2;
	_ =	strace s9  }
0x27: {  	s1 =	sld [smem:$0x3FAB]  }
0x28: {  	s2 =	sld [smem:$0x3FAC]  }
0x29: {  	s4 =	sld [smem:$0x3FAE]  }
0x2a: {  	p0 =	seq.s32 s5, $0x0;
	s5 =	sld [smem:$0x3FAF]  }
0x2b: {  	s6 =	sld [smem:$0x3FB0]  }
0x2c: {  	s7 =	sld [smem:$0x3FB1]  }
0x2d: {  	s3 =	simm.s32 $0x108;
	s8 =	sld [smem:$0x3FB2]  }
0x2e: {  	s3 =	simm.s32 @!p0 $0x1082;
	s9 =	sld [smem:$0x3FB3]  }
0x2f: {  	lr =	sadd.s32 s0, s3;
	s0 =	sld [smem:$0x3FAA]  }
0x30: {  	s3 =	sld [smem:$0x3FAD]  }
0x31: {  	[smem:$0x3FB6] =	sst s10  }
0x32: {  	s10 =	sld [smem:$0x3FB4];
	_ =	sdelay $0x3  }
0x33: {  	p0 =	seq.s32 s10, $0x1;
	s10 =	sld [smem:$0x3FB6];
	_ =	sdelay $0x3  }
0x34: {  	[smem:$0x3FB6] =	sst s10  }
0x35: {  	s10 =	sld [smem:$0x3FB5];
	_ =	sdelay $0x3  }
0x36: {  	p1 =	seq.s32 s10, $0x1;
	s10 =	sld [smem:$0x3FB6];
	_ =	sdelay $0x3  }
0x37: {  	[smem:$0x3FB6] =	sst s10  }
0x38: {  	s10 =	sld [smem:$0x3FB7]  }
0x39: {  	_ = 	snop;
	(pc) =	sbr.ind lr, $3  }
0x3a: {  	_ = 	snop  }
0x3b: {  	_ = 	snop  }
0x3c: {  	p2 =	seq.s32 s10, $0x1;
	s10 =	sld [smem:$0x3FB6]  }
0x3d: {  	_ =	shalt  }
0x3e: {  	_ =	shalt  }
0x3f: {  	_ =	shalt  }
0x40: {  	_ =	shalt  }
0x41: {  	_ =	shalt  }
0x42: {  	_ =	shalt  }
0x43: {  	_ =	shalt  }
0x44: {  	_ =	shalt  }
0x45: {  	_ =	shalt  }
0x46: {  	_ =	shalt  }
0x47: {  	_ =	shalt  }
0x48: {  	_ =	shalt  }
0x49: {  	_ =	shalt  }
0x4a: {  	_ =	shalt  }
0x4b: {  	_ =	shalt  }
0x4c: {  	_ =	shalt  }
0x4d: {  	_ =	shalt  }
0x4e: {  	_ =	shalt  }
0x4f: {  	_ =	shalt  }
0x50: {  	_ =	shalt  }
0x51: {  	_ =	shalt  }
0x52: {  	_ =	shalt  }
0x53: {  	_ =	shalt  }
0x54: {  	_ =	shalt  }
0x55: {  	_ =	shalt  }
0x56: {  	_ =	shalt  }
0x57: {  	_ =	shalt  }
0x58: {  	_ =	shalt  }
0x59: {  	_ =	shalt  }
0x5a: {  	_ =	shalt  }
0x5b: {  	_ =	shalt  }
0x5c: {  	_ =	shalt  }
0x5d: {  	_ =	shalt  }
0x5e: {  	_ =	shalt  }
0x5f: {  	_ =	shalt  }
0x60: {  	_ =	shalt  }
0x61: {  	_ =	shalt  }
0x62: {  	_ =	shalt  }
0x63: {  	_ =	shalt  }
0x64: {  	_ =	shalt  }
0x65: {  	_ =	shalt  }
0x66: {  	_ =	shalt  }
0x67: {  	_ =	shalt  }
0x68: {  	_ =	shalt  }
0x69: {  	_ =	shalt  }
0x6a: {  	_ =	shalt  }
0x6b: {  	_ =	shalt  }
0x6c: {  	_ =	shalt  }
0x6d: {  	_ =	shalt  }
0x6e: {  	_ =	shalt  }
0x6f: {  	_ =	shalt  }
0x70: {  	_ =	shalt  }
0x71: {  	_ =	shalt  }
0x72: {  	_ =	shalt  }
0x73: {  	_ =	shalt  }
0x74: {  	_ =	shalt  }
0x75: {  	_ =	shalt  }
0x76: {  	_ =	shalt  }
0x77: {  	_ =	shalt  }
0x78: {  	_ =	shalt  }
0x79: {  	_ =	shalt  }
0x7a: {  	_ =	shalt  }
0x7b: {  	_ =	shalt  }
0x7c: {  	_ =	shalt  }
0x7d: {  	_ =	shalt  }
0x7e: {  	_ =	shalt  }
0x7f: {  	_ =	shalt  }
0x80: {  	_ =	shalt  }
0x81: {  	_ =	shalt  }
0x82: {  	_ =	shalt  }
0x83: {  	_ =	shalt  }
0x84: {  	_ =	shalt  }
0x85: {  	_ =	shalt  }
0x86: {  	_ =	shalt  }
0x87: {  	_ =	shalt  }
.Lfunc_end0:
.L_simem_size_0:
called_computation_lowered:
.L_overlay_start_0:
0x88: {  	s2 =	sld [smem:$0x3FD9]  }
0x89: {  	s3 =	sld [smem:$0x3FFE];
	_ =	sdelay $0x1  }
0x8a: {  	s1 =	srdreg.scid  }
0x8b: {  	s0 =	sand.u32 $0x1, s1  }
0x8c: {  	s30 =	sshll.u32 s0, $0xA;
	s2 =	sadd.s32 s3, s2  }
0x8d: {  	s2 =	sadd.s32 s2, s30  }
0x8e: {  	[smem:$0x3FC2] =	sst s2  }
0x8f: {  	_ = 	snop  }
0x90: {  	s2 =	sld [smem:$0x3FC9]  }
0x91: {  	s31 =	sld [smem:$0x3FC8]  }
0x92: {  	s4 =	sld [smem:$0x3FD0]  }
0x93: {  	s5 =	sld [smem:$0x3FC7]  }
0x94: {  	s6 =	sld [smem:$0x3FC6]  }
0x95: {  	s8 =	simm.s32 $0xA;
	s9 =	simm.s32 $0x10;
	s7 =	sld [smem:$0x3FC5]  }
0x96: {  	[smem:s9], [sflag:s8] =	dma.local [hbm:s4], $0x1  }
0x97: {  	_ =	swait.eq [sflag:s8], $0x1  }
0x98: {  	s9 =	sld [smem:$0x10]  }
0x99: {  	s18 =	sld [smem:$0x11]  }
0x9a: {  	s10 =	sld [smem:$0x12]  }
0x9b: {  	s11 =	sld [smem:$0x13];
	[sflag:s8] =	ssyncset.done $0x0  }
0x9c: {  	s12 =	sld [smem:$0x14];
	[sflag:s8] =	ssyncadd.s32 $0xFFFFFFFF  }
0x9d: {  	s19 =	sld [smem:$0x15];
	(tm) =	ssettm $0x1  }
0x9e: {  	s13 =	sld [smem:$0x3FFB];
	_ =	sdelay $0x3  }
0x9f: {  	_ =	strace s13  }
0xa0: {  	s13 =	sld [smem:$0x3FFC];
	_ =	sdelay $0x3  }
0xa1: {  	_ =	strace s13  }
0xa2: {  	s13 =	sld [smem:$0x3FFD];
	_ =	sdelay $0x3  }
0xa3: {  	_ =	strace s13  }
0xa4: {  	_ =	strace $0x8FFFFFFF  }
0xa5: {  	s20 =	sld [smem:$0x3FDB];
	_ =	sdelay $0x1  }
0xa6: {  	s14 =	simm.s32 $_scs_section_size  }
0xa7: {  	s15 =	simm.s32 $_size__tile_overlayer_lowered;
	s16 =	simm.s32 $_tile_overlayer_lowered  }
0xa8: {  	s23 =	simm.s32 $0x1BFF;
	s22 =	sshll.u32 s16, $0x1;
	s13 =	sadd.s32 s14, s20  }
0xa9: {  	s17 =	simm.s32 $0x0;
	s21 =	sshll.u32 s15, $0x1;
	s15 =	sadd.s32 s22, s13  }
0xaa: {  	[timem:s17], [sflag:s23] =	dma.local [hbm:s15], s21  }
0xab: {  	_ =	swait.ge [sflag:s23], s21  }
0xac: {  	s14 =	ssub.s32 $0x0, s21;
	[sflag:s23] =	ssyncset.done $0x0  }
0xad: {  	[sflag:s23] =	ssyncadd.s32 s14;
	_ =	sdelay $0x1  }
0xae: {  	s24 =	simm.s32 $0x1B8B  }
0xaf: {  	_ =	swait.ge [sflag:s24], $0x1  }
0xb0: {  	[sflag:s24] =	ssyncset.done $0x0  }
0xb1: {  	s25 =	simm.s32 $0x1B8E;
	[sflag:s24] =	ssyncadd.s32 $0xFFFFFFFF  }
0xb2: {  	s26 =	simm.s32 $execute0_lowered;
	[smem:$0x3FD2] =	sst s25  }
0xb3: {  	s14 =	sshll.u32 s26, $0x1;
	_ =	strace $0x80000046;
	[dreg:$0x1] =	wrdreg $0xFFFFFFFF  }
0xb4: {  	s28 =	simm.s32 $_size_execute0_lowered;
	s13 =	sadd.s32 s13, s14;
	[dreg:$0x0] =	wrdreg $0x0  }
0xb5: {  	s14 =	sshll.u32 s28, $0x1;
	[dreg:$0x2] =	wrdreg s13  }
0xb6: {  	[dreg:$0x3] =	wrdreg s14  }
0xb7: {  	[dreg:$0x4] =	wrdreg $0xC0  }
0xb8: {  	_ =	task [dreg:s17], $0x5FFFF  }
0xb9: {  	[dreg:$0x1] =	wrdreg $0xFFFFFFFF  }
0xba: {  	[dreg:$0x0] =	wrdreg $0x60  }
0xbb: {  	[dreg:$0x2] =	wrdreg s2  }
0xbc: {  	[dreg:$0x3] =	wrdreg s31  }
0xbd: {  	[dreg:$0x4] =	wrdreg s5  }
0xbe: {  	[dreg:$0x5] =	wrdreg s6  }
0xbf: {  	[dreg:$0x6] =	wrdreg s7  }
0xc0: {  	[dreg:$0x7] =	wrdreg s9  }
0xc1: {  	[dreg:$0x8] =	wrdreg s18  }
0xc2: {  	[dreg:$0x9] =	wrdreg s10  }
0xc3: {  	[dreg:$0xa] =	wrdreg s11  }
0xc4: {  	[dreg:$0xb] =	wrdreg s12  }
0xc5: {  	[dreg:$0xc] =	wrdreg s19  }
0xc6: {  	[dreg:$0xd] =	wrdreg $0x1E800  }
0xc7: {  	[dreg:$0xe] =	wrdreg $0x9  }
0xc8: {  	_ =	task.clear_ibuf [dreg:s17], $0xFFFFF;
	_ =	strace $0x90000046  }
0xc9: {  	s29 =	simm.s32 $0x9;
	_ =	strace $0x80000048  }
0xca: {  	_ =	swait.ge [sflag:s29], $0x1  }
0xcb: {  	[sflag:s29] =	ssyncadd.s32 $0xFFFFFFFF  }
0xcc: {  	_ =	strace $0x90000048  }
0xcd: {  	_ =	sfence  }
0xce: {  	s30 =	sld [smem:$0x0];
	_ =	sdelay $0x2  }
0xcf: {  	s31 =	sshll.u32 s1, $0xD;
	s1 =	sshrl.u32 s1, $0x2  }
0xd0: {  	s3 =	sand.u32 $0x4000, s31;
	s1 =	sadd.s32 s1, s30  }
0xd1: {  	s0 =	sor.u32 s3, s0;
	s1 =	sshll.u32 s1, $0x11  }
0xd2: {  	s0 =	sor.u32 s1, s0  }
0xd3: {  	s0 =	sadd.s32 $0x8F2B, s0  }
0xd4: {  	[sflag:s0] =	ssyncadd.remote.s32 $0x1  }
0xd5: {  	_ =	sfence.sel $0xFFFF  }
0xd6: {  	[dreg:$0x0] =	wrdreg $0xFFFFFFFF;
	(pc) =	sbr.abs _section_cstart, $3  }
0xd7: {  	[dreg:$0x1] =	wrdreg $0xFFFFFFFF  }
0xd8: {  	_ =	task.clear_ibuf [dreg:s17], $0x2FFFF;
	_ =	strace $0x9FFFFFFF  }
0xd9: {  	(tm) =	ssettm $0x7FFFFFFF  }
tec
execute0_lowered:
.L_overlay_start_1:
0x0: {  	(tag) =	ssettag $0x1  }
0x1: {  	s3 =	rddreg [dreg:$0x0]  }
0x2: {  	s4 =	rddreg [dreg:$0x1]  }
0x3: {  	s0 =	rddreg [dreg:$0x2]  }
0x4: {  	s1 =	rddreg [dreg:$0x3]  }
0x5: {  	s2 =	rddreg [dreg:$0x4]  }
0x6: {  	s5 =	rddreg [dreg:$0x5]  }
0x7: {  	s6 =	rddreg [dreg:$0x6]  }
0x8: {  	s7 =	rddreg [dreg:$0xa]  }
0x9: {  	s8 =	rddreg [dreg:$0xb];
	s10 =	srdreg.scid;
	s9 =	simm.s32 $0x0  }
0xa: {  	s25 =	stileid.u32;
	s19 =	simm.s32 $0x1A80;
	s20 =	simm.s32 $0x1B00  }
0xb: {  	s21 =	simm.s32 $0x200;
	s22 =	simm.s32 $0x400;
	s23 =	simm.s32 $0x800  }
0xc: {  	s28 =	simm.s32 $0x1080;
	s29 =	simm.s32 $0x1900;
	s30 =	simm.s32 $0x1880  }
0xd: {  	s31 =	simm.s32 $0x1980;
	s10 =	sand.u32 $0x1, s10;
	[smem:$0x7FF] =	sst s9  }
0xe: {  	v0 =	vlaneseq.u32;
	v4 =	vimm.s32 $0x0;
	v6 =	vimm.s32 $0xF;
	s13 =	sshll.u32 s25, $0x9;
	s15 =	sshll.u32 s25, $0x8;
	s24 =	sshll.u32 s25, $0x2  }
0xf: {  	v8 =	vimm.s32 $0x1;
	v9 =	vimm.s32 $0x2;
	v10 =	vimm.s32 $0x3;
	p0 =	seq.s32 s25, $0x1;
	p1 =	seq.s32 s25, $0x2;
	p4 =	sne.s32 s25, $0x1  }
0x10: {  	v11 =	vimm.s32 $0x4;
	v12 =	vimm.s32 $0x5;
	v13 =	vimm.s32 $0x6;
	s11 =	ssub.s32 $0x2, s10;
	_ =	strace $0x80000047;
	s16 =	sand.u32 $0x200, s13  }
0x11: {  	v14 =	vimm.s32 $0x7;
	v15 =	vimm.s32 $0x8;
	v16 =	vimm.s32 $0x9;
	s26 =	sshrl.u32 s13, $0x2;
	p2 =	seq.s32 s10, $0x1;
	s12 =	sshrl.u32 s11, $0x1  }
0x12: {  	v17 =	vimm.s32 $0xA;
	v18 =	vimm.s32 $0xB;
	v3 =	vadd.s32 s24, v0;
	s24 =	simm.s32 $0x1;
	p3 =	sne.s32 s10, $0x0;
	s17 =	ssub.s32 s11, s12  }
.Ltmp0:
0x13: {  	v19 =	vimm.s32 $0xC;
	v20 =	vimm.s32 $0xD;
	v21 =	vimm.s32 $0xE;
	s11 =	sshll.u32 s25, $0xB;
	s12 =	sadd.s32 s3, s15;
	(pc) =	sbr.rel .LBB2_1-.Ltmp0, $4  }
0x14: {  	v5 =	vmul.u32 $0x80, v0;
	v7 =	vadd.s32 $0x1, v0;
	v22 =	vadd.s32 $0x11, v0;
	s15 =	sadd.s32 s5, s15;
	s3 =	simm.s32 $0x0;
	s14 =	sand.u32 $0x7000, s11  }
0x15: {  	v23 =	vor.u32 $0x10, v0;
	v24 =	vadd.s32 $0x21, v0;
	v25 =	vor.u32 $0x20, v0;
	s18 =	sadd.s32 $0x800, s11;
	s17 =	smax.u32 s17, $0x1;
	s14 =	sor.u32 s16, s14  }
0x16: {  	v26 =	vadd.s32 $0x31, v0;
	v27 =	vor.u32 $0x30, v0;
	v2 =	vmov s18;
	s18 =	simm.s32 $0x1A00;
	s16 =	sshrl.u32 s14, $0x3;
	s14 =	sadd.s32 s26, s8  }
0x17: {  	v3 =	vmin.u32 v3, $0x3F;
	v5 =	vor.u32 $0x40, v5;
	v1 =	vmov s11;
	s26 =	simm.s32 $0x2;
	s13 =	sadd.s32 s4, s16;
	s16 =	sadd.s32 s6, s16  }
.LBB2_16:
0x18: {  	s4 =	rddreg [dreg:$0x8];
	s5 =	simm.s32 $0x1D00;
	p5 =	por $0x1, $0x1  }
0x19: {  	[hbm4b:s4+s9] =	stream.linear.scatter [tilespmem:s5], [sflag:$0x2], $0x80, $0x38;
	[tilespmem:$0x2100] =	vst v63  }
.LBB2_12:
0x1a: {  	_ =	swait.ge [sflag:s26], $0x80  }
0x1b: {  	[sflag:s26] =	ssyncset.done $0x0  }
0x1c: {  	[sflag:s26] =	ssyncadd.s32 $0xFFFFFF80  }
.LBB2_13:
0x1d: {  	p5 =	por !p5, !p2  }
0x1e: {  	p5 =	por !p5, !p5  }
0x1f: {  	s4 =	simm.s32 @p5 $0x0;
	s5 =	simm.s32 @p5 $0x1E00  }
0x20: {  	[hbm4b:s7+s4] =	stream.linear.scatter @p5 [tilespmem:s5], [sflag:$0x2], $0x80, $0x38;
	[tilespmem:$0x2100] =	vst v63  }
0x21: {  	s4 =	simm.s32 @p5 $0x2  }
0x22: {  	_ =	swait.ge @p5 [sflag:s4], $0x80  }
0x23: {  	[sflag:s4] =	ssyncset.done @p5 $0x0  }
0x24: {  	[sflag:s4] =	ssyncadd.s32 @p5 $0xFFFFFF80  }
.LBB2_14:
0x25: {  	_ =	sdelay $0x2  }
0x26: {  	s4 =	simm.s32 @p2 $0x1A80  }
0x27: {  	v28 =	vld.idx.msk @p2 [tilespmem:v3+s4+$0x0], $0xf;
	_ =	sdelay $0x1  }
0x28: {  	s4 =	simm.s32 @p2 $0x1C00  }
0x29: {  	v29 =	vld.idx.msk @p2 [tilespmem:v3+s4+$0x0], $0xf;
	_ =	sdelay $0x1  }
0x2a: {  	v30 =	vimm.s32 @p2 $0x180;
	vm2 =	vcmask @p2 $0x300;
	vm0 =	vgt.s32 @p2 v28, $0x0  }
0x2b: {  	v30 =	vsel @p2 vm2, $0x0, v30;
	vm2 =	vcmask @p2 $0x704;
	v28 =	vnsel @p2 vm0, $0x0, v28  }
0x2c: {  	v30 =	vsel @p2 vm2, $0x80, v30;
	v28 =	vmin.u32 @p2 v28, $0x1FF  }
0x2d: {  	vm1 =	veq.s32 @p2 v29, $0x1;
	v29 =	vand.u32 @p2 $0x7F, v28;
	v28 =	vshll.u32 @p2 v28, $0x2  }
0x2e: {  	vm2 =	vcmask @p2 $0xB08;
	vm0 =	vmmov @p2 $0xf;
	v28 =	vand.u32 @p2 $0x600, v28  }
0x2f: {  	s4 =	simm.s32 @p2 $0x1B80;
	vm0 =	vmand @p2 vm1, vm0;
	v28 =	vor.u32 @p2 v28, v29;
	v29 =	vsel @p2 vm2, $0x100, v30  }
0x30: {  	v30 =	vld.idx.msk @p2 [tilespmem:v3+s4+$0x0], $0xf;
	v28 =	vor.u32 @p2 v29, v28;
	_ =	sdelay $0x3  }
0x31: {  	s3 =	sadd.s32 $0x1, s3;
	s4 =	simm.s32 @p2 $0x800  }
0x32: {  	s5 =	simm.s32 @p2 $0x200;
	s6 =	simm.s32 @p2 $0x400;
	p5 =	sne.s32 s3, s17;
	[tilespmem:v28+s4+$0x0] =	vst.idx.msk @p2 vm0, v30  }
0x33: {  	[hbm4b:s16+s5] =	stream.strided.scatter @p2 [tilespmem:s4], [sflag:$0x2], $0x800, s6, s5, $0x38;
	[tilespmem:$0x2100] =	vst v63  }
.Ltmp1:
0x34: {  	_ = 	snop;
	(pc) =	sbr.rel @!p5 .LBB2_15-.Ltmp1, $4  }
0x35: {  	s4 =	simm.s32 @p2 $0x2  }
0x36: {  	_ =	swait.ge @p2 [sflag:s4], $0x800  }
0x37: {  	[sflag:s4] =	ssyncset.done @p2 $0x0  }
0x38: {  	[sflag:s4] =	ssyncadd.s32 @p2 $0xFFFFF800  }
.LBB2_1:
0x39: {  	[tilespmem:s9], [sflag:$0x1] =	stream.linear.gather [hbm4b:s12+s9], $0x800, $0x38;
	[tilespmem:$0x2100] =	vst v63  }
0x3a: {  	_ = 	snop  }
0x3b: {  	[tilespmem:s18], [sflag:$0x1] =	stream.linear.gather [hbm4b:s0+s9], $0x80, $0x38;
	[tilespmem:$0x2100] =	vst v63  }
0x3c: {  	_ = 	snop  }
0x3d: {  	[tilespmem:s19], [sflag:$0x1] =	stream.linear.gather [hbm4b:s1+s9], $0x80, $0x38;
	[tilespmem:$0x2100] =	vst v63  }
0x3e: {  	_ = 	snop  }
0x3f: {  	[tilespmem:s20], [sflag:$0x1] =	stream.linear.gather [hbm4b:s2+s9], $0x80, $0x38;
	[tilespmem:$0x2100] =	vst v63  }
0x40: {  	_ = 	snop  }
0x41: {  	[tilespmem:s23], [sflag:$0x1] =	stream.strided.gather [hbm4b:s13+s21], $0x800, s22, s21, $0x38;
	[tilespmem:$0x2100] =	vst v63  }
0x42: {  	_ =	swait.ge [sflag:s24], $0x800  }
0x43: {  	[sflag:s24] =	ssyncset.done $0x0  }
0x44: {  	[sflag:s24] =	ssyncadd.s32 $0xFFFFF800  }
0x45: {  	_ =	swait.ge [sflag:s24], $0x80  }
0x46: {  	[sflag:s24] =	ssyncset.done $0x0  }
0x47: {  	[sflag:s24] =	ssyncadd.s32 $0xFFFFFF80  }
0x48: {  	_ =	swait.ge [sflag:s24], $0x80  }
0x49: {  	[sflag:s24] =	ssyncset.done $0x0  }
0x4a: {  	[sflag:s24] =	ssyncadd.s32 $0xFFFFFF80  }
0x4b: {  	_ =	swait.ge [sflag:s24], $0x80  }
0x4c: {  	[sflag:s24] =	ssyncset.done $0x0  }
0x4d: {  	[sflag:s24] =	ssyncadd.s32 $0xFFFFFF80  }
0x4e: {  	_ =	swait.ge [sflag:s24], $0x800  }
0x4f: {  	[sflag:s24] =	ssyncset.done $0x0  }
0x50: {  	[sflag:s24] =	ssyncadd.s32 $0xFFFFF800  }
0x51: {  	v28 =	vld [tilespmem:$0x1B00]  }
0x52: {  	v29 =	vld [tilespmem:$0x1A00]  }
0x53: {  	v30 =	vld [tilespmem:$0x1B10]  }
0x54: {  	v32 =	vld [tilespmem:$0x1B20]  }
0x55: {  	v33 =	vld [tilespmem:$0x1B30]  }
0x56: {  	v51 =	vld [tilespmem:$0x1A20]  }
0x57: {  	v52 =	vld [tilespmem:$0x1A30];
	_ =	sdelay $0x1  }
0x58: {  	vm0 =	vne.s32 v28, $0xFFFFFFFF;
	vm14 =	vne.s32 v30, $0xFFFFFFFF;
	vm4 =	vne.s32 v32, $0xFFFFFFFF  }
0x59: {  	vm5 =	vne.s32 v33, $0xFFFFFFFF;
	v28 =	vsel vm0, $0x1, v4;
	v35 =	vsel vm4, $0x1, v4  }
0x5a: {  	v33 =	vsel vm5, $0x1, v4;
	v28 =	vadd.s32 v28, v29;
	v30 =	vadd.s32 v35, v51  }
0x5b: {  	v33 =	vadd.s32 v33, v52;
	v28 =	vadd.s32 $0x3F, v28;
	v30 =	vadd.s32 $0x3F, v30  }
0x5c: {  	v33 =	vadd.s32 $0x3F, v33;
	v31 =	vshra.s32 v28, $0x1F;
	v34 =	vand.u32 $0x3F, v28  }
0x5d: {  	v29 =	vld [tilespmem:$0x1A10];
	vm1 =	vlt.s32 v28, $0x1;
	v56 =	vand.u32 $0x3F, v30;
	v57 =	vand.u32 $0x3F, v33  }
0x5e: {  	vm9 =	vlt.s32 v30, $0x1;
	vm11 =	vlt.s32 v33, $0x1;
	v59 =	vshra.s32 v30, $0x1F  }
0x5f: {  	v61 =	vshra.s32 v33, $0x1F;
	v31 =	vshrl.u32 v31, $0x1A;
	vm2 =	vne.s32 v34, $0x0  }
0x60: {  	vm8 =	vne.s32 v56, $0x0;
	vm10 =	vne.s32 v57, $0x0;
	v34 =	vshrl.u32 v61, $0x1A  }
0x61: {  	v55 =	vld [tilespmem:$0x1A80];
	v31 =	vadd.s32 v31, v28;
	v28 =	vsel vm14, $0x1, v4;
	vm15 =	vmand vm1, vm2  }
0x62: {  	v31 =	vshra.s32 v31, $0x6;
	v28 =	vadd.s32 v28, v29;
	v29 =	vsel vm15, $0xFFFFFFFF, v4  }
0x63: {  	vm1 =	vmand vm11, vm10;
	v28 =	vadd.s32 $0x3F, v28;
	v29 =	vadd.s32 v29, v31  }
0x64: {  	v58 =	vld [tilespmem:$0x1A90];
	v31 =	vshrl.u32 v59, $0x1A;
	v53 =	vshra.s32 v28, $0x1F;
	v54 =	vand.u32 $0x3F, v28  }
0x65: {  	vm6 =	vlt.s32 v28, $0x1;
	vm7 =	vne.s32 v54, $0x0;
	v32 =	vshrl.u32 v53, $0x1A  }
0x66: {  	vm12 =	vgt.s32 v29, v55;
	v29 =	vld [tilespmem:$0x1AA0];
	vm0 =	vmand vm6, vm7;
	v28 =	vadd.s32 v32, v28  }
0x67: {  	v60 =	vld [tilespmem:$0x1AB0];
	v30 =	vadd.s32 v31, v30;
	v36 =	vsel vm0, $0xFFFFFFFF, v4;
	v28 =	vshra.s32 v28, $0x6  }
0x68: {  	v30 =	vshra.s32 v30, $0x6;
	vm0 =	vmand vm9, vm8;
	v28 =	vadd.s32 v36, v28  }
0x69: {  	v62 =	vsel vm0, $0xFFFFFFFF, v4;
	vm13 =	vgt.s32 v28, v58;
	v28 =	vadd.s32 v34, v33  }
0x6a: {  	v63 =	vsel vm1, $0xFFFFFFFF, v4;
	v30 =	vadd.s32 v62, v30;
	v28 =	vshra.s32 v28, $0x6  }
0x6b: {  	vm14 =	vgt.s32 v30, v29;
	vm0 =	vmor vm12, vm13;
	v28 =	vadd.s32 v63, v28  }
0x6c: {  	vm0 =	vmor vm0, vm14;
	vm15 =	vgt.s32 v28, v60  }
0x6d: {  	vm0 =	vmor vm0, vm15  }
0x6e: {  	v28 =	vmpcnt.ones.xlane vm0;
	_ =	sdelay $0x1  }
0x6f: {  	(v2sf) =	vpush v28, $0x0;
	_ =	sdelay $0xe  }
0x70: {  	s4 =	spop (v2sf)  }
0x71: {  	p5 =	slt.s32 s4, $0x1  }
.Ltmp2:
0x72: {  	_ = 	snop;
	(pc) =	sbr.rel @!p5 .LBB2_2-.Ltmp2, $4  }
.Ltmp3:
0x73: {  	_ = 	snop;
	(pc) =	sbr.rel @p5 .LBB2_6-.Ltmp3, $4  }
0x74: {  	_ = 	snop  }
0x75: {  	s10 =	simm.s32 $0x0  }
0x76: {  	s5 =	simm.s32 $0x0;
	[smem:$0x0] =	sst s9;
	s4 =	simm.s32 $0x80  }
0x77: {  	_ = 	snop  }
.LBB2_4:
0x78: {  	s10 =	sadd.s32 $0x100, s10  }
0x79: {  	p5 =	sne.s32 s10, $0x800  }
.Ltmp4:
0x7a: {  	_ = 	snop;
	(pc) =	sbr.rel @!p5 .LBB2_5-.Ltmp4, $2  }
0x7b: {  	_ =	sdelay $0x2  }
0x7c: {  	s4 =	sadd.s32 $0x100, s4  }
.LBB2_2:
0x7d: {  	p5 =	sgt.s32 s5, $0x3F  }
.Ltmp5:
0x7e: {  	_ = 	snop;
	(pc) =	sbr.rel @p5 .LBB2_4-.Ltmp5, $1  }
0x7f: {  	_ =	sdelay $0x3  }
0x80: {  	v28 =	vld [tilespmem:s4+$0xFFFFFF80];
	_ =	sdelay $0x2  }
0x81: {  	s6 =	sadd.s32 s10, s11  }
0x82: {  	v29 =	vmov s6  }
0x83: {  	vm1 =	vne.s32 v29, v0;
	vm0 =	veq.s32 v28, $0x0  }
0x84: {  	v28 =	vor.u32 s6, v0;
	vm0 =	vmand vm1, vm0  }
0x85: {  	v29 =	vmpcnt.ones.xlane vm0;
	[tilespmem:s5+$0x1000] =	vst.msk vm0, v28  }
0x86: {  	v28 =	vld [tilespmem:s4+$0xFFFFFF90]  }
0x87: {  	(v2sf) =	vpush v29, $0x0;
	_ =	sdelay $0x3  }
0x88: {  	vm13 =	veq.s32 v28, $0x0  }
0x89: {  	v28 =	vmpcnt.ones.xlane vm13;
	_ =	sdelay $0x1  }
0x8a: {  	(v2sf) =	vpush v28, $0x0;
	_ =	sdelay $0x7  }
0x8b: {  	s8 =	spop (v2sf)  }
0x8c: {  	s25 =	sadd.s32 s5, s8  }
0x8d: {  	s8 =	sadd.s32 $0x10, s6;
	p5 =	slt.s32 s25, $0x40;
	s5 =	smov.u32 s25  }
0x8e: {  	v28 =	vor.u32 s8, v0;
	s5 =	simm.s32 @!p5 $0x40  }
0x8f: {  	[tilespmem:s5+$0x1000] =	vst.msk vm13, v28  }
0x90: {  	v28 =	vld [tilespmem:s4+$0xFFFFFFA0];
	_ =	sdelay $0x1  }
0x91: {  	s8 =	spop (v2sf)  }
0x92: {  	s5 =	sadd.s32 s25, s8  }
0x93: {  	s8 =	sadd.s32 $0x20, s6;
	p5 =	slt.s32 s5, $0x40;
	s25 =	smov.u32 s5  }
0x94: {  	v29 =	vor.u32 s8, v0;
	vm14 =	veq.s32 v28, $0x0;
	s25 =	simm.s32 @!p5 $0x40  }
0x95: {  	v28 =	vmpcnt.ones.xlane vm14;
	[tilespmem:s25+$0x1000] =	vst.msk vm14, v29  }
0x96: {  	v29 =	vld [tilespmem:s4+$0xFFFFFFB0]  }
0x97: {  	(v2sf) =	vpush v28, $0x0;
	_ =	sdelay $0x3  }
0x98: {  	vm15 =	veq.s32 v29, $0x0  }
0x99: {  	v28 =	vmpcnt.ones.xlane vm15;
	_ =	sdelay $0x1  }
0x9a: {  	(v2sf) =	vpush v28, $0x0;
	_ =	sdelay $0x7  }
0x9b: {  	s25 =	spop (v2sf)  }
0x9c: {  	s5 =	sadd.s32 s5, s25  }
0x9d: {  	s8 =	sadd.s32 $0x30, s6;
	p5 =	slt.s32 s5, $0x40;
	s25 =	smov.u32 s5  }
0x9e: {  	v28 =	vor.u32 s8, v0;
	s25 =	simm.s32 @!p5 $0x40  }
0x9f: {  	[tilespmem:s25+$0x1000] =	vst.msk vm15, v28  }
0xa0: {  	v28 =	vld [tilespmem:s4+$0xFFFFFFC0];
	_ =	sdelay $0x1  }
0xa1: {  	s25 =	spop (v2sf)  }
0xa2: {  	s5 =	sadd.s32 s5, s25  }
0xa3: {  	s8 =	sadd.s32 $0x40, s6;
	p5 =	slt.s32 s5, $0x40;
	s25 =	smov.u32 s5  }
0xa4: {  	v29 =	vor.u32 s8, v0;
	vm4 =	veq.s32 v28, $0x0;
	s25 =	simm.s32 @!p5 $0x40  }
0xa5: {  	v28 =	vmpcnt.ones.xlane vm4;
	[tilespmem:s25+$0x1000] =	vst.msk vm4, v29  }
0xa6: {  	v29 =	vld [tilespmem:s4+$0xFFFFFFD0]  }
0xa7: {  	(v2sf) =	vpush v28, $0x0;
	_ =	sdelay $0x3  }
0xa8: {  	vm5 =	veq.s32 v29, $0x0  }
0xa9: {  	v28 =	vmpcnt.ones.xlane vm5;
	_ =	sdelay $0x1  }
0xaa: {  	(v2sf) =	vpush v28, $0x0;
	_ =	sdelay $0x7  }
0xab: {  	s25 =	spop (v2sf)  }
0xac: {  	s5 =	sadd.s32 s5, s25  }
0xad: {  	s8 =	sadd.s32 $0x50, s6;
	p5 =	slt.s32 s5, $0x40;
	s25 =	smov.u32 s5  }
0xae: {  	v28 =	vor.u32 s8, v0;
	s25 =	simm.s32 @!p5 $0x40  }
0xaf: {  	[tilespmem:s25+$0x1000] =	vst.msk vm5, v28  }
0xb0: {  	v28 =	vld [tilespmem:s4+$0xFFFFFFE0];
	_ =	sdelay $0x1  }
0xb1: {  	s25 =	spop (v2sf)  }
0xb2: {  	s5 =	sadd.s32 s5, s25  }
0xb3: {  	s8 =	sadd.s32 $0x60, s6;
	p5 =	slt.s32 s5, $0x40;
	s25 =	smov.u32 s5  }
0xb4: {  	v29 =	vor.u32 s8, v0;
	vm6 =	veq.s32 v28, $0x0;
	s25 =	simm.s32 @!p5 $0x40  }
0xb5: {  	v28 =	vmpcnt.ones.xlane vm6;
	[tilespmem:s25+$0x1000] =	vst.msk vm6, v29  }
0xb6: {  	v29 =	vld [tilespmem:s4+$0xFFFFFFF0]  }
0xb7: {  	(v2sf) =	vpush v28, $0x0;
	_ =	sdelay $0x3  }
0xb8: {  	vm7 =	veq.s32 v29, $0x0  }
0xb9: {  	v28 =	vmpcnt.ones.xlane vm7;
	_ =	sdelay $0x1  }
0xba: {  	(v2sf) =	vpush v28, $0x0;
	_ =	sdelay $0x7  }
0xbb: {  	s25 =	spop (v2sf)  }
0xbc: {  	s5 =	sadd.s32 s5, s25  }
0xbd: {  	s8 =	sadd.s32 $0x70, s6;
	p5 =	slt.s32 s5, $0x40;
	s25 =	smov.u32 s5  }
0xbe: {  	v28 =	vor.u32 s8, v0;
	s25 =	simm.s32 @!p5 $0x40  }
0xbf: {  	[tilespmem:s25+$0x1000] =	vst.msk vm7, v28  }
0xc0: {  	v28 =	vld [tilespmem:s4+$0x0];
	_ =	sdelay $0x1  }
0xc1: {  	s25 =	spop (v2sf)  }
0xc2: {  	s5 =	sadd.s32 s5, s25  }
0xc3: {  	s8 =	sadd.s32 $0x80, s6;
	p5 =	slt.s32 s5, $0x40;
	s25 =	smov.u32 s5  }
0xc4: {  	v29 =	vor.u32 s8, v0;
	vm8 =	veq.s32 v28, $0x0;
	s25 =	simm.s32 @!p5 $0x40  }
0xc5: {  	v28 =	vmpcnt.ones.xlane vm8;
	[tilespmem:s25+$0x1000] =	vst.msk vm8, v29  }
0xc6: {  	v29 =	vld [tilespmem:s4+$0x10]  }
0xc7: {  	(v2sf) =	vpush v28, $0x0;
	_ =	sdelay $0x3  }
0xc8: {  	vm9 =	veq.s32 v29, $0x0  }
0xc9: {  	v28 =	vmpcnt.ones.xlane vm9;
	_ =	sdelay $0x1  }
0xca: {  	(v2sf) =	vpush v28, $0x0;
	_ =	sdelay $0x7  }
0xcb: {  	s25 =	spop (v2sf)  }
0xcc: {  	s5 =	sadd.s32 s5, s25  }
0xcd: {  	s8 =	sadd.s32 $0x90, s6;
	p5 =	slt.s32 s5, $0x40;
	s25 =	smov.u32 s5  }
0xce: {  	v28 =	vor.u32 s8, v0;
	s25 =	simm.s32 @!p5 $0x40  }
0xcf: {  	[tilespmem:s25+$0x1000] =	vst.msk vm9, v28  }
0xd0: {  	v28 =	vld [tilespmem:s4+$0x20];
	_ =	sdelay $0x1  }
0xd1: {  	s25 =	spop (v2sf)  }
0xd2: {  	s5 =	sadd.s32 s5, s25  }
0xd3: {  	s8 =	sadd.s32 $0xA0, s6;
	p5 =	slt.s32 s5, $0x40;
	s25 =	smov.u32 s5  }
0xd4: {  	v29 =	vor.u32 s8, v0;
	vm10 =	veq.s32 v28, $0x0;
	s25 =	simm.s32 @!p5 $0x40  }
0xd5: {  	v28 =	vmpcnt.ones.xlane vm10;
	[tilespmem:s25+$0x1000] =	vst.msk vm10, v29  }
0xd6: {  	v29 =	vld [tilespmem:s4+$0x30]  }
0xd7: {  	(v2sf) =	vpush v28, $0x0;
	_ =	sdelay $0x3  }
0xd8: {  	vm11 =	veq.s32 v29, $0x0  }
0xd9: {  	v28 =	vmpcnt.ones.xlane vm11;
	_ =	sdelay $0x1  }
0xda: {  	(v2sf) =	vpush v28, $0x0;
	_ =	sdelay $0x7  }
0xdb: {  	s25 =	spop (v2sf)  }
0xdc: {  	s5 =	sadd.s32 s5, s25  }
0xdd: {  	s8 =	sadd.s32 $0xB0, s6;
	p5 =	slt.s32 s5, $0x40;
	s25 =	smov.u32 s5  }
0xde: {  	v28 =	vor.u32 s8, v0;
	s25 =	simm.s32 @!p5 $0x40  }
0xdf: {  	[tilespmem:s25+$0x1000] =	vst.msk vm11, v28  }
0xe0: {  	v28 =	vld [tilespmem:s4+$0x40];
	_ =	sdelay $0x1  }
0xe1: {  	s25 =	spop (v2sf)  }
0xe2: {  	s5 =	sadd.s32 s5, s25  }
0xe3: {  	s8 =	sadd.s32 $0xC0, s6;
	p5 =	slt.s32 s5, $0x40;
	s25 =	smov.u32 s5  }
0xe4: {  	v29 =	vor.u32 s8, v0;
	vm12 =	veq.s32 v28, $0x0;
	s25 =	simm.s32 @!p5 $0x40  }
0xe5: {  	v28 =	vmpcnt.ones.xlane vm12;
	[tilespmem:s25+$0x1000] =	vst.msk vm12, v29  }
0xe6: {  	v29 =	vld [tilespmem:s4+$0x50]  }
0xe7: {  	(v2sf) =	vpush v28, $0x0;
	_ =	sdelay $0x3  }
0xe8: {  	vm13 =	veq.s32 v29, $0x0  }
0xe9: {  	v28 =	vmpcnt.ones.xlane vm13;
	_ =	sdelay $0x1  }
0xea: {  	(v2sf) =	vpush v28, $0x0;
	_ =	sdelay $0x7  }
0xeb: {  	s25 =	spop (v2sf)  }
0xec: {  	s5 =	sadd.s32 s5, s25  }
0xed: {  	s8 =	sadd.s32 $0xD0, s6;
	p5 =	slt.s32 s5, $0x40;
	s25 =	smov.u32 s5  }
0xee: {  	v28 =	vor.u32 s8, v0;
	s25 =	simm.s32 @!p5 $0x40  }
0xef: {  	[tilespmem:s25+$0x1000] =	vst.msk vm13, v28  }
0xf0: {  	v28 =	vld [tilespmem:s4+$0x60];
	_ =	sdelay $0x1  }
0xf1: {  	s25 =	spop (v2sf)  }
0xf2: {  	s5 =	sadd.s32 s5, s25  }
0xf3: {  	s8 =	sadd.s32 $0xE0, s6;
	p5 =	slt.s32 s5, $0x40;
	s25 =	smov.u32 s5  }
0xf4: {  	v29 =	vor.u32 s8, v0;
	vm14 =	veq.s32 v28, $0x0;
	s25 =	simm.s32 @!p5 $0x40  }
0xf5: {  	[tilespmem:s25+$0x1000] =	vst.msk vm14, v29  }
0xf6: {  	v28 =	vld [tilespmem:s4+$0x70];
	_ =	sdelay $0x3  }
0xf7: {  	v29 =	vmpcnt.ones.xlane vm14  }
0xf8: {  	vm15 =	veq.s32 v28, $0x0  }
0xf9: {  	(v2sf) =	vpush v29, $0x0;
	v28 =	vmpcnt.ones.xlane vm15;
	_ =	sdelay $0x1  }
0xfa: {  	(v2sf) =	vpush v28, $0x0;
	_ =	sdelay $0xc  }
.Ltmp6:
0xfb: {  	s25 =	spop (v2sf);
	(pc) =	sbr.rel .LBB2_4-.Ltmp6, $4  }
0xfc: {  	s6 =	sadd.s32 $0xF0, s6;
	s5 =	sadd.s32 s5, s25  }
0xfd: {  	p5 =	slt.s32 s5, $0x40;
	s8 =	smov.u32 s5;
	s25 =	spop (v2sf)  }
0xfe: {  	v28 =	vor.u32 s6, v0;
	s8 =	simm.s32 @!p5 $0x40;
	s5 =	sadd.s32 s5, s25  }
0xff: {  	[tilespmem:s8+$0x1000] =	vst.msk vm15, v28;
	[smem:$0x0] =	sst s5  }
.LBB2_5:
0x100: {  	v28 =	vmov s5  }
0x101: {  	s4 =	simm.s32 $0x1000;
	[tilespmem:$0x1040] =	vst v28  }
0x102: {  	[spmem:s14] =	stream.linear.scatter [tilespmem:s4], [sflag:$0x2], $0x80, $0x38;
	[tilespmem:$0x2100] =	vst v63  }
0x103: {  	_ =	swait.ge [sflag:s26], $0x80  }
0x104: {  	[sflag:s26] =	ssyncset.done $0x0  }
0x105: {  	[sflag:s26] =	ssyncadd.s32 $0xFFFFFF80  }
0x106: {  	[bflag:$0x0] =	sbarrier.arrive $0xFFFF  }
0x107: {  	s25 =	rddreg [dreg:$0xb]  }
0x108: {  	[tilespmem:s28], [sflag:$0x2] =	stream.linear.gather [spmem:s25], $0x800, $0x38;
	[tilespmem:$0x2100] =	vst v63  }
0x109: {  	_ =	swait.ge [sflag:s26], $0x800  }
0x10a: {  	[sflag:s26] =	ssyncset.done $0x0  }
0x10b: {  	[sflag:s26] =	ssyncadd.s32 $0xFFFFF800  }
0x10c: {  	v28 =	vld.idx.msk [tilespmem:v5+s28+$0x0], $0xffff;
	_ =	sdelay $0x4  }
0x10d: {  	(xrf0) =	vadd.scan.msk.s32 $0xffff, v28;
	_ =	sdelay $0x5  }
0x10e: {  	v29, _, _ =	vpop (xrf0)  }
0x10f: {  	v28 =	vsub.s32 v29, v28;
	[tilespmem:$0x1900] =	vst v29  }
0x110: {  	[tilespmem:$0x1880] =	vst v28  }
0x111: {  	v28 =	vld.msk [tilespmem:s30+$0x0], $0xffff  }
0x112: {  	v29 =	vld.idx.msk [tilespmem:v8+s30+$0x0], $0xffff  }
0x113: {  	v30 =	vld.idx.msk [tilespmem:v9+s30+$0x0], $0xffff  }
0x114: {  	v31 =	vld.idx.msk [tilespmem:v10+s30+$0x0], $0xffff  }
0x115: {  	v32 =	vld.idx.msk [tilespmem:v11+s30+$0x0], $0xffff  }
0x116: {  	v33 =	vld.idx.msk [tilespmem:v12+s30+$0x0], $0xffff;
	vm0 =	vlt.s32 v28, v7  }
0x117: {  	v34 =	vld.idx.msk [tilespmem:v13+s30+$0x0], $0xffff;
	vm9 =	vlt.s32 v29, v7;
	v28 =	vnsel vm0, $0x0, v28  }
0x118: {  	vm1 =	vlt.s32 v30, v7;
	v28 =	vsel vm9, v29, v28;
	v29 =	vld.idx.msk [tilespmem:v14+s30+$0x0], $0xffff  }
0x119: {  	v54 =	vld.idx.msk [tilespmem:v15+s30+$0x0], $0xffff;
	vm2 =	vlt.s32 v31, v7;
	v28 =	vsel vm1, v30, v28  }
0x11a: {  	v55 =	vld.idx.msk [tilespmem:v16+s30+$0x0], $0xffff;
	vm3 =	vlt.s32 v32, v7;
	v28 =	vsel vm2, v31, v28  }
0x11b: {  	v56 =	vld.idx.msk [tilespmem:v17+s30+$0x0], $0xffff;
	vm4 =	vlt.s32 v33, v7;
	v28 =	vsel vm3, v32, v28  }
0x11c: {  	v57 =	vld.idx.msk [tilespmem:v18+s30+$0x0], $0xffff;
	vm5 =	vlt.s32 v34, v7;
	v35 =	vsel vm9, $0x80, v4;
	v28 =	vsel vm4, v33, v28  }
0x11d: {  	v58 =	vld.idx.msk [tilespmem:v19+s30+$0x0], $0xffff;
	v35 =	vsel vm1, $0x100, v35;
	v28 =	vsel vm5, v34, v28;
	vm10 =	vlt.s32 v29, v7  }
0x11e: {  	vm11 =	vlt.s32 v54, v7;
	v35 =	vsel vm2, $0x180, v35;
	v28 =	vsel vm10, v29, v28;
	v29 =	vld.idx.msk [tilespmem:v20+s30+$0x0], $0xffff  }
0x11f: {  	v59 =	vld.idx.msk [tilespmem:v21+s30+$0x0], $0xffff;
	vm12 =	vlt.s32 v55, v7;
	v35 =	vsel vm3, $0x200, v35;
	v28 =	vsel vm11, v54, v28  }
0x120: {  	v60 =	vld.idx.msk [tilespmem:v6+s30+$0x0], $0xffff;
	vm13 =	vlt.s32 v56, v7;
	v35 =	vsel vm4, $0x280, v35;
	v28 =	vsel vm12, v55, v28  }
0x121: {  	vm14 =	vlt.s32 v57, v7;
	v61 =	vsel vm5, $0x300, v35;
	v28 =	vsel vm13, v56, v28  }
0x122: {  	vm15 =	vlt.s32 v58, v7;
	v32 =	vsel vm10, $0x380, v61;
	v28 =	vsel vm14, v57, v28  }
0x123: {  	v32 =	vsel vm11, $0x400, v32;
	v28 =	vsel vm15, v58, v28;
	vm6 =	vlt.s32 v29, v7  }
0x124: {  	vm7 =	vlt.s32 v59, v7;
	v32 =	vsel vm12, $0x480, v32;
	v29 =	vsel vm6, v29, v28  }
0x125: {  	vm8 =	vlt.s32 v60, v7;
	v62 =	vsel vm13, $0x500, v32;
	v28 =	vld.idx.msk [tilespmem:v6+s29+$0x0], $0xffff;
	v29 =	vsel vm7, v59, v29  }
0x126: {  	v30 =	vsel vm14, $0x580, v62;
	v29 =	vsel vm8, v60, v29  }
0x127: {  	v30 =	vsel vm15, $0x600, v30;
	v29 =	vsub.s32 v0, v29  }
0x128: {  	v30 =	vsel vm6, $0x680, v30;
	vm9 =	vgt.s32 v29, $0x0  }
0x129: {  	v30 =	vsel vm7, $0x700, v30;
	v29 =	vnsel vm9, $0x0, v29  }
0x12a: {  	v30 =	vsel vm8, $0x780, v30;
	vm10 =	vgt.s32 v28, v0;
	v29 =	vmin.u32 v29, $0x3F  }
0x12b: {  	v29 =	vadd.s32 v30, v29;
	_ =	sdelay $0x4  }
0x12c: {  	v29 =	vld.idx.msk [tilespmem:v29+s28+$0x0], vm10;
	_ =	sdelay $0x4  }
0x12d: {  	v29 =	vnsel vm10, $0x0, v29  }
0x12e: {  	[tilespmem:$0x1980] =	vst v29  }
0x12f: {  	v29 =	vld.msk [tilespmem:s30+$0x0], $0xffff  }
0x130: {  	v63 =	vld.idx.msk [tilespmem:v8+s30+$0x0], $0xffff  }
0x131: {  	v36 =	vld.idx.msk [tilespmem:v9+s30+$0x0], $0xffff  }
0x132: {  	v37 =	vld.idx.msk [tilespmem:v10+s30+$0x0], $0xffff  }
0x133: {  	v38 =	vld.idx.msk [tilespmem:v11+s30+$0x0], $0xffff  }
0x134: {  	v39 =	vld.idx.msk [tilespmem:v12+s30+$0x0], $0xffff;
	vm11 =	vlt.s32 v29, v22  }
0x135: {  	v40 =	vld.idx.msk [tilespmem:v13+s30+$0x0], $0xffff;
	vm12 =	vlt.s32 v63, v22;
	v29 =	vnsel vm11, $0x0, v29  }
0x136: {  	v41 =	vld.idx.msk [tilespmem:v14+s30+$0x0], $0xffff;
	vm13 =	vlt.s32 v36, v22;
	v29 =	vsel vm12, v63, v29  }
0x137: {  	v42 =	vld.idx.msk [tilespmem:v15+s30+$0x0], $0xffff;
	vm14 =	vlt.s32 v37, v22;
	v29 =	vsel vm13, v36, v29  }
0x138: {  	v43 =	vld.idx.msk [tilespmem:v16+s30+$0x0], $0xffff;
	vm15 =	vlt.s32 v38, v22;
	v29 =	vsel vm14, v37, v29  }
0x139: {  	v44 =	vld.idx.msk [tilespmem:v17+s30+$0x0], $0xffff;
	vm8 =	vlt.s32 v39, v22;
	v29 =	vsel vm15, v38, v29  }
0x13a: {  	v45 =	vld.idx.msk [tilespmem:v18+s30+$0x0], $0xffff;
	vm9 =	vlt.s32 v40, v22;
	v36 =	vsel vm12, $0x80, v4;
	v29 =	vsel vm8, v39, v29  }
0x13b: {  	v46 =	vld.idx.msk [tilespmem:v19+s30+$0x0], $0xffff;
	vm10 =	vlt.s32 v41, v22;
	v36 =	vsel vm13, $0x100, v36;
	v29 =	vsel vm9, v40, v29  }
0x13c: {  	v47 =	vld.idx.msk [tilespmem:v20+s30+$0x0], $0xffff;
	vm11 =	vlt.s32 v42, v22;
	v36 =	vsel vm14, $0x180, v36;
	v29 =	vsel vm10, v41, v29  }
0x13d: {  	v48 =	vld.idx.msk [tilespmem:v21+s30+$0x0], $0xffff;
	vm12 =	vlt.s32 v43, v22;
	v36 =	vsel vm15, $0x200, v36;
	v29 =	vsel vm11, v42, v29  }
0x13e: {  	v49 =	vld.idx.msk [tilespmem:v6+s30+$0x0], $0xffff;
	vm13 =	vlt.s32 v44, v22;
	v36 =	vsel vm8, $0x280, v36;
	v29 =	vsel vm12, v43, v29  }
0x13f: {  	vm14 =	vlt.s32 v45, v22;
	v50 =	vsel vm9, $0x300, v36;
	v29 =	vsel vm13, v44, v29  }
0x140: {  	vm15 =	vlt.s32 v46, v22;
	v33 =	vsel vm10, $0x380, v50;
	v29 =	vsel vm14, v45, v29  }
0x141: {  	vm7 =	vlt.s32 v47, v22;
	v33 =	vsel vm11, $0x400, v33;
	v29 =	vsel vm15, v46, v29  }
0x142: {  	vm8 =	vlt.s32 v48, v22;
	v51 =	vsel vm12, $0x480, v33;
	v29 =	vsel vm7, v47, v29  }
0x143: {  	vm9 =	vlt.s32 v49, v22;
	v30 =	vsel vm13, $0x500, v51;
	v29 =	vsel vm8, v48, v29  }
0x144: {  	v30 =	vsel vm14, $0x580, v30;
	v29 =	vsel vm9, v49, v29  }
0x145: {  	v30 =	vsel vm15, $0x600, v30;
	v29 =	vsub.s32 v23, v29  }
0x146: {  	v30 =	vsel vm7, $0x680, v30;
	vm10 =	vgt.s32 v29, $0x0  }
0x147: {  	v30 =	vsel vm8, $0x700, v30;
	v29 =	vnsel vm10, $0x0, v29  }
0x148: {  	vm11 =	vgt.s32 v28, v23;
	v30 =	vsel vm9, $0x780, v30;
	v29 =	vmin.u32 v29, $0x3F  }
0x149: {  	v29 =	vadd.s32 v30, v29;
	_ =	sdelay $0x4  }
0x14a: {  	v29 =	vld.idx.msk [tilespmem:v29+s28+$0x0], vm11;
	_ =	sdelay $0x4  }
0x14b: {  	v29 =	vnsel vm11, $0x0, v29  }
0x14c: {  	[tilespmem:$0x1990] =	vst v29  }
0x14d: {  	v29 =	vld.msk [tilespmem:s30+$0x0], $0xffff  }
0x14e: {  	v52 =	vld.idx.msk [tilespmem:v8+s30+$0x0], $0xffff  }
0x14f: {  	v53 =	vld.idx.msk [tilespmem:v9+s30+$0x0], $0xffff  }
0x150: {  	v54 =	vld.idx.msk [tilespmem:v10+s30+$0x0], $0xffff  }
0x151: {  	v55 =	vld.idx.msk [tilespmem:v11+s30+$0x0], $0xffff  }
0x152: {  	v56 =	vld.idx.msk [tilespmem:v12+s30+$0x0], $0xffff;
	vm12 =	vlt.s32 v29, v24  }
0x153: {  	v57 =	vld.idx.msk [tilespmem:v13+s30+$0x0], $0xffff;
	vm13 =	vlt.s32 v52, v24;
	v29 =	vnsel vm12, $0x0, v29  }
0x154: {  	v58 =	vld.idx.msk [tilespmem:v14+s30+$0x0], $0xffff;
	vm14 =	vlt.s32 v53, v24;
	v29 =	vsel vm13, v52, v29  }
0x155: {  	v59 =	vld.idx.msk [tilespmem:v15+s30+$0x0], $0xffff;
	vm15 =	vlt.s32 v54, v24;
	v29 =	vsel vm14, v53, v29  }
0x156: {  	v60 =	vld.idx.msk [tilespmem:v16+s30+$0x0], $0xffff;
	vm8 =	vlt.s32 v55, v24;
	v29 =	vsel vm15, v54, v29  }
0x157: {  	v61 =	vld.idx.msk [tilespmem:v17+s30+$0x0], $0xffff;
	vm9 =	vlt.s32 v56, v24;
	v29 =	vsel vm8, v55, v29  }
0x158: {  	v62 =	vld.idx.msk [tilespmem:v18+s30+$0x0], $0xffff;
	vm10 =	vlt.s32 v57, v24;
	v63 =	vsel vm13, $0x80, v4;
	v29 =	vsel vm9, v56, v29  }
0x159: {  	v40 =	vld.idx.msk [tilespmem:v19+s30+$0x0], $0xffff;
	vm11 =	vlt.s32 v58, v24;
	v36 =	vsel vm14, $0x100, v63;
	v29 =	vsel vm10, v57, v29  }
0x15a: {  	v41 =	vld.idx.msk [tilespmem:v20+s30+$0x0], $0xffff;
	vm12 =	vlt.s32 v59, v24;
	v36 =	vsel vm15, $0x180, v36;
	v29 =	vsel vm11, v58, v29  }
0x15b: {  	v42 =	vld.idx.msk [tilespmem:v21+s30+$0x0], $0xffff;
	vm13 =	vlt.s32 v60, v24;
	v36 =	vsel vm8, $0x200, v36;
	v29 =	vsel vm12, v59, v29  }
0x15c: {  	v43 =	vld.idx.msk [tilespmem:v6+s30+$0x0], $0xffff;
	vm14 =	vlt.s32 v61, v24;
	v36 =	vsel vm9, $0x280, v36;
	v29 =	vsel vm13, v60, v29  }
0x15d: {  	vm15 =	vlt.s32 v62, v24;
	v44 =	vsel vm10, $0x300, v36;
	v29 =	vsel vm14, v61, v29  }
0x15e: {  	vm8 =	vlt.s32 v40, v24;
	v33 =	vsel vm11, $0x380, v44;
	v29 =	vsel vm15, v62, v29  }
0x15f: {  	vm9 =	vlt.s32 v41, v24;
	v33 =	vsel vm12, $0x400, v33;
	v29 =	vsel vm8, v40, v29  }
0x160: {  	vm10 =	vlt.s32 v42, v24;
	v45 =	vsel vm13, $0x480, v33;
	v29 =	vsel vm9, v41, v29  }
0x161: {  	vm11 =	vlt.s32 v43, v24;
	v30 =	vsel vm14, $0x500, v45;
	v29 =	vsel vm10, v42, v29  }
0x162: {  	v30 =	vsel vm15, $0x580, v30;
	v29 =	vsel vm11, v43, v29  }
0x163: {  	v30 =	vsel vm8, $0x600, v30;
	v29 =	vsub.s32 v25, v29  }
0x164: {  	v30 =	vsel vm9, $0x680, v30;
	vm12 =	vgt.s32 v29, $0x0  }
0x165: {  	v30 =	vsel vm10, $0x700, v30;
	v29 =	vnsel vm12, $0x0, v29  }
0x166: {  	vm13 =	vgt.s32 v28, v25;
	v30 =	vsel vm11, $0x780, v30;
	v29 =	vmin.u32 v29, $0x3F  }
0x167: {  	v29 =	vadd.s32 v30, v29;
	_ =	sdelay $0x4  }
0x168: {  	v29 =	vld.idx.msk [tilespmem:v29+s28+$0x0], vm13;
	_ =	sdelay $0x4  }
0x169: {  	v29 =	vnsel vm13, $0x0, v29  }
0x16a: {  	[tilespmem:$0x19A0] =	vst v29  }
0x16b: {  	v29 =	vld.msk [tilespmem:s30+$0x0], $0xffff  }
0x16c: {  	v46 =	vld.idx.msk [tilespmem:v8+s30+$0x0], $0xffff  }
0x16d: {  	v47 =	vld.idx.msk [tilespmem:v9+s30+$0x0], $0xffff  }
0x16e: {  	v48 =	vld.idx.msk [tilespmem:v10+s30+$0x0], $0xffff  }
0x16f: {  	v49 =	vld.idx.msk [tilespmem:v11+s30+$0x0], $0xffff  }
0x170: {  	v50 =	vld.idx.msk [tilespmem:v12+s30+$0x0], $0xffff;
	vm14 =	vlt.s32 v29, v26  }
0x171: {  	v51 =	vld.idx.msk [tilespmem:v13+s30+$0x0], $0xffff;
	vm15 =	vlt.s32 v46, v26;
	v29 =	vnsel vm14, $0x0, v29  }
0x172: {  	v52 =	vld.idx.msk [tilespmem:v14+s30+$0x0], $0xffff;
	vm8 =	vlt.s32 v47, v26;
	v29 =	vsel vm15, v46, v29  }
0x173: {  	v53 =	vld.idx.msk [tilespmem:v15+s30+$0x0], $0xffff;
	vm9 =	vlt.s32 v48, v26;
	v29 =	vsel vm8, v47, v29  }
0x174: {  	v54 =	vld.idx.msk [tilespmem:v16+s30+$0x0], $0xffff;
	vm10 =	vlt.s32 v49, v26;
	v29 =	vsel vm9, v48, v29  }
0x175: {  	v55 =	vld.idx.msk [tilespmem:v17+s30+$0x0], $0xffff;
	vm11 =	vlt.s32 v50, v26;
	v29 =	vsel vm10, v49, v29  }
0x176: {  	v56 =	vld.idx.msk [tilespmem:v18+s30+$0x0], $0xffff;
	vm12 =	vlt.s32 v51, v26;
	v57 =	vsel vm15, $0x80, v4;
	v29 =	vsel vm11, v50, v29  }
0x177: {  	v58 =	vld.idx.msk [tilespmem:v19+s30+$0x0], $0xffff;
	vm13 =	vlt.s32 v52, v26;
	v36 =	vsel vm8, $0x100, v57;
	v29 =	vsel vm12, v51, v29  }
0x178: {  	v59 =	vld.idx.msk [tilespmem:v20+s30+$0x0], $0xffff;
	vm14 =	vlt.s32 v53, v26;
	v36 =	vsel vm9, $0x180, v36;
	v29 =	vsel vm13, v52, v29  }
0x179: {  	v60 =	vld.idx.msk [tilespmem:v21+s30+$0x0], $0xffff;
	vm15 =	vlt.s32 v54, v26;
	v36 =	vsel vm10, $0x200, v36;
	v29 =	vsel vm14, v53, v29  }
0x17a: {  	v61 =	vld.idx.msk [tilespmem:v6+s30+$0x0], $0xffff;
	vm8 =	vlt.s32 v55, v26;
	v36 =	vsel vm11, $0x280, v36;
	v29 =	vsel vm15, v54, v29  }
0x17b: {  	vm9 =	vlt.s32 v56, v26;
	v62 =	vsel vm12, $0x300, v36;
	v29 =	vsel vm8, v55, v29  }
0x17c: {  	vm10 =	vlt.s32 v58, v26;
	v33 =	vsel vm13, $0x380, v62;
	v29 =	vsel vm9, v56, v29  }
0x17d: {  	vm11 =	vlt.s32 v59, v26;
	v33 =	vsel vm14, $0x400, v33;
	v29 =	vsel vm10, v58, v29  }
0x17e: {  	vm12 =	vlt.s32 v60, v26;
	v63 =	vsel vm15, $0x480, v33;
	v29 =	vsel vm11, v59, v29  }
0x17f: {  	vm13 =	vlt.s32 v61, v26;
	v30 =	vsel vm8, $0x500, v63;
	v29 =	vsel vm12, v60, v29  }
0x180: {  	v30 =	vsel vm9, $0x580, v30;
	v29 =	vsel vm13, v61, v29  }
0x181: {  	v30 =	vsel vm10, $0x600, v30;
	v29 =	vsub.s32 v27, v29  }
0x182: {  	v30 =	vsel vm11, $0x680, v30;
	vm14 =	vgt.s32 v29, $0x0  }
0x183: {  	v30 =	vsel vm12, $0x700, v30;
	v29 =	vnsel vm14, $0x0, v29  }
0x184: {  	vm15 =	vgt.s32 v28, v27;
	v28 =	vsel vm13, $0x780, v30;
	v29 =	vmin.u32 v29, $0x3F  }
0x185: {  	v28 =	vadd.s32 v28, v29;
	_ =	sdelay $0x4  }
0x186: {  	v28 =	vld.idx.msk [tilespmem:v28+s28+$0x0], vm15;
	_ =	sdelay $0x4  }
0x187: {  	v28 =	vnsel vm15, $0x0, v28  }
0x188: {  	[tilespmem:$0x19B0] =	vst v28  }
0x189: {  	[bflag:$0x0] =	sbarrier.arrive $0xFFFF  }
.LBB2_6:
0x18a: {  	v29 =	vld [tilespmem:$0x1B00];
	_ =	sdelay $0x1  }
0x18b: {  	v28 =	vld [tilespmem:$0x1A00];
	_ =	sdelay $0x2  }
0x18c: {  	v30 =	vld [tilespmem:$0x1B10];
	vm0 =	vne.s32 v29, $0xFFFFFFFF  }
0x18d: {  	v31 =	vsel vm0, $0x1, v4  }
0x18e: {  	v31 =	vadd.s32 v31, v28;
	v28 =	vld [tilespmem:$0x1A10];
	_ =	sdelay $0x2  }
0x18f: {  	vm0 =	vne.s32 v30, $0xFFFFFFFF;
	v32 =	vadd.s32 $0x3F, v31  }
0x190: {  	v34 =	vsel vm0, $0x1, v4;
	v33 =	vshra.s32 v32, $0x1F;
	v35 =	vand.u32 $0x3F, v32  }
0x191: {  	vm0 =	vlt.s32 v32, $0x1;
	v33 =	vshrl.u32 v33, $0x1A;
	v34 =	vadd.s32 v34, v28  }
0x192: {  	vm1 =	vne.s32 v35, $0x0;
	v33 =	vadd.s32 v33, v32;
	v28 =	vld [tilespmem:$0x1A80];
	v56 =	vadd.s32 $0x3F, v34  }
0x193: {  	vm0 =	vmand vm0, vm1;
	v33 =	vshra.s32 v33, $0x6;
	v37 =	vshra.s32 v56, $0x1F  }
0x194: {  	v36 =	vld [tilespmem:$0x1A90];
	v39 =	vsel vm0, $0xFFFFFFFF, v4;
	v38 =	vand.u32 $0x3F, v56;
	v37 =	vshrl.u32 v37, $0x1A  }
0x195: {  	vm1 =	vlt.s32 v56, $0x1;
	vm2 =	vne.s32 v38, $0x0;
	v32 =	vadd.s32 v37, v56;
	v37 =	vld [tilespmem:$0x1B20]  }
0x196: {  	v33 =	vadd.s32 v39, v33;
	vm0 =	vmand vm1, vm2  }
0x197: {  	v32 =	vshra.s32 v32, $0x6;
	v57 =	vsel vm0, $0xFFFFFFFF, v4;
	vm1 =	vgt.s32 v33, v28;
	v28 =	vld [tilespmem:$0x1A20]  }
0x198: {  	v32 =	vadd.s32 v57, v32  }
0x199: {  	v58 =	vsel vm1, $0x1, v4;
	vm0 =	vgt.s32 v32, v36  }
0x19a: {  	(xrf0) =	vadd.scan.msk.s32 $0xffff, v58;
	v36 =	vsel vm0, $0x1, v4;
	vm2 =	vne.s32 v37, $0xFFFFFFFF  }
0x19b: {  	(xrf0) =	vadd.scan.msk.s32 $0xffff, v36;
	v40 =	vsel vm2, $0x1, v4  }
0x19c: {  	v40 =	vadd.s32 v40, v28  }
0x19d: {  	v28 =	vadd.s32 $0x3F, v40  }
0x19e: {  	v41 =	vld [tilespmem:$0x1AA0];
	v42 =	vshra.s32 v28, $0x1F;
	v43 =	vand.u32 $0x3F, v28  }
0x19f: {  	vm2 =	vlt.s32 v28, $0x1;
	v42 =	vshrl.u32 v42, $0x1A;
	vm3 =	vne.s32 v43, $0x0  }
0x1a0: {  	v44, _, _ =	vpop (xrf0);
	v28 =	vadd.s32 v42, v28;
	vm2 =	vmand vm2, vm3  }
0x1a1: {  	(v2sf) =	vpush v44, $0xF;
	v45, _, _ =	vpop (xrf0);
	v28 =	vshra.s32 v28, $0x6;
	v59 =	vsel vm2, $0xFFFFFFFF, v4  }
0x1a2: {  	(v2sf) =	vpush v45, $0xF;
	v42 =	vadd.s32 v59, v28  }
0x1a3: {  	vm2 =	vgt.s32 v42, v41  }
0x1a4: {  	v44 =	vadd.s32 $0xFFFFFFFF, v44;
	v41 =	vsel vm2, $0x1, v4  }
0x1a5: {  	vm3 =	vgt.s32 v44, $0x0;
	(xrf0) =	vadd.scan.msk.s32 $0xffff, v41  }
0x1a6: {  	v28 =	vnsel vm3, $0x0, v44  }
0x1a7: {  	v28 =	vmin.u32 v28, $0x3F;
	_ =	sdelay $0x1  }
0x1a8: {  	v46 =	vld [tilespmem:$0x1B30]  }
0x1a9: {  	v44 =	vbroadcast v44, $0xF  }
0x1aa: {  	v48 =	vld [tilespmem:$0x1A30];
	v47, _, _ =	vpop (xrf0)  }
0x1ab: {  	v44 =	vadd.s32 v45, v44;
	v28 =	vld.idx.msk [tilespmem:v28+s31+$0x0], vm1;
	(v2sf) =	vpush v47, $0xF  }
0x1ac: {  	vm3 =	vgt.s32 v44, $0x0  }
0x1ad: {  	vm4 =	veq.s32 v31, $0x0;
	[tilespmem:$0x1C80] =	vst v31;
	v31 =	vnsel vm3, $0x0, v44;
	vm3 =	vne.s32 v46, $0xFFFFFFFF  }
0x1ae: {  	v60 =	vsel vm3, $0x1, v4  }
0x1af: {  	v35 =	vsel vm4, $0x0, v35;
	[tilespmem:$0x1D00] =	vst v33;
	v31 =	vmin.u32 v31, $0x3F;
	v33 =	vadd.s32 v60, v48;
	s4 =	spop (v2sf)  }
0x1b0: {  	[tilespmem:$0x1E00] =	vst v35;
	v62 =	vadd.s32 $0x3F, v33;
	v29 =	vsel vm1, v28, v29;
	s5 =	spop (v2sf)  }
0x1b1: {  	v52 =	vand.u32 $0x3F, v62;
	[tilespmem:$0x1D80] =	vst v29;
	v29 =	vnsel vm1, $0x0, v28;
	s4 =	sadd.s32 s4, s5  }
0x1b2: {  	v63 =	vld [tilespmem:$0x1AB0];
	vm3 =	vlt.s32 v62, $0x1;
	[tilespmem:$0x1B80] =	vst v29;
	v29 =	vshra.s32 v62, $0x1F;
	v61 =	vmov s4  }
0x1b3: {  	[tilespmem:$0x1C00] =	vst v58;
	vm4 =	vne.s32 v52, $0x0;
	v29 =	vshrl.u32 v29, $0x1A;
	v35 =	vadd.s32 $0xFFFFFFFF, v61  }
0x1b4: {  	vm3 =	vmand vm3, vm4;
	v53 =	vadd.s32 v29, v62;
	v29 =	vld.idx.msk [tilespmem:v31+s31+$0x0], vm0;
	v31 =	vbroadcast v35, $0x0  }
0x1b5: {  	v55 =	vsel vm3, $0xFFFFFFFF, v4;
	v54 =	vshra.s32 v53, $0x6  }
0x1b6: {  	v35 =	vadd.s32 v55, v54;
	v31 =	vadd.s32 v47, v31  }
0x1b7: {  	[tilespmem:$0x1C90] =	vst v34;
	vm3 =	vgt.s32 v35, v63;
	vm4 =	vgt.s32 v31, $0x0  }
0x1b8: {  	[tilespmem:$0x1D10] =	vst v32;
	v56 =	vsel vm3, $0x1, v4;
	v31 =	vnsel vm4, $0x0, v31  }
0x1b9: {  	v30 =	vsel vm0, v29, v30;
	(xrf0) =	vadd.scan.msk.s32 $0xffff, v56;
	vm4 =	veq.s32 v34, $0x0;
	v31 =	vmin.u32 v31, $0x3F  }
0x1ba: {  	[tilespmem:$0x1D90] =	vst v30;
	v30 =	vsel vm4, $0x0, v38;
	s25 =	spop (v2sf)  }
0x1bb: {  	[tilespmem:$0x1E10] =	vst v30;
	v30 =	vnsel vm0, $0x0, v29;
	s4 =	sadd.s32 s4, s25  }
0x1bc: {  	[tilespmem:$0x1B90] =	vst v30;
	v30 =	vmov s4  }
0x1bd: {  	[tilespmem:$0x1C10] =	vst v36;
	v57 =	vadd.s32 $0xFFFFFFFF, v30  }
0x1be: {  	v30 =	vld.idx.msk [tilespmem:v31+s31+$0x0], vm2;
	v31 =	vbroadcast v57, $0x0  }
0x1bf: {  	v58, _, _ =	vpop (xrf0)  }
0x1c0: {  	v31 =	vadd.s32 v58, v31  }
0x1c1: {  	vm4 =	vgt.s32 v31, $0x0  }
0x1c2: {  	[tilespmem:$0x1CA0] =	vst v40;
	v31 =	vnsel vm4, $0x0, v31  }
0x1c3: {  	[tilespmem:$0x1D20] =	vst v42;
	v31 =	vmin.u32 v31, $0x3F  }
0x1c4: {  	[tilespmem:$0x1C20] =	vst v41;
	v59 =	vsel vm2, v30, v37  }
0x1c5: {  	vm4 =	veq.s32 v40, $0x0;
	v61 =	vnsel vm2, $0x0, v30;
	[tilespmem:$0x1DA0] =	vst v59  }
0x1c6: {  	v60 =	vsel vm4, $0x0, v43;
	[tilespmem:$0x1BA0] =	vst v61  }
0x1c7: {  	[tilespmem:$0x1E20] =	vst v60  }
0x1c8: {  	v31 =	vld.idx.msk [tilespmem:v31+s31+$0x0], vm3;
	_ =	sdelay $0x1  }
0x1c9: {  	[tilespmem:$0x1CB0] =	vst v33  }
.Ltmp7:
0x1ca: {  	vm4 =	veq.s32 v33, $0x0;
	[tilespmem:$0x1D30] =	vst v35;
	(pc) =	sbr.rel @p3 .LBB2_10-.Ltmp7, $4  }
0x1cb: {  	v33 =	vsel vm4, $0x0, v52;
	[tilespmem:$0x1C30] =	vst v56  }
0x1cc: {  	[tilespmem:$0x1E30] =	vst v33;
	v62 =	vsel vm3, v31, v46  }
0x1cd: {  	v63 =	vnsel vm3, $0x0, v31;
	[tilespmem:$0x1DB0] =	vst v62  }
0x1ce: {  	p5 =	por p0, p0;
	[tilespmem:$0x1BB0] =	vst v63  }
0x1cf: {  	v28 =	vnsel vm1, $0xFFFFFFFF, v28  }
0x1d0: {  	v31 =	vnsel vm3, $0xFFFFFFFF, v31;
	v30 =	vnsel vm2, $0xFFFFFFFF, v30;
	v29 =	vnsel vm0, $0xFFFFFFFF, v29  }
0x1d1: {  	vm1 =	vge.s32 v28, v1;
	vm4 =	vlt.s32 v28, v2;
	v28 =	vsub.s32 v28, v1  }
0x1d2: {  	vm7 =	vge.s32 v29, v1;
	vm8 =	vlt.s32 v29, v2;
	v29 =	vsub.s32 v29, v1  }
0x1d3: {  	vm10 =	vge.s32 v30, v1;
	vm11 =	vlt.s32 v30, v2;
	v30 =	vsub.s32 v30, v1  }
0x1d4: {  	vm14 =	vge.s32 v31, v1;
	vm5 =	vlt.s32 v31, v2;
	v31 =	vsub.s32 v31, v1  }
0x1d5: {  	vm6 =	vgt.s32 v28, $0x0;
	vm0 =	vmand vm1, vm4;
	vm1 =	vmand vm7, vm8  }
0x1d6: {  	vm9 =	vgt.s32 v29, $0x0;
	vm12 =	vmand vm10, vm11;
	v28 =	vnsel vm6, $0x0, v28  }
0x1d7: {  	vm13 =	vgt.s32 v30, $0x0;
	v29 =	vnsel vm9, $0x0, v29;
	v28 =	vmin.u32 v28, $0x7FF  }
0x1d8: {  	vm15 =	vgt.s32 v31, $0x0;
	v30 =	vnsel vm13, $0x0, v30;
	v29 =	vmin.u32 v29, $0x7FF  }
0x1d9: {  	vm4 =	vmand vm14, vm5;
	v31 =	vnsel vm15, $0x0, v31;
	v30 =	vmin.u32 v30, $0x7FF  }
0x1da: {  	v31 =	vmin.u32 v31, $0x7FF;
	_ =	sdelay $0x1  }
0x1db: {  	[tilespmem:v28+s9+$0x0] =	vst.idx.msk vm0, v8  }
0x1dc: {  	[tilespmem:v29+s9+$0x0] =	vst.idx.msk vm1, v8  }
0x1dd: {  	[tilespmem:v30+s9+$0x0] =	vst.idx.msk vm12, v8  }
.Ltmp8:
0x1de: {  	[tilespmem:v31+s9+$0x0] =	vst.idx.msk vm4, v8;
	(pc) =	sbr.rel @p1 .LBB2_16-.Ltmp8, $4  }
0x1df: {  	[hbm4b:s15+s9] =	stream.linear.scatter [tilespmem:s9], [sflag:$0x2], $0x800, $0x38;
	[tilespmem:$0x2100] =	vst v63  }
0x1e0: {  	_ =	swait.ge [sflag:s26], $0x800  }
0x1e1: {  	[sflag:s26] =	ssyncset.done $0x0  }
0x1e2: {  	[sflag:s26] =	ssyncadd.s32 $0xFFFFF800  }
.Ltmp9:
0x1e3: {  	(pc) =	sbr.rel @p4 .LBB2_14-.Ltmp9, $1  }
0x1e4: {  	_ =	sdelay $0x3  }
0x1e5: {  	s4 =	rddreg [dreg:$0x7];
	s5 =	simm.s32 $0x1C80  }
0x1e6: {  	[hbm4b:s4+s9] =	stream.linear.scatter [tilespmem:s5], [sflag:$0x2], $0x80, $0x38;
	[tilespmem:$0x2100] =	vst v63  }
0x1e7: {  	_ =	swait.ge [sflag:s26], $0x80  }
0x1e8: {  	[sflag:s26] =	ssyncset.done $0x0  }
0x1e9: {  	p5 =	por $0x1, $0x1;
	[sflag:s26] =	ssyncadd.s32 $0xFFFFFF80  }
.LBB2_10:
0x1ea: {  	p5 =	por !p5, !p2  }
0x1eb: {  	p6 =	por !p5, !p5  }
.Ltmp10:
0x1ec: {  	_ = 	snop;
	(pc) =	sbr.rel @!p6 .LBB2_13-.Ltmp10, $2  }
0x1ed: {  	_ =	sdelay $0x2  }
0x1ee: {  	p5 =	por p1, p1  }
.Ltmp11:
0x1ef: {  	(pc) =	sbr.rel .LBB2_12-.Ltmp11, $3  }
0x1f0: {  	_ =	sdelay $0x1  }
0x1f1: {  	s4 =	rddreg [dreg:$0x9];
	s5 =	simm.s32 $0x1D80;
	p5 =	por p1, p1  }
0x1f2: {  	[hbm4b:s4+s9] =	stream.linear.scatter [tilespmem:s5], [sflag:$0x2], $0x80, $0x38;
	[tilespmem:$0x2100] =	vst v63  }
.LBB2_15:
0x1f3: {  	_ =	sfence.sel $0x180000  }
0x1f4: {  	[bflag:$0x0] =	sbarrier.arrive $0xFFFF  }
0x1f5: {  	_ =	strace $0x90000047  }
0x1f6: {  	s0 =	stileid.u32;
	[bflag:$0x2] =	sbarrier.arrive $0xFFFF  }
0x1f7: {  	p0 =	sne.s32 s0, $0x0;
	s0 =	rddreg [dreg:$0xc]  }
0x1f8: {  	s0 =	sadd.s32 @!p0 $0x100000, s0  }
0x1f9: {  	[sflag:s0] =	ssyncadd.tile.s32 @!p0 $0x1;
	_ =	shalt  }
.Lfunc_end2:
_tile_overlayer_lowered:
.L_overlay_start_2:
0x1fa: {  	(tag) =	ssettag $0x2  }
0x1fb: {  	s0 =	rddreg [dreg:$0x0];
	s2 =	stileid.u32  }
0x1fc: {  	s1 =	rddreg [dreg:$0x1];
	p0 =	sne.s32 s2, $0x0  }
0x1fd: {  	s3 =	rddreg [dreg:$0x2];
	[bflag:$0x3] =	sbarrier.arrive $0xFFFF;
	s2 =	simm.s32 @!p0 $0x1C02  }
0x1fe: {  	[timem:s3], [sflag:s2] =	dma.local @!p0 [hbm:s0], s1  }
0x1ff: {  	s0 =	simm.s32 @!p0 $0x2  }
0x200: {  	_ =	swait.ge @!p0 [sflag:s0], s1  }
0x201: {  	s1 =	ssub.s32 @!p0 $0x0, s1;
	[sflag:s0] =	ssyncset.done @!p0 $0x0  }
0x202: {  	[sflag:s0] =	ssyncadd.s32 @!p0 s1  }
0x203: {  	[bflag:$0x3] =	sbarrier.arrive $0xFFFF  }
0x204: {  	_ =	shalt  }

</sc_bundles>
